<compile_context>
chip_gen: v7x
topology: tpu7x:2x2x1
jax: 0.10.2.dev20260603
libtpu: 0.0.44.dev20260713+nightly
codegen_flags: <defaults>
</compile_context>

<pallas_src>
import jax
import jax.numpy as jnp
from jax import lax
from jax.experimental import pallas as pl
from jax.experimental.pallas import tpu as pltpu
from jax.experimental.pallas import tpu_sc as plsc

_LANES = 128
_NSC = 2
_NSUB = 16
_NW = _NSC * _NSUB


def _cdiv(a, b):
    return (a + b - 1) // b


def _sc_mesh():
    return plsc.VectorSubcoreMesh(core_axis_name="c", subcore_axis_name="s")


def _tc_edge_prep_dst(edge_index, n, n_pad, ep):
    e = edge_index.shape[1]
    blk = 65536
    grid = ep // blk
    trash = n_pad - n

    def body(ei_ref, d_ref):
        gi = pl.program_id(0) * blk + lax.broadcasted_iota(jnp.int32, (blk,), 0)
        d_ref[...] = jnp.where(gi < e, ei_ref[1, :], n + gi % trash)

    return pl.pallas_call(
        body,
        grid=(grid,),
        in_specs=[pl.BlockSpec((2, blk), lambda b: (0, b))],
        out_specs=pl.BlockSpec((blk,), lambda b: (b,)),
        out_shape=jax.ShapeDtypeStruct((ep,), jnp.int32),
    )(edge_index)


def _tc_edge_prep_src(edge_index, n, ep):
    e = edge_index.shape[1]
    blk = 65536
    grid = ep // blk

    def body(ei_ref, s_ref, s2_ref):
        gi = pl.program_id(0) * blk + lax.broadcasted_iota(jnp.int32, (blk,), 0)
        s = jnp.where(gi < e, ei_ref[0, :], gi % n)
        s_ref[...] = s
        s2_ref[...] = 2 * s

    return pl.pallas_call(
        body,
        grid=(grid,),
        in_specs=[pl.BlockSpec((2, blk), lambda b: (0, b))],
        out_specs=[pl.BlockSpec((blk,), lambda b: (b,))] * 2,
        out_shape=[jax.ShapeDtypeStruct((ep,), jnp.int32)] * 2,
    )(edge_index)


def _sc_degree(dst1d, zeros16, ones16, n_pad, nch_w):
    rows_w = n_pad // _NSUB
    ngrp = rows_w // 16
    npair_w = rows_w // 2
    SB = 2 * _LANES
    ew = nch_w * _LANES
    nsb = ew // SB

    def body(dst_hbm, zeros_hbm, ones_hbm, outv_hbm, oute_hbm,
             didx_all, ones_v, cnt_v, deg_v, dege_v, acc, ssem):
        cid = lax.axis_index("c")
        sid = lax.axis_index("s")
        wid = cid * _NSUB + sid
        pltpu.sync_copy(zeros_hbm, acc.at[pl.ds(sid * rows_w, rows_w)])
        pltpu.sync_copy(ones_hbm, ones_v)
        pltpu.sync_copy(dst_hbm.at[pl.ds(wid * ew, ew)], didx_all)
        plsc.subcore_barrier()

        def fire(ci, _):
            pltpu.async_copy(ones_v, acc.at[didx_all.at[pl.ds(ci * SB, SB)]],
                             ssem, add=True)
            return ()

        def drain(ci, _):
            pltpu.make_async_copy(
                ones_v, acc.at[didx_all.at[pl.ds(ci * SB, SB)]], ssem).wait()
            return ()

        lax.fori_loop(0, nsb, fire, ())
        lax.fori_loop(0, nsb, drain, ())
        plsc.subcore_barrier()

        pltpu.sync_copy(acc.at[pl.ds(sid * rows_w, rows_w)], cnt_v)
        riota = lax.iota(jnp.int32, 16)
        zidx = jnp.zeros((16,), jnp.int32)

        def compress(g, _):
            vals = plsc.load_gather(cnt_v, [g * 16 + riota, zidx])
            deg_v[pl.ds(g * 16, 16)] = vals
            return ()

        lax.fori_loop(0, ngrp, compress, ())
        pltpu.sync_copy(deg_v, outv_hbm.at[cid, pl.ds(sid * rows_w, rows_w)])

        def expand(r, _):
            v0 = cnt_v[2 * r, :]
            v1 = cnt_v[2 * r + 1, :]
            for k in range(4):
                dege_v[r, pl.ds(16 * k, 16)] = v0
            for k in range(4, 8):
                dege_v[r, pl.ds(16 * k, 16)] = v1
            return ()

        lax.fori_loop(0, npair_w, expand, ())
        pltpu.sync_copy(dege_v, oute_hbm.at[cid, pl.ds(sid * npair_w, npair_w)])

    fn = pl.kernel(
        body,
        out_type=[jax.ShapeDtypeStruct((_NSC, n_pad), jnp.float32),
                  jax.ShapeDtypeStruct((_NSC, n_pad // 2, 128), jnp.float32)],
        mesh=_sc_mesh(),
        compiler_params=pltpu.CompilerParams(use_tc_tiling_on_sc=False,
                                             needs_layout_passes=False),
        scratch_types=[
            pltpu.VMEM((ew,), jnp.int32),
            pltpu.VMEM((SB, 16), jnp.float32),
            pltpu.VMEM((rows_w, 16), jnp.float32),
            pltpu.VMEM((rows_w,), jnp.float32),
            pltpu.VMEM((npair_w, 128), jnp.float32),
            pltpu.VMEM_SHARED((n_pad, 16), jnp.float32),
            pltpu.SemaphoreType.DMA,
        ],
    )
    return fn(dst1d, zeros16, ones16)


def _sc_spmm(y, doubled_idx, src1d, dst1d, zeros_f, n, n_pad, nch_w):
    f = y.shape[1]
    rows_w = n_pad // _NSUB
    SB = 2 * _LANES
    ew = nch_w * _LANES
    nsb = ew // SB
    nself = rows_w // _LANES
    full_tiles = n // rows_w
    rem = n % rows_w

    def body(y_hbm, src_hbm, dst_hbm, zeros_hbm, out_hbm,
             sidx_all, didx_all, sidx_self, didx_self, rows0, rows1, acc,
             gsem0, gsem1):
        cid = lax.axis_index("c")
        sid = lax.axis_index("s")
        wid = cid * _NSUB + sid

        if doubled_idx:
            pltpu.sync_copy(zeros_hbm, acc.at[pl.ds(sid * rows_w, rows_w)])
            riota = lax.iota(jnp.int32, 16)
            base_node = sid * rows_w
            for c in range(nself):
                for g in range(8):
                    nodes = base_node + (c * 128 + g * 16) + riota
                    didx_self[c, pl.ds(16 * g, 16)] = nodes
                    sidx_self[c, pl.ds(16 * g, 16)] = (
                        jnp.minimum(nodes, n - 1) * 2)
        else:
            @pl.when(jnp.logical_and(cid == 0, sid < full_tiles))
            def _():
                pltpu.sync_copy(y_hbm.at[pl.ds(sid * rows_w, rows_w)],
                                acc.at[pl.ds(sid * rows_w, rows_w)])

            @pl.when(jnp.logical_and(cid == 0, sid >= full_tiles))
            def _():
                if rem:
                    pltpu.sync_copy(y_hbm.at[pl.ds(sid * rows_w, rem)],
                                    acc.at[pl.ds(sid * rows_w, rem)])
                pltpu.sync_copy(
                    zeros_hbm.at[pl.ds(0, rows_w - rem)],
                    acc.at[pl.ds(sid * rows_w + rem, rows_w - rem)])

            @pl.when(cid != 0)
            def _():
                pltpu.sync_copy(zeros_hbm,
                                acc.at[pl.ds(sid * rows_w, rows_w)])

        pltpu.sync_copy(src_hbm.at[pl.ds(wid * ew, ew)], sidx_all)
        pltpu.sync_copy(dst_hbm.at[pl.ds(wid * ew, ew)], didx_all)
        plsc.subcore_barrier()

        def sidx(p):
            return sidx_all.at[pl.ds(p * SB, SB)]

        def didx(p):
            return didx_all.at[pl.ds(p * SB, SB)]

        pltpu.async_copy(y_hbm.at[sidx(0)], rows0, gsem0)

        def step(i, _):
            p0 = 2 * i
            p1 = p0 + 1
            pltpu.async_copy(y_hbm.at[sidx(p1)], rows1, gsem1)
            pltpu.make_async_copy(y_hbm.at[sidx(p0)], rows0, gsem0).wait()
            pltpu.sync_copy(rows0, acc.at[didx(p0)], add=True)
            pn = jnp.minimum(p0 + 2, nsb - 1)
            pltpu.async_copy(y_hbm.at[sidx(pn)], rows0, gsem0)
            pltpu.make_async_copy(y_hbm.at[sidx(p1)], rows1, gsem1).wait()
            pltpu.sync_copy(rows1, acc.at[didx(p1)], add=True)
            return ()

        lax.fori_loop(0, nsb // 2, step, ())
        pltpu.make_async_copy(y_hbm.at[sidx(nsb - 1)], rows0, gsem0).wait()
        if doubled_idx:
            for parity in range(2):
                lst = list(range(parity, nself, 2))

                @pl.when(cid == parity)
                def _(lst=lst):
                    bufs = ((rows0.at[pl.ds(0, _LANES)], gsem0),
                            (rows1.at[pl.ds(0, _LANES)], gsem1))
                    for j in range(min(2, len(lst))):
                        pltpu.async_copy(y_hbm.at[sidx_self.at[lst[j]]],
                                         bufs[j][0], bufs[j][1])
                    for j, c in enumerate(lst):
                        buf, sem = bufs[j % 2]
                        pltpu.make_async_copy(y_hbm.at[sidx_self.at[c]],
                                              buf, sem).wait()
                        pltpu.sync_copy(buf, acc.at[didx_self.at[c]],
                                        add=True)
                        if j + 2 < len(lst):
                            pltpu.async_copy(
                                y_hbm.at[sidx_self.at[lst[j + 2]]], buf, sem)
        plsc.subcore_barrier()
        pltpu.sync_copy(acc.at[pl.ds(sid * rows_w, rows_w)],
                        out_hbm.at[cid, pl.ds(sid * rows_w, rows_w)])

    fn = pl.kernel(
        body,
        out_type=jax.ShapeDtypeStruct((_NSC, n_pad, f), jnp.float32),
        mesh=_sc_mesh(),
        compiler_params=pltpu.CompilerParams(use_tc_tiling_on_sc=False),
        scratch_types=[
            pltpu.VMEM((ew,), jnp.int32),
            pltpu.VMEM((ew,), jnp.int32),
            pltpu.VMEM((nself, _LANES), jnp.int32),
            pltpu.VMEM((nself, _LANES), jnp.int32),
            pltpu.VMEM((SB, f), jnp.float32),
            pltpu.VMEM((SB, f), jnp.float32),
            pltpu.VMEM_SHARED((n_pad, f), jnp.float32),
            pltpu.SemaphoreType.DMA,
            pltpu.SemaphoreType.DMA,
        ],
    )
    return fn(y, src1d, dst1d, zeros_f)


def _tc_scale_first(degv128, x, W, n):
    c_out = W.shape[1]
    xb = 1024
    grid = _cdiv(n, xb)

    def body(degv_ref, x_ref, w_ref, z_ref):
        pid = pl.program_id(0)
        nrow = xb // 128
        deg = (degv_ref[0, pl.ds(nrow * pid, nrow), :]
               + degv_ref[1, pl.ds(nrow * pid, nrow), :]) + 1.0
        dis_t = lax.transpose(lax.rsqrt(deg), (1, 0))
        dcol = jnp.concatenate(
            [dis_t[:, k:k + 1] for k in range(nrow)], axis=0)
        xw = jnp.dot(x_ref[...], w_ref[...],
                     preferred_element_type=jnp.float32)
        z_ref[...] = jnp.concatenate(
            [xw * dcol, jnp.zeros((xb, 128 - c_out), jnp.float32)], axis=1)

    return pl.pallas_call(
        body,
        grid=(grid,),
        in_specs=[
            pl.BlockSpec(degv128.shape, lambda b: (0, 0, 0)),
            pl.BlockSpec((xb, x.shape[1]), lambda b: (b, 0)),
            pl.BlockSpec((x.shape[1], c_out), lambda b: (0, 0)),
        ],
        out_specs=pl.BlockSpec((xb, 128), lambda b: (b, 0)),
        out_shape=jax.ShapeDtypeStruct((n, 128), jnp.float32),
    )(degv128, x, W)


def _tc_mid(up128, degE, n2):
    def body(up_ref, de_ref, v_ref):
        u = up_ref[0, :n2, :] + up_ref[1, :n2, :]
        deg = de_ref[0, :n2, :] + de_ref[1, :n2, :] + 1.0
        v_ref[...] = u / deg

    return pl.pallas_call(
        body,
        out_shape=jax.ShapeDtypeStruct((n2, 128), jnp.float32),
    )(up128, degE)


def _tc_final(wp128, degE, b2, n2):
    c_out = b2.shape[1] // 2

    def body(wp_ref, de_ref, b_ref, o_ref):
        w = wp_ref[0, :n2, :] + wp_ref[1, :n2, :]
        deg = de_ref[0, :n2, :] + de_ref[1, :n2, :] + 1.0
        logits = w * lax.rsqrt(deg) + b_ref[...]

        def lsm(l):
            m = jnp.max(l, axis=-1, keepdims=True)
            ex = jnp.exp(l - m)
            return l - (jnp.log(jnp.sum(ex, axis=-1, keepdims=True)) + m)

        o_ref[...] = jnp.concatenate(
            [lsm(logits[:, :c_out]), lsm(logits[:, c_out:])], axis=1)

    return pl.pallas_call(
        body,
        out_shape=jax.ShapeDtypeStruct((n2, 2 * c_out), jnp.float32),
    )(wp128, degE, b2)


def kernel(x, edge_index, W, b):
    n = x.shape[0]
    c_out = W.shape[1]
    e = edge_index.shape[1]
    n2 = n // 2

    n_pad = _cdiv(n + 1, 8 * _LANES) * 8 * _LANES
    nch = _cdiv(e, _LANES * _NW * 8) * _NW * 8
    nch_w = nch // _NW
    ep = nch * _LANES

    dst_f = _tc_edge_prep_dst(edge_index, n, n_pad, ep)
    src_f, src2_f = _tc_edge_prep_src(edge_index, n, ep)

    rows_w = n_pad // _NSUB
    zeros16 = jnp.zeros((rows_w, 16), jnp.float32)
    zerosf = jnp.zeros((rows_w, c_out), jnp.float32)
    ones16 = jnp.ones((2 * _LANES, 16), jnp.float32)
    b2 = jnp.concatenate([b, b]).reshape(1, 2 * c_out)

    degv, degE = _sc_degree(dst_f, zeros16, ones16, n_pad, nch_w)
    degv128 = degv.reshape(_NSC, n_pad // _LANES, _LANES)
    zwide = _tc_scale_first(degv128, x, W, n)
    up = _sc_spmm(zwide.reshape(2 * n, c_out), True,
                  src2_f, dst_f, zerosf, n, n_pad, nch_w)
    v128 = _tc_mid(up.reshape(_NSC, n_pad // 2, 2 * c_out), degE, n2)
    wp = _sc_spmm(v128.reshape(n, c_out), False,
                  src_f, dst_f, zerosf, n, n_pad, nch_w)
    out128 = _tc_final(wp.reshape(_NSC, n_pad // 2, 2 * c_out), degE, b2, n2)
    return out128.reshape(n, c_out)

# --- scband reference (transcript-rebuilt; emitter-appended) ---
"""Pipeline reference for scband-sgcnet2-90580860272649 (READ-ONLY COPY).

The authoritative reference and input builder live on the scoring server;
editing this copy changes nothing except your own understanding.
"""

import jax, jax.numpy as jnp
import numpy as np

N = 10000
E = 320000
F_IN = 128
C = 64
K = 2


def setup_inputs(seed: int = 0) -> dict:
    key = jax.random.key(seed)
    k1, k2, k3 = jax.random.split(key, 3)
    x = jax.random.normal(k1, (N, F_IN), dtype=jnp.float32)
    edge_index = jax.random.randint(k2, (2, E), 0, N, dtype=jnp.int32)
    # SGConv linear layer params (features -> classes), Glorot-style init
    W = jax.random.normal(k3, (F_IN, C), dtype=jnp.float32) / np.sqrt(F_IN)
    b = jnp.zeros((C,), dtype=jnp.float32)
    return {"x": x, "edge_index": edge_index, "W": W, "b": b}


def _sgc_forward(x, edge_index, W, b):
    num_nodes = x.shape[0]
    src = edge_index[0]
    dst = edge_index[1]
    # gcn_norm with self-loops
    loop = jnp.arange(num_nodes, dtype=src.dtype)
    src = jnp.concatenate([src, loop])
    dst = jnp.concatenate([dst, loop])
    ew = jnp.ones(src.shape[0], dtype=x.dtype)
    deg = jnp.zeros((num_nodes,), x.dtype).at[dst].add(ew)
    deg_inv_sqrt = jnp.where(deg > 0, 1.0 / jnp.sqrt(deg), 0.0)
    norm = deg_inv_sqrt[src] * ew * deg_inv_sqrt[dst]
    # K-hop propagation: x <- A_hat x, repeated K times
    h = x
    for _ in range(K):
        msg = h[src] * norm[:, None]
        h = jnp.zeros((num_nodes, h.shape[1]), h.dtype).at[dst].add(msg)
    # final linear layer
    out = h @ W + b
    return jax.nn.log_softmax(out, axis=1)


def reference(x, edge_index, W, b):
    return _sgc_forward(x, edge_index, W, b)

if __name__ == "__main__":
    import jax
    _d = setup_inputs()
    print(jax.jit(kernel)(*tuple(_d.values())))

</pallas_src>

<mosaic_0001>
#map = affine_map<(d0, d1) -> (0)>
#map1 = affine_map<(d0, d1) -> (0, 0)>
#map2 = affine_map<(d0, d1) -> (0, 0, 0)>
module attributes {stable_mosaic.version = 14 : i64} {
  func.func @body(%arg0: i32, %arg1: i32, %arg2: memref<327680xi32, #tpu.memory_space<hbm>>, %arg3: memref<640x16xf32, #tpu.memory_space<hbm>>, %arg4: memref<256x16xf32, #tpu.memory_space<hbm>>, %arg5: memref<2x10240xf32, #tpu.memory_space<hbm>>, %arg6: memref<2x5120x128xf32, #tpu.memory_space<hbm>>, %arg7: memref<10240xi32, #tpu.memory_space<vmem>>, %arg8: memref<256x16xf32, #tpu.memory_space<vmem>>, %arg9: memref<640x16xf32, #tpu.memory_space<vmem>>, %arg10: memref<640xf32, #tpu.memory_space<vmem>>, %arg11: memref<320x128xf32, #tpu.memory_space<vmem>>, %arg12: memref<10240x16xf32, #tpu.memory_space<vmem_shared>>, %arg13: memref<!tpu.dma_semaphore, #tpu.memory_space<semaphore_mem>>) attributes {dimension_semantics = [#tpu.dimension_semantics<core_parallel>, #tpu.dimension_semantics<subcore_parallel>], iteration_bounds = array<i64: 2, 16>, scalar_prefetch = 0 : i64, scratch_operands = 7 : i64, tpu.core_type = #tpu.core_type<sc_vector_subcore>, window_params = [{transform_indices = #map}, {transform_indices = #map1}, {transform_indices = #map1}, {transform_indices = #map1}, {transform_indices = #map2}]} {
    %mul3A = arith.constant 16 : i32
    %mul3A_0 = arith.muli %arg0, %mul3A : i32
    %add3A = arith.addi %mul3A_0, %arg1 : i32
    %mul3A_1 = arith.constant 640 : i32
    %mul3A_2 = arith.muli %arg1, %mul3A_1 : i32
    "tpu.region"() ({
      %run_scoped3A = tpu.sem_alloc : memref<!tpu.dma_semaphore, #tpu.memory_space<semaphore_mem>>
      %dma_start3A = arith.constant 0 : i32
      %dma_start3A_32 = tpu.memref_slice %arg12[%mul3A_2, %dma_start3A] : memref<10240x16xf32, #tpu.memory_space<vmem_shared>> -> memref<640x16xf32, #tpu.memory_space<vmem_shared>>
      tpu.enqueue_dma source(%arg3 : memref<640x16xf32, #tpu.memory_space<hbm>>) target(%dma_start3A_32 : memref<640x16xf32, #tpu.memory_space<vmem_shared>>) target_semaphore(%run_scoped3A : memref<!tpu.dma_semaphore, #tpu.memory_space<semaphore_mem>>)
      %dma_wait3A = arith.constant 0 : i32
      %dma_wait3A_33 = tpu.memref_slice %arg12[%mul3A_2, %dma_wait3A] : memref<10240x16xf32, #tpu.memory_space<vmem_shared>> -> memref<640x16xf32, #tpu.memory_space<vmem_shared>>
      tpu.wait_dma2 semaphore(%run_scoped3A : memref<!tpu.dma_semaphore, #tpu.memory_space<semaphore_mem>>) src(%arg3 : memref<640x16xf32, #tpu.memory_space<hbm>>) dst(%dma_wait3A_33 : memref<640x16xf32, #tpu.memory_space<vmem_shared>>)
      tpu.yield
    }) : () -> ()
    "tpu.region"() ({
      %run_scoped3A = tpu.sem_alloc : memref<!tpu.dma_semaphore, #tpu.memory_space<semaphore_mem>>
      tpu.enqueue_dma source(%arg4 : memref<256x16xf32, #tpu.memory_space<hbm>>) target(%arg8 : memref<256x16xf32, #tpu.memory_space<vmem>>) target_semaphore(%run_scoped3A : memref<!tpu.dma_semaphore, #tpu.memory_space<semaphore_mem>>)
      tpu.wait_dma2 semaphore(%run_scoped3A : memref<!tpu.dma_semaphore, #tpu.memory_space<semaphore_mem>>) src(%arg4 : memref<256x16xf32, #tpu.memory_space<hbm>>) dst(%arg8 : memref<256x16xf32, #tpu.memory_space<vmem>>)
      tpu.yield
    }) : () -> ()
    %mul3A_3 = arith.constant 10240 : i32
    %mul3A_4 = arith.muli %add3A, %mul3A_3 : i32
    "tpu.region"() ({
      %run_scoped3A = tpu.sem_alloc : memref<!tpu.dma_semaphore, #tpu.memory_space<semaphore_mem>>
      %dma_start3A = tpu.memref_slice %arg2[%mul3A_4] : memref<327680xi32, #tpu.memory_space<hbm>> -> memref<10240xi32, #tpu.memory_space<hbm>>
      %dma_start3A_32 = tpu.memref_slice %arg2[%mul3A_4] : memref<327680xi32, #tpu.memory_space<hbm>> -> memref<10240xi32, #tpu.memory_space<hbm>>
      tpu.enqueue_dma source(%dma_start3A_32 : memref<10240xi32, #tpu.memory_space<hbm>>) target(%arg7 : memref<10240xi32, #tpu.memory_space<vmem>>) target_semaphore(%run_scoped3A : memref<!tpu.dma_semaphore, #tpu.memory_space<semaphore_mem>>)
      %dma_wait3A = tpu.memref_slice %arg2[%mul3A_4] : memref<327680xi32, #tpu.memory_space<hbm>> -> memref<10240xi32, #tpu.memory_space<hbm>>
      %dma_wait3A_33 = tpu.memref_slice %arg2[%mul3A_4] : memref<327680xi32, #tpu.memory_space<hbm>> -> memref<10240xi32, #tpu.memory_space<hbm>>
      tpu.wait_dma2 semaphore(%run_scoped3A : memref<!tpu.dma_semaphore, #tpu.memory_space<semaphore_mem>>) src(%dma_wait3A_33 : memref<10240xi32, #tpu.memory_space<hbm>>) dst(%arg7 : memref<10240xi32, #tpu.memory_space<vmem>>)
      tpu.yield
    }) : () -> ()
    %barrier3A = arith.constant 0 : index
    tpu.barrier barrier_id(%barrier3A)
    %scan3A = arith.constant 0 : i32
    %scan3A_5 = arith.constant 40 : i32
    %scan3A_6 = arith.addi %scan3A, %scan3A_5 : i32
    %scan3A_7 = arith.constant 1 : i32
    scf.for %scan3A_32 = %scan3A to %scan3A_6 step %scan3A_7  : i32 {
      %mul3A_33 = arith.constant 256 : i32
      %mul3A_34 = arith.muli %scan3A_32, %mul3A_33 : i32
      %dma_start3A = tpu.memref_slice %arg7[%mul3A_34] : memref<10240xi32, #tpu.memory_space<vmem>> -> memref<256xi32, #tpu.memory_space<vmem>>
      %dma_start3A_35 = arith.constant 0 : i32
      %dma_start3A_36 = arith.constant 0 : i32
      %dma_start3A_37 = tpu.memref_slice %arg12[%dma_start3A_35, %dma_start3A_36] : memref<10240x16xf32, #tpu.memory_space<vmem_shared>> -> memref<10240x16xf32, #tpu.memory_space<vmem_shared>>
      tpu.enqueue_indirect_dma source(%arg8 : memref<256x16xf32, #tpu.memory_space<vmem>>) target(%dma_start3A_37 : memref<10240x16xf32, #tpu.memory_space<vmem_shared>>) offsets(%dma_start3A : memref<256xi32, #tpu.memory_space<vmem>>) semaphore(%arg13 : memref<!tpu.dma_semaphore, #tpu.memory_space<semaphore_mem>>) {add = true}
    }
    %scan3A_8 = arith.constant 40 : i32
    %scan3A_9 = arith.constant 0 : i32
    %scan3A_10 = arith.constant 40 : i32
    %scan3A_11 = arith.addi %scan3A_9, %scan3A_10 : i32
    %scan3A_12 = arith.constant 1 : i32
    scf.for %scan3A_32 = %scan3A_9 to %scan3A_11 step %scan3A_12  : i32 {
      %mul3A_33 = arith.constant 256 : i32
      %mul3A_34 = arith.muli %scan3A_32, %mul3A_33 : i32
      %dma_wait3A = tpu.memref_slice %arg7[%mul3A_34] : memref<10240xi32, #tpu.memory_space<vmem>> -> memref<256xi32, #tpu.memory_space<vmem>>
      %dma_wait3A_35 = arith.constant 0 : i32
      %dma_wait3A_36 = arith.constant 0 : i32
      %dma_wait3A_37 = tpu.memref_slice %arg12[%dma_wait3A_35, %dma_wait3A_36] : memref<10240x16xf32, #tpu.memory_space<vmem_shared>> -> memref<10240x16xf32, #tpu.memory_space<vmem_shared>>
      tpu.wait_indirect_dma semaphore(%arg13 : memref<!tpu.dma_semaphore, #tpu.memory_space<semaphore_mem>>) src(%arg8 : memref<256x16xf32, #tpu.memory_space<vmem>>) dst(%dma_wait3A_37 : memref<10240x16xf32, #tpu.memory_space<vmem_shared>>)
    }
    %scan3A_13 = arith.constant 40 : i32
    %barrier3A_14 = arith.constant 0 : index
    tpu.barrier barrier_id(%barrier3A_14)
    %mul3A_15 = arith.constant 640 : i32
    %mul3A_16 = arith.muli %arg1, %mul3A_15 : i32
    "tpu.region"() ({
      %run_scoped3A = tpu.sem_alloc : memref<!tpu.dma_semaphore, #tpu.memory_space<semaphore_mem>>
      %dma_start3A = arith.constant 0 : i32
      %dma_start3A_32 = tpu.memref_slice %arg12[%mul3A_16, %dma_start3A] : memref<10240x16xf32, #tpu.memory_space<vmem_shared>> -> memref<640x16xf32, #tpu.memory_space<vmem_shared>>
      %dma_start3A_33 = arith.constant 0 : i32
      %dma_start3A_34 = tpu.memref_slice %arg12[%mul3A_16, %dma_start3A_33] : memref<10240x16xf32, #tpu.memory_space<vmem_shared>> -> memref<640x16xf32, #tpu.memory_space<vmem_shared>>
      tpu.enqueue_dma source(%dma_start3A_34 : memref<640x16xf32, #tpu.memory_space<vmem_shared>>) target(%arg9 : memref<640x16xf32, #tpu.memory_space<vmem>>) target_semaphore(%run_scoped3A : memref<!tpu.dma_semaphore, #tpu.memory_space<semaphore_mem>>)
      %dma_wait3A = arith.constant 0 : i32
      %dma_wait3A_35 = tpu.memref_slice %arg12[%mul3A_16, %dma_wait3A] : memref<10240x16xf32, #tpu.memory_space<vmem_shared>> -> memref<640x16xf32, #tpu.memory_space<vmem_shared>>
      %dma_wait3A_36 = arith.constant 0 : i32
      %dma_wait3A_37 = tpu.memref_slice %arg12[%mul3A_16, %dma_wait3A_36] : memref<10240x16xf32, #tpu.memory_space<vmem_shared>> -> memref<640x16xf32, #tpu.memory_space<vmem_shared>>
      tpu.wait_dma2 semaphore(%run_scoped3A : memref<!tpu.dma_semaphore, #tpu.memory_space<semaphore_mem>>) src(%dma_wait3A_37 : memref<640x16xf32, #tpu.memory_space<vmem_shared>>) dst(%arg9 : memref<640x16xf32, #tpu.memory_space<vmem>>)
      tpu.yield
    }) : () -> ()
    %iota3A = tpu.iota {dimensions = array<i32: 0>} : vector<16xi32>
    %broadcast_in_dim3A = arith.constant 0 : i32
    %broadcast_in_dim3A_17 = vector.broadcast %broadcast_in_dim3A : i32 to vector<16xi32>
    %scan3A_18 = arith.constant 0 : i32
    %scan3A_19 = arith.constant 40 : i32
    %scan3A_20 = arith.addi %scan3A_18, %scan3A_19 : i32
    %scan3A_21 = arith.constant 1 : i32
    scf.for %scan3A_32 = %scan3A_18 to %scan3A_20 step %scan3A_21  : i32 {
      %mul3A_33 = arith.constant 16 : i32
      %mul3A_34 = arith.muli %scan3A_32, %mul3A_33 : i32
      %add3A_35 = vector.broadcast %mul3A_34 : i32 to vector<16xi32>
      %add3A_36 = arith.addi %add3A_35, %iota3A : vector<16xi32>
      %gather3A = tpu.vector_load_idx %arg9[%add3A_36, %broadcast_in_dim3A_17] : memref<640x16xf32, #tpu.memory_space<vmem>>[vector<16xi32>, vector<16xi32>], vector<16xf32>,
      %mul3A_37 = arith.constant 16 : i32
      %mul3A_38 = arith.muli %scan3A_32, %mul3A_37 : i32
      %swap3A = arith.index_cast %mul3A_38 : i32 to index
      %swap3A_39 = tpu.vector_load %arg10[%swap3A] {strides = array<i32>} : memref<640xf32, #tpu.memory_space<vmem>>, vector<16xf32>,
      tpu.vector_store %arg10[%swap3A], %gather3A {strides = array<i32>} : memref<640xf32, #tpu.memory_space<vmem>>, vector<16xf32>,
    }
    %scan3A_22 = arith.constant 40 : i32
    %mul3A_23 = arith.constant 640 : i32
    %mul3A_24 = arith.muli %arg1, %mul3A_23 : i32
    "tpu.region"() ({
      %run_scoped3A = tpu.sem_alloc : memref<!tpu.dma_semaphore, #tpu.memory_space<semaphore_mem>>
      %dma_start3A = tpu.memref_slice %arg5[%arg0, %mul3A_24] : memref<2x10240xf32, #tpu.memory_space<hbm>> -> memref<1x640xf32, #tpu.memory_space<hbm>>
      %dma_start3A_32 = tpu.memref_squeeze %dma_start3A : memref<1x640xf32, #tpu.memory_space<hbm>> -> memref<640xf32, #tpu.memory_space<hbm>>
      %dma_start3A_33 = tpu.memref_slice %arg5[%arg0, %mul3A_24] : memref<2x10240xf32, #tpu.memory_space<hbm>> -> memref<1x640xf32, #tpu.memory_space<hbm>>
      %dma_start3A_34 = tpu.memref_squeeze %dma_start3A_33 : memref<1x640xf32, #tpu.memory_space<hbm>> -> memref<640xf32, #tpu.memory_space<hbm>>
      tpu.enqueue_dma source(%arg10 : memref<640xf32, #tpu.memory_space<vmem>>) target(%dma_start3A_34 : memref<640xf32, #tpu.memory_space<hbm>>) target_semaphore(%run_scoped3A : memref<!tpu.dma_semaphore, #tpu.memory_space<semaphore_mem>>)
      %dma_wait3A = tpu.memref_slice %arg5[%arg0, %mul3A_24] : memref<2x10240xf32, #tpu.memory_space<hbm>> -> memref<1x640xf32, #tpu.memory_space<hbm>>
      %dma_wait3A_35 = tpu.memref_squeeze %dma_wait3A : memref<1x640xf32, #tpu.memory_space<hbm>> -> memref<640xf32, #tpu.memory_space<hbm>>
      %dma_wait3A_36 = tpu.memref_slice %arg5[%arg0, %mul3A_24] : memref<2x10240xf32, #tpu.memory_space<hbm>> -> memref<1x640xf32, #tpu.memory_space<hbm>>
      %dma_wait3A_37 = tpu.memref_squeeze %dma_wait3A_36 : memref<1x640xf32, #tpu.memory_space<hbm>> -> memref<640xf32, #tpu.memory_space<hbm>>
      tpu.wait_dma2 semaphore(%run_scoped3A : memref<!tpu.dma_semaphore, #tpu.memory_space<semaphore_mem>>) src(%arg10 : memref<640xf32, #tpu.memory_space<vmem>>) dst(%dma_wait3A_37 : memref<640xf32, #tpu.memory_space<hbm>>)
      tpu.yield
    }) : () -> ()
    %scan3A_25 = arith.constant 0 : i32
    %scan3A_26 = arith.constant 320 : i32
    %scan3A_27 = arith.addi %scan3A_25, %scan3A_26 : i32
    %scan3A_28 = arith.constant 1 : i32
    scf.for %scan3A_32 = %scan3A_25 to %scan3A_27 step %scan3A_28  : i32 {
      %mul3A_33 = arith.constant 2 : i32
      %mul3A_34 = arith.muli %mul3A_33, %scan3A_32 : i32
      %get3A = arith.index_cast %mul3A_34 : i32 to index
      %get3A_35 = arith.constant 0 : index
      %get3A_36 = tpu.vector_load %arg9[%get3A, %get3A_35] {strides = array<i32>} : memref<640x16xf32, #tpu.memory_space<vmem>>, vector<16xf32>,
      %mul3A_37 = arith.constant 2 : i32
      %mul3A_38 = arith.muli %mul3A_37, %scan3A_32 : i32
      %add3A_39 = arith.constant 1 : i32
      %add3A_40 = arith.addi %mul3A_38, %add3A_39 : i32
      %get3A_41 = arith.index_cast %add3A_40 : i32 to index
      %get3A_42 = arith.constant 0 : index
      %get3A_43 = tpu.vector_load %arg9[%get3A_41, %get3A_42] {strides = array<i32>} : memref<640x16xf32, #tpu.memory_space<vmem>>, vector<16xf32>,
      %swap3A = arith.index_cast %scan3A_32 : i32 to index
      %swap3A_44 = arith.constant 0 : index
      %swap3A_45 = tpu.vector_load %arg11[%swap3A, %swap3A_44] {strides = array<i32>} : memref<320x128xf32, #tpu.memory_space<vmem>>, vector<16xf32>,
      tpu.vector_store %arg11[%swap3A, %swap3A_44], %get3A_36 {strides = array<i32>} : memref<320x128xf32, #tpu.memory_space<vmem>>, vector<16xf32>,
      %swap3A_46 = arith.index_cast %scan3A_32 : i32 to index
      %swap3A_47 = arith.constant 16 : index
      %swap3A_48 = tpu.vector_load %arg11[%swap3A_46, %swap3A_47] {strides = array<i32>} : memref<320x128xf32, #tpu.memory_space<vmem>>, vector<16xf32>,
      tpu.vector_store %arg11[%swap3A_46, %swap3A_47], %get3A_36 {strides = array<i32>} : memref<320x128xf32, #tpu.memory_space<vmem>>, vector<16xf32>,
      %swap3A_49 = arith.index_cast %scan3A_32 : i32 to index
      %swap3A_50 = arith.constant 32 : index
      %swap3A_51 = tpu.vector_load %arg11[%swap3A_49, %swap3A_50] {strides = array<i32>} : memref<320x128xf32, #tpu.memory_space<vmem>>, vector<16xf32>,
      tpu.vector_store %arg11[%swap3A_49, %swap3A_50], %get3A_36 {strides = array<i32>} : memref<320x128xf32, #tpu.memory_space<vmem>>, vector<16xf32>,
      %swap3A_52 = arith.index_cast %scan3A_32 : i32 to index
      %swap3A_53 = arith.constant 48 : index
      %swap3A_54 = tpu.vector_load %arg11[%swap3A_52, %swap3A_53] {strides = array<i32>} : memref<320x128xf32, #tpu.memory_space<vmem>>, vector<16xf32>,
      tpu.vector_store %arg11[%swap3A_52, %swap3A_53], %get3A_36 {strides = array<i32>} : memref<320x128xf32, #tpu.memory_space<vmem>>, vector<16xf32>,
      %swap3A_55 = arith.index_cast %scan3A_32 : i32 to index
      %swap3A_56 = arith.constant 64 : index
      %swap3A_57 = tpu.vector_load %arg11[%swap3A_55, %swap3A_56] {strides = array<i32>} : memref<320x128xf32, #tpu.memory_space<vmem>>, vector<16xf32>,
      tpu.vector_store %arg11[%swap3A_55, %swap3A_56], %get3A_43 {strides = array<i32>} : memref<320x128xf32, #tpu.memory_space<vmem>>, vector<16xf32>,
      %swap3A_58 = arith.index_cast %scan3A_32 : i32 to index
      %swap3A_59 = arith.constant 80 : index
      %swap3A_60 = tpu.vector_load %arg11[%swap3A_58, %swap3A_59] {strides = array<i32>} : memref<320x128xf32, #tpu.memory_space<vmem>>, vector<16xf32>,
      tpu.vector_store %arg11[%swap3A_58, %swap3A_59], %get3A_43 {strides = array<i32>} : memref<320x128xf32, #tpu.memory_space<vmem>>, vector<16xf32>,
      %swap3A_61 = arith.index_cast %scan3A_32 : i32 to index
      %swap3A_62 = arith.constant 96 : index
      %swap3A_63 = tpu.vector_load %arg11[%swap3A_61, %swap3A_62] {strides = array<i32>} : memref<320x128xf32, #tpu.memory_space<vmem>>, vector<16xf32>,
      tpu.vector_store %arg11[%swap3A_61, %swap3A_62], %get3A_43 {strides = array<i32>} : memref<320x128xf32, #tpu.memory_space<vmem>>, vector<16xf32>,
      %swap3A_64 = arith.index_cast %scan3A_32 : i32 to index
      %swap3A_65 = arith.constant 112 : index
      %swap3A_66 = tpu.vector_load %arg11[%swap3A_64, %swap3A_65] {strides = array<i32>} : memref<320x128xf32, #tpu.memory_space<vmem>>, vector<16xf32>,
      tpu.vector_store %arg11[%swap3A_64, %swap3A_65], %get3A_43 {strides = array<i32>} : memref<320x128xf32, #tpu.memory_space<vmem>>, vector<16xf32>,
    }
    %scan3A_29 = arith.constant 320 : i32
    %mul3A_30 = arith.constant 320 : i32
    %mul3A_31 = arith.muli %arg1, %mul3A_30 : i32
    "tpu.region"() ({
      %run_scoped3A = tpu.sem_alloc : memref<!tpu.dma_semaphore, #tpu.memory_space<semaphore_mem>>
      %dma_start3A = arith.constant 0 : i32
      %dma_start3A_32 = tpu.memref_slice %arg6[%arg0, %mul3A_31, %dma_start3A] : memref<2x5120x128xf32, #tpu.memory_space<hbm>> -> memref<1x320x128xf32, #tpu.memory_space<hbm>>
      %dma_start3A_33 = tpu.memref_squeeze %dma_start3A_32 : memref<1x320x128xf32, #tpu.memory_space<hbm>> -> memref<320x128xf32, #tpu.memory_space<hbm>>
      %dma_start3A_34 = arith.constant 0 : i32
      %dma_start3A_35 = tpu.memref_slice %arg6[%arg0, %mul3A_31, %dma_start3A_34] : memref<2x5120x128xf32, #tpu.memory_space<hbm>> -> memref<1x320x128xf32, #tpu.memory_space<hbm>>
      %dma_start3A_36 = tpu.memref_squeeze %dma_start3A_35 : memref<1x320x128xf32, #tpu.memory_space<hbm>> -> memref<320x128xf32, #tpu.memory_space<hbm>>
      tpu.enqueue_dma source(%arg11 : memref<320x128xf32, #tpu.memory_space<vmem>>) target(%dma_start3A_36 : memref<320x128xf32, #tpu.memory_space<hbm>>) target_semaphore(%run_scoped3A : memref<!tpu.dma_semaphore, #tpu.memory_space<semaphore_mem>>)
      %dma_wait3A = arith.constant 0 : i32
      %dma_wait3A_37 = tpu.memref_slice %arg6[%arg0, %mul3A_31, %dma_wait3A] : memref<2x5120x128xf32, #tpu.memory_space<hbm>> -> memref<1x320x128xf32, #tpu.memory_space<hbm>>
      %dma_wait3A_38 = tpu.memref_squeeze %dma_wait3A_37 : memref<1x320x128xf32, #tpu.memory_space<hbm>> -> memref<320x128xf32, #tpu.memory_space<hbm>>
      %dma_wait3A_39 = arith.constant 0 : i32
      %dma_wait3A_40 = tpu.memref_slice %arg6[%arg0, %mul3A_31, %dma_wait3A_39] : memref<2x5120x128xf32, #tpu.memory_space<hbm>> -> memref<1x320x128xf32, #tpu.memory_space<hbm>>
      %dma_wait3A_41 = tpu.memref_squeeze %dma_wait3A_40 : memref<1x320x128xf32, #tpu.memory_space<hbm>> -> memref<320x128xf32, #tpu.memory_space<hbm>>
      tpu.wait_dma2 semaphore(%run_scoped3A : memref<!tpu.dma_semaphore, #tpu.memory_space<semaphore_mem>>) src(%arg11 : memref<320x128xf32, #tpu.memory_space<vmem>>) dst(%dma_wait3A_41 : memref<320x128xf32, #tpu.memory_space<hbm>>)
      tpu.yield
    }) : () -> ()
    return
  }
}

#map = affine_map<(d0, d1) -> (0, 0)>
#map1 = affine_map<(d0, d1) -> (0)>
#map2 = affine_map<(d0, d1) -> (0, 0, 0)>
module attributes {stable_mosaic.version = 14 : i64} {
  func.func @body(%arg0: i32, %arg1: i32, %arg2: memref<10000x64xf32, #tpu.memory_space<hbm>>, %arg3: memref<327680xi32, #tpu.memory_space<hbm>>, %arg4: memref<327680xi32, #tpu.memory_space<hbm>>, %arg5: memref<640x64xf32, #tpu.memory_space<hbm>>, %arg6: memref<2x10240x64xf32, #tpu.memory_space<hbm>>, %arg7: memref<10240xi32, #tpu.memory_space<vmem>>, %arg8: memref<10240xi32, #tpu.memory_space<vmem>>, %arg9: memref<5x128xi32, #tpu.memory_space<vmem>>, %arg10: memref<5x128xi32, #tpu.memory_space<vmem>>, %arg11: memref<256x64xf32, #tpu.memory_space<vmem>>, %arg12: memref<256x64xf32, #tpu.memory_space<vmem>>, %arg13: memref<10240x64xf32, #tpu.memory_space<vmem_shared>>, %arg14: memref<!tpu.dma_semaphore, #tpu.memory_space<semaphore_mem>>, %arg15: memref<!tpu.dma_semaphore, #tpu.memory_space<semaphore_mem>>) attributes {dimension_semantics = [#tpu.dimension_semantics<core_parallel>, #tpu.dimension_semantics<subcore_parallel>], iteration_bounds = array<i64: 2, 16>, scalar_prefetch = 0 : i64, scratch_operands = 9 : i64, tpu.core_type = #tpu.core_type<sc_vector_subcore>, window_params = [{transform_indices = #map}, {transform_indices = #map1}, {transform_indices = #map1}, {transform_indices = #map}, {transform_indices = #map2}]} {
    %mul3A = arith.constant 16 : i32
    %mul3A_0 = arith.muli %arg0, %mul3A : i32
    %add3A = arith.addi %mul3A_0, %arg1 : i32
    %eq3A = arith.constant 0 : i32
    %eq3A_1 = arith.cmpi eq, %arg0, %eq3A : i32
    %lt3A = arith.constant 15 : i32
    %lt3A_2 = arith.cmpi slt, %arg1, %lt3A : i32
    %and3A = arith.andi %eq3A_1, %lt3A_2 : i1
    %convert_element_type3A = arith.extui %and3A : i1 to i32
    %cond3A = arith.constant 0 : i32
    %cond3A_3 = arith.cmpi ne, %convert_element_type3A, %cond3A : i32
    scf.if %cond3A_3 {
      %mul3A_36 = arith.constant 640 : i32
      %mul3A_37 = arith.muli %arg1, %mul3A_36 : i32
      %mul3A_38 = arith.constant 640 : i32
      %mul3A_39 = arith.muli %arg1, %mul3A_38 : i32
      "tpu.region"() ({
        %run_scoped3A = tpu.sem_alloc : memref<!tpu.dma_semaphore, #tpu.memory_space<semaphore_mem>>
        %dma_start3A_40 = arith.constant 0 : i32
        %dma_start3A_41 = tpu.memref_slice %arg13[%mul3A_39, %dma_start3A_40] : memref<10240x64xf32, #tpu.memory_space<vmem_shared>> -> memref<640x64xf32, #tpu.memory_space<vmem_shared>>
        %dma_start3A_42 = arith.constant 0 : i32
        %dma_start3A_43 = tpu.memref_slice %arg2[%mul3A_37, %dma_start3A_42] : memref<10000x64xf32, #tpu.memory_space<hbm>> -> memref<640x64xf32, #tpu.memory_space<hbm>>
        tpu.enqueue_dma source(%dma_start3A_43 : memref<640x64xf32, #tpu.memory_space<hbm>>) target(%dma_start3A_41 : memref<640x64xf32, #tpu.memory_space<vmem_shared>>) target_semaphore(%run_scoped3A : memref<!tpu.dma_semaphore, #tpu.memory_space<semaphore_mem>>)
        %dma_wait3A_44 = arith.constant 0 : i32
        %dma_wait3A_45 = tpu.memref_slice %arg13[%mul3A_39, %dma_wait3A_44] : memref<10240x64xf32, #tpu.memory_space<vmem_shared>> -> memref<640x64xf32, #tpu.memory_space<vmem_shared>>
        %dma_wait3A_46 = arith.constant 0 : i32
        %dma_wait3A_47 = tpu.memref_slice %arg2[%mul3A_37, %dma_wait3A_46] : memref<10000x64xf32, #tpu.memory_space<hbm>> -> memref<640x64xf32, #tpu.memory_space<hbm>>
        tpu.wait_dma2 semaphore(%run_scoped3A : memref<!tpu.dma_semaphore, #tpu.memory_space<semaphore_mem>>) src(%dma_wait3A_47 : memref<640x64xf32, #tpu.memory_space<hbm>>) dst(%dma_wait3A_45 : memref<640x64xf32, #tpu.memory_space<vmem_shared>>)
        tpu.yield
      }) : () -> ()
    } else {
    }
    %eq3A_4 = arith.constant 0 : i32
    %eq3A_5 = arith.cmpi eq, %arg0, %eq3A_4 : i32
    %ge3A = arith.constant 15 : i32
    %ge3A_6 = arith.cmpi sge, %arg1, %ge3A : i32
    %and3A_7 = arith.andi %eq3A_5, %ge3A_6 : i1
    %convert_element_type3A_8 = arith.extui %and3A_7 : i1 to i32
    %cond3A_9 = arith.constant 0 : i32
    %cond3A_10 = arith.cmpi ne, %convert_element_type3A_8, %cond3A_9 : i32
    scf.if %cond3A_10 {
      %mul3A_36 = arith.constant 640 : i32
      %mul3A_37 = arith.muli %arg1, %mul3A_36 : i32
      %mul3A_38 = arith.constant 640 : i32
      %mul3A_39 = arith.muli %arg1, %mul3A_38 : i32
      "tpu.region"() ({
        %run_scoped3A = tpu.sem_alloc : memref<!tpu.dma_semaphore, #tpu.memory_space<semaphore_mem>>
        %dma_start3A_44 = arith.constant 0 : i32
        %dma_start3A_45 = tpu.memref_slice %arg13[%mul3A_39, %dma_start3A_44] : memref<10240x64xf32, #tpu.memory_space<vmem_shared>> -> memref<400x64xf32, #tpu.memory_space<vmem_shared>>
        %dma_start3A_46 = arith.constant 0 : i32
        %dma_start3A_47 = tpu.memref_slice %arg2[%mul3A_37, %dma_start3A_46] : memref<10000x64xf32, #tpu.memory_space<hbm>> -> memref<400x64xf32, #tpu.memory_space<hbm>>
        tpu.enqueue_dma source(%dma_start3A_47 : memref<400x64xf32, #tpu.memory_space<hbm>>) target(%dma_start3A_45 : memref<400x64xf32, #tpu.memory_space<vmem_shared>>) target_semaphore(%run_scoped3A : memref<!tpu.dma_semaphore, #tpu.memory_space<semaphore_mem>>)
        %dma_wait3A_48 = arith.constant 0 : i32
        %dma_wait3A_49 = tpu.memref_slice %arg13[%mul3A_39, %dma_wait3A_48] : memref<10240x64xf32, #tpu.memory_space<vmem_shared>> -> memref<400x64xf32, #tpu.memory_space<vmem_shared>>
        %dma_wait3A_50 = arith.constant 0 : i32
        %dma_wait3A_51 = tpu.memref_slice %arg2[%mul3A_37, %dma_wait3A_50] : memref<10000x64xf32, #tpu.memory_space<hbm>> -> memref<400x64xf32, #tpu.memory_space<hbm>>
        tpu.wait_dma2 semaphore(%run_scoped3A : memref<!tpu.dma_semaphore, #tpu.memory_space<semaphore_mem>>) src(%dma_wait3A_51 : memref<400x64xf32, #tpu.memory_space<hbm>>) dst(%dma_wait3A_49 : memref<400x64xf32, #tpu.memory_space<vmem_shared>>)
        tpu.yield
      }) : () -> ()
      %mul3A_40 = arith.constant 640 : i32
      %mul3A_41 = arith.muli %arg1, %mul3A_40 : i32
      %add3A_42 = arith.constant 400 : i32
      %add3A_43 = arith.addi %mul3A_41, %add3A_42 : i32
      "tpu.region"() ({
        %run_scoped3A = tpu.sem_alloc : memref<!tpu.dma_semaphore, #tpu.memory_space<semaphore_mem>>
        %dma_start3A_44 = arith.constant 0 : i32
        %dma_start3A_45 = tpu.memref_slice %arg13[%add3A_43, %dma_start3A_44] : memref<10240x64xf32, #tpu.memory_space<vmem_shared>> -> memref<240x64xf32, #tpu.memory_space<vmem_shared>>
        %dma_start3A_46 = arith.constant 0 : i32
        %dma_start3A_47 = arith.constant 0 : i32
        %dma_start3A_48 = tpu.memref_slice %arg5[%dma_start3A_46, %dma_start3A_47] : memref<640x64xf32, #tpu.memory_space<hbm>> -> memref<240x64xf32, #tpu.memory_space<hbm>>
        tpu.enqueue_dma source(%dma_start3A_48 : memref<240x64xf32, #tpu.memory_space<hbm>>) target(%dma_start3A_45 : memref<240x64xf32, #tpu.memory_space<vmem_shared>>) target_semaphore(%run_scoped3A : memref<!tpu.dma_semaphore, #tpu.memory_space<semaphore_mem>>)
        %dma_wait3A_49 = arith.constant 0 : i32
        %dma_wait3A_50 = tpu.memref_slice %arg13[%add3A_43, %dma_wait3A_49] : memref<10240x64xf32, #tpu.memory_space<vmem_shared>> -> memref<240x64xf32, #tpu.memory_space<vmem_shared>>
        %dma_wait3A_51 = arith.constant 0 : i32
        %dma_wait3A_52 = arith.constant 0 : i32
        %dma_wait3A_53 = tpu.memref_slice %arg5[%dma_wait3A_51, %dma_wait3A_52] : memref<640x64xf32, #tpu.memory_space<hbm>> -> memref<240x64xf32, #tpu.memory_space<hbm>>
        tpu.wait_dma2 semaphore(%run_scoped3A : memref<!tpu.dma_semaphore, #tpu.memory_space<semaphore_mem>>) src(%dma_wait3A_53 : memref<240x64xf32, #tpu.memory_space<hbm>>) dst(%dma_wait3A_50 : memref<240x64xf32, #tpu.memory_space<vmem_shared>>)
        tpu.yield
      }) : () -> ()
    } else {
    }
    %ne3A = arith.constant 0 : i32
    %ne3A_11 = arith.cmpi ne, %arg0, %ne3A : i32
    %convert_element_type3A_12 = arith.extui %ne3A_11 : i1 to i32
    %cond3A_13 = arith.constant 0 : i32
    %cond3A_14 = arith.cmpi ne, %convert_element_type3A_12, %cond3A_13 : i32
    scf.if %cond3A_14 {
      %mul3A_36 = arith.constant 640 : i32
      %mul3A_37 = arith.muli %arg1, %mul3A_36 : i32
      "tpu.region"() ({
        %run_scoped3A = tpu.sem_alloc : memref<!tpu.dma_semaphore, #tpu.memory_space<semaphore_mem>>
        %dma_start3A_38 = arith.constant 0 : i32
        %dma_start3A_39 = tpu.memref_slice %arg13[%mul3A_37, %dma_start3A_38] : memref<10240x64xf32, #tpu.memory_space<vmem_shared>> -> memref<640x64xf32, #tpu.memory_space<vmem_shared>>
        tpu.enqueue_dma source(%arg5 : memref<640x64xf32, #tpu.memory_space<hbm>>) target(%dma_start3A_39 : memref<640x64xf32, #tpu.memory_space<vmem_shared>>) target_semaphore(%run_scoped3A : memref<!tpu.dma_semaphore, #tpu.memory_space<semaphore_mem>>)
        %dma_wait3A_40 = arith.constant 0 : i32
        %dma_wait3A_41 = tpu.memref_slice %arg13[%mul3A_37, %dma_wait3A_40] : memref<10240x64xf32, #tpu.memory_space<vmem_shared>> -> memref<640x64xf32, #tpu.memory_space<vmem_shared>>
        tpu.wait_dma2 semaphore(%run_scoped3A : memref<!tpu.dma_semaphore, #tpu.memory_space<semaphore_mem>>) src(%arg5 : memref<640x64xf32, #tpu.memory_space<hbm>>) dst(%dma_wait3A_41 : memref<640x64xf32, #tpu.memory_space<vmem_shared>>)
        tpu.yield
      }) : () -> ()
    } else {
    }
    %mul3A_15 = arith.constant 10240 : i32
    %mul3A_16 = arith.muli %add3A, %mul3A_15 : i32
    "tpu.region"() ({
      %run_scoped3A = tpu.sem_alloc : memref<!tpu.dma_semaphore, #tpu.memory_space<semaphore_mem>>
      %dma_start3A_36 = tpu.memref_slice %arg3[%mul3A_16] : memref<327680xi32, #tpu.memory_space<hbm>> -> memref<10240xi32, #tpu.memory_space<hbm>>
      %dma_start3A_37 = tpu.memref_slice %arg3[%mul3A_16] : memref<327680xi32, #tpu.memory_space<hbm>> -> memref<10240xi32, #tpu.memory_space<hbm>>
      tpu.enqueue_dma source(%dma_start3A_37 : memref<10240xi32, #tpu.memory_space<hbm>>) target(%arg7 : memref<10240xi32, #tpu.memory_space<vmem>>) target_semaphore(%run_scoped3A : memref<!tpu.dma_semaphore, #tpu.memory_space<semaphore_mem>>)
      %dma_wait3A_38 = tpu.memref_slice %arg3[%mul3A_16] : memref<327680xi32, #tpu.memory_space<hbm>> -> memref<10240xi32, #tpu.memory_space<hbm>>
      %dma_wait3A_39 = tpu.memref_slice %arg3[%mul3A_16] : memref<327680xi32, #tpu.memory_space<hbm>> -> memref<10240xi32, #tpu.memory_space<hbm>>
      tpu.wait_dma2 semaphore(%run_scoped3A : memref<!tpu.dma_semaphore, #tpu.memory_space<semaphore_mem>>) src(%dma_wait3A_39 : memref<10240xi32, #tpu.memory_space<hbm>>) dst(%arg7 : memref<10240xi32, #tpu.memory_space<vmem>>)
      tpu.yield
    }) : () -> ()
    %mul3A_17 = arith.constant 10240 : i32
    %mul3A_18 = arith.muli %add3A, %mul3A_17 : i32
    "tpu.region"() ({
      %run_scoped3A = tpu.sem_alloc : memref<!tpu.dma_semaphore, #tpu.memory_space<semaphore_mem>>
      %dma_start3A_36 = tpu.memref_slice %arg4[%mul3A_18] : memref<327680xi32, #tpu.memory_space<hbm>> -> memref<10240xi32, #tpu.memory_space<hbm>>
      %dma_start3A_37 = tpu.memref_slice %arg4[%mul3A_18] : memref<327680xi32, #tpu.memory_space<hbm>> -> memref<10240xi32, #tpu.memory_space<hbm>>
      tpu.enqueue_dma source(%dma_start3A_37 : memref<10240xi32, #tpu.memory_space<hbm>>) target(%arg8 : memref<10240xi32, #tpu.memory_space<vmem>>) target_semaphore(%run_scoped3A : memref<!tpu.dma_semaphore, #tpu.memory_space<semaphore_mem>>)
      %dma_wait3A_38 = tpu.memref_slice %arg4[%mul3A_18] : memref<327680xi32, #tpu.memory_space<hbm>> -> memref<10240xi32, #tpu.memory_space<hbm>>
      %dma_wait3A_39 = tpu.memref_slice %arg4[%mul3A_18] : memref<327680xi32, #tpu.memory_space<hbm>> -> memref<10240xi32, #tpu.memory_space<hbm>>
      tpu.wait_dma2 semaphore(%run_scoped3A : memref<!tpu.dma_semaphore, #tpu.memory_space<semaphore_mem>>) src(%dma_wait3A_39 : memref<10240xi32, #tpu.memory_space<hbm>>) dst(%arg8 : memref<10240xi32, #tpu.memory_space<vmem>>)
      tpu.yield
    }) : () -> ()
    %barrier3A = arith.constant 0 : index
    tpu.barrier barrier_id(%barrier3A)
    %dma_start3A = arith.constant 0 : i32
    %dma_start3A_19 = tpu.memref_slice %arg7[%dma_start3A] : memref<10240xi32, #tpu.memory_space<vmem>> -> memref<256xi32, #tpu.memory_space<vmem>>
    %dma_start3A_20 = arith.constant 0 : i32
    %dma_start3A_21 = arith.constant 0 : i32
    %dma_start3A_22 = tpu.memref_slice %arg2[%dma_start3A_20, %dma_start3A_21] : memref<10000x64xf32, #tpu.memory_space<hbm>> -> memref<10000x64xf32, #tpu.memory_space<hbm>>
    tpu.enqueue_indirect_dma source(%dma_start3A_22 : memref<10000x64xf32, #tpu.memory_space<hbm>>) target(%arg11 : memref<256x64xf32, #tpu.memory_space<vmem>>) offsets(%dma_start3A_19 : memref<256xi32, #tpu.memory_space<vmem>>) semaphore(%arg14 : memref<!tpu.dma_semaphore, #tpu.memory_space<semaphore_mem>>)
    %scan3A = arith.constant 0 : i32
    %scan3A_23 = arith.constant 20 : i32
    %scan3A_24 = arith.addi %scan3A, %scan3A_23 : i32
    %scan3A_25 = arith.constant 1 : i32
    scf.for %scan3A_36 = %scan3A to %scan3A_24 step %scan3A_25  : i32 {
      %mul3A_37 = arith.constant 2 : i32
      %mul3A_38 = arith.muli %mul3A_37, %scan3A_36 : i32
      %add3A_39 = arith.constant 1 : i32
      %add3A_40 = arith.addi %mul3A_38, %add3A_39 : i32
      %mul3A_41 = arith.constant 256 : i32
      %mul3A_42 = arith.muli %add3A_40, %mul3A_41 : i32
      %dma_start3A_43 = tpu.memref_slice %arg7[%mul3A_42] : memref<10240xi32, #tpu.memory_space<vmem>> -> memref<256xi32, #tpu.memory_space<vmem>>
      %dma_start3A_44 = arith.constant 0 : i32
      %dma_start3A_45 = arith.constant 0 : i32
      %dma_start3A_46 = tpu.memref_slice %arg2[%dma_start3A_44, %dma_start3A_45] : memref<10000x64xf32, #tpu.memory_space<hbm>> -> memref<10000x64xf32, #tpu.memory_space<hbm>>
      tpu.enqueue_indirect_dma source(%dma_start3A_46 : memref<10000x64xf32, #tpu.memory_space<hbm>>) target(%arg12 : memref<256x64xf32, #tpu.memory_space<vmem>>) offsets(%dma_start3A_43 : memref<256xi32, #tpu.memory_space<vmem>>) semaphore(%arg15 : memref<!tpu.dma_semaphore, #tpu.memory_space<semaphore_mem>>)
      %mul3A_47 = arith.constant 256 : i32
      %mul3A_48 = arith.muli %mul3A_38, %mul3A_47 : i32
      %dma_wait3A_49 = tpu.memref_slice %arg7[%mul3A_48] : memref<10240xi32, #tpu.memory_space<vmem>> -> memref<256xi32, #tpu.memory_space<vmem>>
      %dma_wait3A_50 = arith.constant 0 : i32
      %dma_wait3A_51 = arith.constant 0 : i32
      %dma_wait3A_52 = tpu.memref_slice %arg2[%dma_wait3A_50, %dma_wait3A_51] : memref<10000x64xf32, #tpu.memory_space<hbm>> -> memref<10000x64xf32, #tpu.memory_space<hbm>>
      tpu.wait_indirect_dma semaphore(%arg14 : memref<!tpu.dma_semaphore, #tpu.memory_space<semaphore_mem>>) src(%dma_wait3A_52 : memref<10000x64xf32, #tpu.memory_space<hbm>>) dst(%arg11 : memref<256x64xf32, #tpu.memory_space<vmem>>)
      %mul3A_53 = arith.constant 256 : i32
      %mul3A_54 = arith.muli %mul3A_38, %mul3A_53 : i32
      "tpu.region"() ({
        %run_scoped3A = tpu.sem_alloc : memref<!tpu.dma_semaphore, #tpu.memory_space<semaphore_mem>>
        %dma_start3A_72 = tpu.memref_slice %arg8[%mul3A_54] : memref<10240xi32, #tpu.memory_space<vmem>> -> memref<256xi32, #tpu.memory_space<vmem>>
        %dma_start3A_73 = arith.constant 0 : i32
        %dma_start3A_74 = arith.constant 0 : i32
        %dma_start3A_75 = tpu.memref_slice %arg13[%dma_start3A_73, %dma_start3A_74] : memref<10240x64xf32, #tpu.memory_space<vmem_shared>> -> memref<10240x64xf32, #tpu.memory_space<vmem_shared>>
        tpu.enqueue_indirect_dma source(%arg11 : memref<256x64xf32, #tpu.memory_space<vmem>>) target(%dma_start3A_75 : memref<10240x64xf32, #tpu.memory_space<vmem_shared>>) offsets(%dma_start3A_72 : memref<256xi32, #tpu.memory_space<vmem>>) semaphore(%run_scoped3A : memref<!tpu.dma_semaphore, #tpu.memory_space<semaphore_mem>>) {add = true}
        %dma_wait3A_76 = tpu.memref_slice %arg8[%mul3A_54] : memref<10240xi32, #tpu.memory_space<vmem>> -> memref<256xi32, #tpu.memory_space<vmem>>
        %dma_wait3A_77 = arith.constant 0 : i32
        %dma_wait3A_78 = arith.constant 0 : i32
        %dma_wait3A_79 = tpu.memref_slice %arg13[%dma_wait3A_77, %dma_wait3A_78] : memref<10240x64xf32, #tpu.memory_space<vmem_shared>> -> memref<10240x64xf32, #tpu.memory_space<vmem_shared>>
        tpu.wait_indirect_dma semaphore(%run_scoped3A : memref<!tpu.dma_semaphore, #tpu.memory_space<semaphore_mem>>) src(%arg11 : memref<256x64xf32, #tpu.memory_space<vmem>>) dst(%dma_wait3A_79 : memref<10240x64xf32, #tpu.memory_space<vmem_shared>>)
        tpu.yield
      }) : () -> ()
      %add3A_55 = arith.constant 2 : i32
      %add3A_56 = arith.addi %mul3A_38, %add3A_55 : i32
      %min3A = arith.constant 39 : i32
      %min3A_57 = arith.minsi %add3A_56, %min3A : i32
      %mul3A_58 = arith.constant 256 : i32
      %mul3A_59 = arith.muli %min3A_57, %mul3A_58 : i32
      %dma_start3A_60 = tpu.memref_slice %arg7[%mul3A_59] : memref<10240xi32, #tpu.memory_space<vmem>> -> memref<256xi32, #tpu.memory_space<vmem>>
      %dma_start3A_61 = arith.constant 0 : i32
      %dma_start3A_62 = arith.constant 0 : i32
      %dma_start3A_63 = tpu.memref_slice %arg2[%dma_start3A_61, %dma_start3A_62] : memref<10000x64xf32, #tpu.memory_space<hbm>> -> memref<10000x64xf32, #tpu.memory_space<hbm>>
      tpu.enqueue_indirect_dma source(%dma_start3A_63 : memref<10000x64xf32, #tpu.memory_space<hbm>>) target(%arg11 : memref<256x64xf32, #tpu.memory_space<vmem>>) offsets(%dma_start3A_60 : memref<256xi32, #tpu.memory_space<vmem>>) semaphore(%arg14 : memref<!tpu.dma_semaphore, #tpu.memory_space<semaphore_mem>>)
      %mul3A_64 = arith.constant 256 : i32
      %mul3A_65 = arith.muli %add3A_40, %mul3A_64 : i32
      %dma_wait3A_66 = tpu.memref_slice %arg7[%mul3A_65] : memref<10240xi32, #tpu.memory_space<vmem>> -> memref<256xi32, #tpu.memory_space<vmem>>
      %dma_wait3A_67 = arith.constant 0 : i32
      %dma_wait3A_68 = arith.constant 0 : i32
      %dma_wait3A_69 = tpu.memref_slice %arg2[%dma_wait3A_67, %dma_wait3A_68] : memref<10000x64xf32, #tpu.memory_space<hbm>> -> memref<10000x64xf32, #tpu.memory_space<hbm>>
      tpu.wait_indirect_dma semaphore(%arg15 : memref<!tpu.dma_semaphore, #tpu.memory_space<semaphore_mem>>) src(%dma_wait3A_69 : memref<10000x64xf32, #tpu.memory_space<hbm>>) dst(%arg12 : memref<256x64xf32, #tpu.memory_space<vmem>>)
      %mul3A_70 = arith.constant 256 : i32
      %mul3A_71 = arith.muli %add3A_40, %mul3A_70 : i32
      "tpu.region"() ({
        %run_scoped3A = tpu.sem_alloc : memref<!tpu.dma_semaphore, #tpu.memory_space<semaphore_mem>>
        %dma_start3A_72 = tpu.memref_slice %arg8[%mul3A_71] : memref<10240xi32, #tpu.memory_space<vmem>> -> memref<256xi32, #tpu.memory_space<vmem>>
        %dma_start3A_73 = arith.constant 0 : i32
        %dma_start3A_74 = arith.constant 0 : i32
        %dma_start3A_75 = tpu.memref_slice %arg13[%dma_start3A_73, %dma_start3A_74] : memref<10240x64xf32, #tpu.memory_space<vmem_shared>> -> memref<10240x64xf32, #tpu.memory_space<vmem_shared>>
        tpu.enqueue_indirect_dma source(%arg12 : memref<256x64xf32, #tpu.memory_space<vmem>>) target(%dma_start3A_75 : memref<10240x64xf32, #tpu.memory_space<vmem_shared>>) offsets(%dma_start3A_72 : memref<256xi32, #tpu.memory_space<vmem>>) semaphore(%run_scoped3A : memref<!tpu.dma_semaphore, #tpu.memory_space<semaphore_mem>>) {add = true}
        %dma_wait3A_76 = tpu.memref_slice %arg8[%mul3A_71] : memref<10240xi32, #tpu.memory_space<vmem>> -> memref<256xi32, #tpu.memory_space<vmem>>
        %dma_wait3A_77 = arith.constant 0 : i32
        %dma_wait3A_78 = arith.constant 0 : i32
        %dma_wait3A_79 = tpu.memref_slice %arg13[%dma_wait3A_77, %dma_wait3A_78] : memref<10240x64xf32, #tpu.memory_space<vmem_shared>> -> memref<10240x64xf32, #tpu.memory_space<vmem_shared>>
        tpu.wait_indirect_dma semaphore(%run_scoped3A : memref<!tpu.dma_semaphore, #tpu.memory_space<semaphore_mem>>) src(%arg12 : memref<256x64xf32, #tpu.memory_space<vmem>>) dst(%dma_wait3A_79 : memref<10240x64xf32, #tpu.memory_space<vmem_shared>>)
        tpu.yield
      }) : () -> ()
    }
    %scan3A_26 = arith.constant 20 : i32
    %dma_wait3A = arith.constant 9984 : i32
    %dma_wait3A_27 = tpu.memref_slice %arg7[%dma_wait3A] : memref<10240xi32, #tpu.memory_space<vmem>> -> memref<256xi32, #tpu.memory_space<vmem>>
    %dma_wait3A_28 = arith.constant 0 : i32
    %dma_wait3A_29 = arith.constant 0 : i32
    %dma_wait3A_30 = tpu.memref_slice %arg2[%dma_wait3A_28, %dma_wait3A_29] : memref<10000x64xf32, #tpu.memory_space<hbm>> -> memref<10000x64xf32, #tpu.memory_space<hbm>>
    tpu.wait_indirect_dma semaphore(%arg14 : memref<!tpu.dma_semaphore, #tpu.memory_space<semaphore_mem>>) src(%dma_wait3A_30 : memref<10000x64xf32, #tpu.memory_space<hbm>>) dst(%arg11 : memref<256x64xf32, #tpu.memory_space<vmem>>)
    %barrier3A_31 = arith.constant 0 : index
    tpu.barrier barrier_id(%barrier3A_31)
    %mul3A_32 = arith.constant 640 : i32
    %mul3A_33 = arith.muli %arg1, %mul3A_32 : i32
    %mul3A_34 = arith.constant 640 : i32
    %mul3A_35 = arith.muli %arg1, %mul3A_34 : i32
    "tpu.region"() ({
      %run_scoped3A = tpu.sem_alloc : memref<!tpu.dma_semaphore, #tpu.memory_space<semaphore_mem>>
      %dma_start3A_36 = arith.constant 0 : i32
      %dma_start3A_37 = tpu.memref_slice %arg6[%arg0, %mul3A_35, %dma_start3A_36] : memref<2x10240x64xf32, #tpu.memory_space<hbm>> -> memref<1x640x64xf32, #tpu.memory_space<hbm>>
      %dma_start3A_38 = tpu.memref_squeeze %dma_start3A_37 : memref<1x640x64xf32, #tpu.memory_space<hbm>> -> memref<640x64xf32, #tpu.memory_space<hbm>>
      %dma_start3A_39 = arith.constant 0 : i32
      %dma_start3A_40 = tpu.memref_slice %arg13[%mul3A_33, %dma_start3A_39] : memref<10240x64xf32, #tpu.memory_space<vmem_shared>> -> memref<640x64xf32, #tpu.memory_space<vmem_shared>>
      tpu.enqueue_dma source(%dma_start3A_40 : memref<640x64xf32, #tpu.memory_space<vmem_shared>>) target(%dma_start3A_38 : memref<640x64xf32, #tpu.memory_space<hbm>>) target_semaphore(%run_scoped3A : memref<!tpu.dma_semaphore, #tpu.memory_space<semaphore_mem>>)
      %dma_wait3A_41 = arith.constant 0 : i32
      %dma_wait3A_42 = tpu.memref_slice %arg6[%arg0, %mul3A_35, %dma_wait3A_41] : memref<2x10240x64xf32, #tpu.memory_space<hbm>> -> memref<1x640x64xf32, #tpu.memory_space<hbm>>
      %dma_wait3A_43 = tpu.memref_squeeze %dma_wait3A_42 : memref<1x640x64xf32, #tpu.memory_space<hbm>> -> memref<640x64xf32, #tpu.memory_space<hbm>>
      %dma_wait3A_44 = arith.constant 0 : i32
      %dma_wait3A_45 = tpu.memref_slice %arg13[%mul3A_33, %dma_wait3A_44] : memref<10240x64xf32, #tpu.memory_space<vmem_shared>> -> memref<640x64xf32, #tpu.memory_space<vmem_shared>>
      tpu.wait_dma2 semaphore(%run_scoped3A : memref<!tpu.dma_semaphore, #tpu.memory_space<semaphore_mem>>) src(%dma_wait3A_45 : memref<640x64xf32, #tpu.memory_space<vmem_shared>>) dst(%dma_wait3A_43 : memref<640x64xf32, #tpu.memory_space<hbm>>)
      tpu.yield
    }) : () -> ()
    return
  }
}

#map = affine_map<(d0, d1) -> (0, 0)>
#map1 = affine_map<(d0, d1) -> (0)>
#map2 = affine_map<(d0, d1) -> (0, 0, 0)>
module attributes {stable_mosaic.version = 14 : i64} {
  func.func @body(%arg0: i32, %arg1: i32, %arg2: memref<20000x64xf32, #tpu.memory_space<hbm>>, %arg3: memref<327680xi32, #tpu.memory_space<hbm>>, %arg4: memref<327680xi32, #tpu.memory_space<hbm>>, %arg5: memref<640x64xf32, #tpu.memory_space<hbm>>, %arg6: memref<2x10240x64xf32, #tpu.memory_space<hbm>>, %arg7: memref<10240xi32, #tpu.memory_space<vmem>>, %arg8: memref<10240xi32, #tpu.memory_space<vmem>>, %arg9: memref<5x128xi32, #tpu.memory_space<vmem>>, %arg10: memref<5x128xi32, #tpu.memory_space<vmem>>, %arg11: memref<256x64xf32, #tpu.memory_space<vmem>>, %arg12: memref<256x64xf32, #tpu.memory_space<vmem>>, %arg13: memref<10240x64xf32, #tpu.memory_space<vmem_shared>>, %arg14: memref<!tpu.dma_semaphore, #tpu.memory_space<semaphore_mem>>, %arg15: memref<!tpu.dma_semaphore, #tpu.memory_space<semaphore_mem>>) attributes {dimension_semantics = [#tpu.dimension_semantics<core_parallel>, #tpu.dimension_semantics<subcore_parallel>], iteration_bounds = array<i64: 2, 16>, scalar_prefetch = 0 : i64, scratch_operands = 9 : i64, tpu.core_type = #tpu.core_type<sc_vector_subcore>, window_params = [{transform_indices = #map}, {transform_indices = #map1}, {transform_indices = #map1}, {transform_indices = #map}, {transform_indices = #map2}]} {
    %mul3A = arith.constant 16 : i32
    %mul3A_0 = arith.muli %arg0, %mul3A : i32
    %add3A = arith.addi %mul3A_0, %arg1 : i32
    %mul3A_1 = arith.constant 640 : i32
    %mul3A_2 = arith.muli %arg1, %mul3A_1 : i32
    "tpu.region"() ({
      %run_scoped3A = tpu.sem_alloc : memref<!tpu.dma_semaphore, #tpu.memory_space<semaphore_mem>>
      %dma_start3A_911 = arith.constant 0 : i32
      %dma_start3A_912 = tpu.memref_slice %arg13[%mul3A_2, %dma_start3A_911] : memref<10240x64xf32, #tpu.memory_space<vmem_shared>> -> memref<640x64xf32, #tpu.memory_space<vmem_shared>>
      tpu.enqueue_dma source(%arg5 : memref<640x64xf32, #tpu.memory_space<hbm>>) target(%dma_start3A_912 : memref<640x64xf32, #tpu.memory_space<vmem_shared>>) target_semaphore(%run_scoped3A : memref<!tpu.dma_semaphore, #tpu.memory_space<semaphore_mem>>)
      %dma_wait3A_913 = arith.constant 0 : i32
      %dma_wait3A_914 = tpu.memref_slice %arg13[%mul3A_2, %dma_wait3A_913] : memref<10240x64xf32, #tpu.memory_space<vmem_shared>> -> memref<640x64xf32, #tpu.memory_space<vmem_shared>>
      tpu.wait_dma2 semaphore(%run_scoped3A : memref<!tpu.dma_semaphore, #tpu.memory_space<semaphore_mem>>) src(%arg5 : memref<640x64xf32, #tpu.memory_space<hbm>>) dst(%dma_wait3A_914 : memref<640x64xf32, #tpu.memory_space<vmem_shared>>)
      tpu.yield
    }) : () -> ()
    %iota3A = tpu.iota {dimensions = array<i32: 0>} : vector<16xi32>
    %mul3A_3 = arith.constant 640 : i32
    %mul3A_4 = arith.muli %arg1, %mul3A_3 : i32
    %add3A_5 = arith.constant 0 : i32
    %add3A_6 = arith.addi %mul3A_4, %add3A_5 : i32
    %add3A_7 = vector.broadcast %add3A_6 : i32 to vector<16xi32>
    %add3A_8 = arith.addi %add3A_7, %iota3A : vector<16xi32>
    %swap3A = arith.constant 0 : i32
    %swap3A_9 = arith.index_cast %swap3A : i32 to index
    %swap3A_10 = arith.constant 0 : index
    %swap3A_11 = tpu.vector_load %arg10[%swap3A_9, %swap3A_10] {strides = array<i32>} : memref<5x128xi32, #tpu.memory_space<vmem>>, vector<1x16xi32>,
    %swap3A_12 = vector.shape_cast %swap3A_11 : vector<1x16xi32> to vector<16xi32>
    %swap3A_13 = vector.shape_cast %add3A_8 : vector<16xi32> to vector<1x16xi32>
    tpu.vector_store %arg10[%swap3A_9, %swap3A_10], %swap3A_13 {strides = array<i32>} : memref<5x128xi32, #tpu.memory_space<vmem>>, vector<1x16xi32>,
    %min3A = arith.constant 9999 : i32
    %min3A_14 = vector.broadcast %min3A : i32 to vector<16xi32>
    %min3A_15 = arith.minsi %add3A_8, %min3A_14 : vector<16xi32>
    %mul3A_16 = arith.constant 2 : i32
    %mul3A_17 = vector.broadcast %mul3A_16 : i32 to vector<16xi32>
    %mul3A_18 = arith.muli %min3A_15, %mul3A_17 : vector<16xi32>
    %swap3A_19 = arith.constant 0 : i32
    %swap3A_20 = arith.index_cast %swap3A_19 : i32 to index
    %swap3A_21 = arith.constant 0 : index
    %swap3A_22 = tpu.vector_load %arg9[%swap3A_20, %swap3A_21] {strides = array<i32>} : memref<5x128xi32, #tpu.memory_space<vmem>>, vector<1x16xi32>,
    %swap3A_23 = vector.shape_cast %swap3A_22 : vector<1x16xi32> to vector<16xi32>
    %swap3A_24 = vector.shape_cast %mul3A_18 : vector<16xi32> to vector<1x16xi32>
    tpu.vector_store %arg9[%swap3A_20, %swap3A_21], %swap3A_24 {strides = array<i32>} : memref<5x128xi32, #tpu.memory_space<vmem>>, vector<1x16xi32>,
    %add3A_25 = arith.constant 16 : i32
    %add3A_26 = arith.addi %mul3A_4, %add3A_25 : i32
    %add3A_27 = vector.broadcast %add3A_26 : i32 to vector<16xi32>
    %add3A_28 = arith.addi %add3A_27, %iota3A : vector<16xi32>
    %swap3A_29 = arith.constant 0 : i32
    %swap3A_30 = arith.index_cast %swap3A_29 : i32 to index
    %swap3A_31 = arith.constant 16 : index
    %swap3A_32 = tpu.vector_load %arg10[%swap3A_30, %swap3A_31] {strides = array<i32>} : memref<5x128xi32, #tpu.memory_space<vmem>>, vector<1x16xi32>,
    %swap3A_33 = vector.shape_cast %swap3A_32 : vector<1x16xi32> to vector<16xi32>
    %swap3A_34 = vector.shape_cast %add3A_28 : vector<16xi32> to vector<1x16xi32>
    tpu.vector_store %arg10[%swap3A_30, %swap3A_31], %swap3A_34 {strides = array<i32>} : memref<5x128xi32, #tpu.memory_space<vmem>>, vector<1x16xi32>,
    %min3A_35 = arith.constant 9999 : i32
    %min3A_36 = vector.broadcast %min3A_35 : i32 to vector<16xi32>
    %min3A_37 = arith.minsi %add3A_28, %min3A_36 : vector<16xi32>
    %mul3A_38 = arith.constant 2 : i32
    %mul3A_39 = vector.broadcast %mul3A_38 : i32 to vector<16xi32>
    %mul3A_40 = arith.muli %min3A_37, %mul3A_39 : vector<16xi32>
    %swap3A_41 = arith.constant 0 : i32
    %swap3A_42 = arith.index_cast %swap3A_41 : i32 to index
    %swap3A_43 = arith.constant 16 : index
    %swap3A_44 = tpu.vector_load %arg9[%swap3A_42, %swap3A_43] {strides = array<i32>} : memref<5x128xi32, #tpu.memory_space<vmem>>, vector<1x16xi32>,
    %swap3A_45 = vector.shape_cast %swap3A_44 : vector<1x16xi32> to vector<16xi32>
    %swap3A_46 = vector.shape_cast %mul3A_40 : vector<16xi32> to vector<1x16xi32>
    tpu.vector_store %arg9[%swap3A_42, %swap3A_43], %swap3A_46 {strides = array<i32>} : memref<5x128xi32, #tpu.memory_space<vmem>>, vector<1x16xi32>,
    %add3A_47 = arith.constant 32 : i32
    %add3A_48 = arith.addi %mul3A_4, %add3A_47 : i32
    %add3A_49 = vector.broadcast %add3A_48 : i32 to vector<16xi32>
    %add3A_50 = arith.addi %add3A_49, %iota3A : vector<16xi32>
    %swap3A_51 = arith.constant 0 : i32
    %swap3A_52 = arith.index_cast %swap3A_51 : i32 to index
    %swap3A_53 = arith.constant 32 : index
    %swap3A_54 = tpu.vector_load %arg10[%swap3A_52, %swap3A_53] {strides = array<i32>} : memref<5x128xi32, #tpu.memory_space<vmem>>, vector<1x16xi32>,
    %swap3A_55 = vector.shape_cast %swap3A_54 : vector<1x16xi32> to vector<16xi32>
    %swap3A_56 = vector.shape_cast %add3A_50 : vector<16xi32> to vector<1x16xi32>
    tpu.vector_store %arg10[%swap3A_52, %swap3A_53], %swap3A_56 {strides = array<i32>} : memref<5x128xi32, #tpu.memory_space<vmem>>, vector<1x16xi32>,
    %min3A_57 = arith.constant 9999 : i32
    %min3A_58 = vector.broadcast %min3A_57 : i32 to vector<16xi32>
    %min3A_59 = arith.minsi %add3A_50, %min3A_58 : vector<16xi32>
    %mul3A_60 = arith.constant 2 : i32
    %mul3A_61 = vector.broadcast %mul3A_60 : i32 to vector<16xi32>
    %mul3A_62 = arith.muli %min3A_59, %mul3A_61 : vector<16xi32>
    %swap3A_63 = arith.constant 0 : i32
    %swap3A_64 = arith.index_cast %swap3A_63 : i32 to index
    %swap3A_65 = arith.constant 32 : index
    %swap3A_66 = tpu.vector_load %arg9[%swap3A_64, %swap3A_65] {strides = array<i32>} : memref<5x128xi32, #tpu.memory_space<vmem>>, vector<1x16xi32>,
    %swap3A_67 = vector.shape_cast %swap3A_66 : vector<1x16xi32> to vector<16xi32>
    %swap3A_68 = vector.shape_cast %mul3A_62 : vector<16xi32> to vector<1x16xi32>
    tpu.vector_store %arg9[%swap3A_64, %swap3A_65], %swap3A_68 {strides = array<i32>} : memref<5x128xi32, #tpu.memory_space<vmem>>, vector<1x16xi32>,
    %add3A_69 = arith.constant 48 : i32
    %add3A_70 = arith.addi %mul3A_4, %add3A_69 : i32
    %add3A_71 = vector.broadcast %add3A_70 : i32 to vector<16xi32>
    %add3A_72 = arith.addi %add3A_71, %iota3A : vector<16xi32>
    %swap3A_73 = arith.constant 0 : i32
    %swap3A_74 = arith.index_cast %swap3A_73 : i32 to index
    %swap3A_75 = arith.constant 48 : index
    %swap3A_76 = tpu.vector_load %arg10[%swap3A_74, %swap3A_75] {strides = array<i32>} : memref<5x128xi32, #tpu.memory_space<vmem>>, vector<1x16xi32>,
    %swap3A_77 = vector.shape_cast %swap3A_76 : vector<1x16xi32> to vector<16xi32>
    %swap3A_78 = vector.shape_cast %add3A_72 : vector<16xi32> to vector<1x16xi32>
    tpu.vector_store %arg10[%swap3A_74, %swap3A_75], %swap3A_78 {strides = array<i32>} : memref<5x128xi32, #tpu.memory_space<vmem>>, vector<1x16xi32>,
    %min3A_79 = arith.constant 9999 : i32
    %min3A_80 = vector.broadcast %min3A_79 : i32 to vector<16xi32>
    %min3A_81 = arith.minsi %add3A_72, %min3A_80 : vector<16xi32>
    %mul3A_82 = arith.constant 2 : i32
    %mul3A_83 = vector.broadcast %mul3A_82 : i32 to vector<16xi32>
    %mul3A_84 = arith.muli %min3A_81, %mul3A_83 : vector<16xi32>
    %swap3A_85 = arith.constant 0 : i32
    %swap3A_86 = arith.index_cast %swap3A_85 : i32 to index
    %swap3A_87 = arith.constant 48 : index
    %swap3A_88 = tpu.vector_load %arg9[%swap3A_86, %swap3A_87] {strides = array<i32>} : memref<5x128xi32, #tpu.memory_space<vmem>>, vector<1x16xi32>,
    %swap3A_89 = vector.shape_cast %swap3A_88 : vector<1x16xi32> to vector<16xi32>
    %swap3A_90 = vector.shape_cast %mul3A_84 : vector<16xi32> to vector<1x16xi32>
    tpu.vector_store %arg9[%swap3A_86, %swap3A_87], %swap3A_90 {strides = array<i32>} : memref<5x128xi32, #tpu.memory_space<vmem>>, vector<1x16xi32>,
    %add3A_91 = arith.constant 64 : i32
    %add3A_92 = arith.addi %mul3A_4, %add3A_91 : i32
    %add3A_93 = vector.broadcast %add3A_92 : i32 to vector<16xi32>
    %add3A_94 = arith.addi %add3A_93, %iota3A : vector<16xi32>
    %swap3A_95 = arith.constant 0 : i32
    %swap3A_96 = arith.index_cast %swap3A_95 : i32 to index
    %swap3A_97 = arith.constant 64 : index
    %swap3A_98 = tpu.vector_load %arg10[%swap3A_96, %swap3A_97] {strides = array<i32>} : memref<5x128xi32, #tpu.memory_space<vmem>>, vector<1x16xi32>,
    %swap3A_99 = vector.shape_cast %swap3A_98 : vector<1x16xi32> to vector<16xi32>
    %swap3A_100 = vector.shape_cast %add3A_94 : vector<16xi32> to vector<1x16xi32>
    tpu.vector_store %arg10[%swap3A_96, %swap3A_97], %swap3A_100 {strides = array<i32>} : memref<5x128xi32, #tpu.memory_space<vmem>>, vector<1x16xi32>,
    %min3A_101 = arith.constant 9999 : i32
    %min3A_102 = vector.broadcast %min3A_101 : i32 to vector<16xi32>
    %min3A_103 = arith.minsi %add3A_94, %min3A_102 : vector<16xi32>
    %mul3A_104 = arith.constant 2 : i32
    %mul3A_105 = vector.broadcast %mul3A_104 : i32 to vector<16xi32>
    %mul3A_106 = arith.muli %min3A_103, %mul3A_105 : vector<16xi32>
    %swap3A_107 = arith.constant 0 : i32
    %swap3A_108 = arith.index_cast %swap3A_107 : i32 to index
    %swap3A_109 = arith.constant 64 : index
    %swap3A_110 = tpu.vector_load %arg9[%swap3A_108, %swap3A_109] {strides = array<i32>} : memref<5x128xi32, #tpu.memory_space<vmem>>, vector<1x16xi32>,
    %swap3A_111 = vector.shape_cast %swap3A_110 : vector<1x16xi32> to vector<16xi32>
    %swap3A_112 = vector.shape_cast %mul3A_106 : vector<16xi32> to vector<1x16xi32>
    tpu.vector_store %arg9[%swap3A_108, %swap3A_109], %swap3A_112 {strides = array<i32>} : memref<5x128xi32, #tpu.memory_space<vmem>>, vector<1x16xi32>,
    %add3A_113 = arith.constant 80 : i32
    %add3A_114 = arith.addi %mul3A_4, %add3A_113 : i32
    %add3A_115 = vector.broadcast %add3A_114 : i32 to vector<16xi32>
    %add3A_116 = arith.addi %add3A_115, %iota3A : vector<16xi32>
    %swap3A_117 = arith.constant 0 : i32
    %swap3A_118 = arith.index_cast %swap3A_117 : i32 to index
    %swap3A_119 = arith.constant 80 : index
    %swap3A_120 = tpu.vector_load %arg10[%swap3A_118, %swap3A_119] {strides = array<i32>} : memref<5x128xi32, #tpu.memory_space<vmem>>, vector<1x16xi32>,
    %swap3A_121 = vector.shape_cast %swap3A_120 : vector<1x16xi32> to vector<16xi32>
    %swap3A_122 = vector.shape_cast %add3A_116 : vector<16xi32> to vector<1x16xi32>
    tpu.vector_store %arg10[%swap3A_118, %swap3A_119], %swap3A_122 {strides = array<i32>} : memref<5x128xi32, #tpu.memory_space<vmem>>, vector<1x16xi32>,
    %min3A_123 = arith.constant 9999 : i32
    %min3A_124 = vector.broadcast %min3A_123 : i32 to vector<16xi32>
    %min3A_125 = arith.minsi %add3A_116, %min3A_124 : vector<16xi32>
    %mul3A_126 = arith.constant 2 : i32
    %mul3A_127 = vector.broadcast %mul3A_126 : i32 to vector<16xi32>
    %mul3A_128 = arith.muli %min3A_125, %mul3A_127 : vector<16xi32>
    %swap3A_129 = arith.constant 0 : i32
    %swap3A_130 = arith.index_cast %swap3A_129 : i32 to index
    %swap3A_131 = arith.constant 80 : index
    %swap3A_132 = tpu.vector_load %arg9[%swap3A_130, %swap3A_131] {strides = array<i32>} : memref<5x128xi32, #tpu.memory_space<vmem>>, vector<1x16xi32>,
    %swap3A_133 = vector.shape_cast %swap3A_132 : vector<1x16xi32> to vector<16xi32>
    %swap3A_134 = vector.shape_cast %mul3A_128 : vector<16xi32> to vector<1x16xi32>
    tpu.vector_store %arg9[%swap3A_130, %swap3A_131], %swap3A_134 {strides = array<i32>} : memref<5x128xi32, #tpu.memory_space<vmem>>, vector<1x16xi32>,
    %add3A_135 = arith.constant 96 : i32
    %add3A_136 = arith.addi %mul3A_4, %add3A_135 : i32
    %add3A_137 = vector.broadcast %add3A_136 : i32 to vector<16xi32>
    %add3A_138 = arith.addi %add3A_137, %iota3A : vector<16xi32>
    %swap3A_139 = arith.constant 0 : i32
    %swap3A_140 = arith.index_cast %swap3A_139 : i32 to index
    %swap3A_141 = arith.constant 96 : index
    %swap3A_142 = tpu.vector_load %arg10[%swap3A_140, %swap3A_141] {strides = array<i32>} : memref<5x128xi32, #tpu.memory_space<vmem>>, vector<1x16xi32>,
    %swap3A_143 = vector.shape_cast %swap3A_142 : vector<1x16xi32> to vector<16xi32>
    %swap3A_144 = vector.shape_cast %add3A_138 : vector<16xi32> to vector<1x16xi32>
    tpu.vector_store %arg10[%swap3A_140, %swap3A_141], %swap3A_144 {strides = array<i32>} : memref<5x128xi32, #tpu.memory_space<vmem>>, vector<1x16xi32>,
    %min3A_145 = arith.constant 9999 : i32
    %min3A_146 = vector.broadcast %min3A_145 : i32 to vector<16xi32>
    %min3A_147 = arith.minsi %add3A_138, %min3A_146 : vector<16xi32>
    %mul3A_148 = arith.constant 2 : i32
    %mul3A_149 = vector.broadcast %mul3A_148 : i32 to vector<16xi32>
    %mul3A_150 = arith.muli %min3A_147, %mul3A_149 : vector<16xi32>
    %swap3A_151 = arith.constant 0 : i32
    %swap3A_152 = arith.index_cast %swap3A_151 : i32 to index
    %swap3A_153 = arith.constant 96 : index
    %swap3A_154 = tpu.vector_load %arg9[%swap3A_152, %swap3A_153] {strides = array<i32>} : memref<5x128xi32, #tpu.memory_space<vmem>>, vector<1x16xi32>,
    %swap3A_155 = vector.shape_cast %swap3A_154 : vector<1x16xi32> to vector<16xi32>
    %swap3A_156 = vector.shape_cast %mul3A_150 : vector<16xi32> to vector<1x16xi32>
    tpu.vector_store %arg9[%swap3A_152, %swap3A_153], %swap3A_156 {strides = array<i32>} : memref<5x128xi32, #tpu.memory_space<vmem>>, vector<1x16xi32>,
    %add3A_157 = arith.constant 112 : i32
    %add3A_158 = arith.addi %mul3A_4, %add3A_157 : i32
    %add3A_159 = vector.broadcast %add3A_158 : i32 to vector<16xi32>
    %add3A_160 = arith.addi %add3A_159, %iota3A : vector<16xi32>
    %swap3A_161 = arith.constant 0 : i32
    %swap3A_162 = arith.index_cast %swap3A_161 : i32 to index
    %swap3A_163 = arith.constant 112 : index
    %swap3A_164 = tpu.vector_load %arg10[%swap3A_162, %swap3A_163] {strides = array<i32>} : memref<5x128xi32, #tpu.memory_space<vmem>>, vector<1x16xi32>,
    %swap3A_165 = vector.shape_cast %swap3A_164 : vector<1x16xi32> to vector<16xi32>
    %swap3A_166 = vector.shape_cast %add3A_160 : vector<16xi32> to vector<1x16xi32>
    tpu.vector_store %arg10[%swap3A_162, %swap3A_163], %swap3A_166 {strides = array<i32>} : memref<5x128xi32, #tpu.memory_space<vmem>>, vector<1x16xi32>,
    %min3A_167 = arith.constant 9999 : i32
    %min3A_168 = vector.broadcast %min3A_167 : i32 to vector<16xi32>
    %min3A_169 = arith.minsi %add3A_160, %min3A_168 : vector<16xi32>
    %mul3A_170 = arith.constant 2 : i32
    %mul3A_171 = vector.broadcast %mul3A_170 : i32 to vector<16xi32>
    %mul3A_172 = arith.muli %min3A_169, %mul3A_171 : vector<16xi32>
    %swap3A_173 = arith.constant 0 : i32
    %swap3A_174 = arith.index_cast %swap3A_173 : i32 to index
    %swap3A_175 = arith.constant 112 : index
    %swap3A_176 = tpu.vector_load %arg9[%swap3A_174, %swap3A_175] {strides = array<i32>} : memref<5x128xi32, #tpu.memory_space<vmem>>, vector<1x16xi32>,
    %swap3A_177 = vector.shape_cast %swap3A_176 : vector<1x16xi32> to vector<16xi32>
    %swap3A_178 = vector.shape_cast %mul3A_172 : vector<16xi32> to vector<1x16xi32>
    tpu.vector_store %arg9[%swap3A_174, %swap3A_175], %swap3A_178 {strides = array<i32>} : memref<5x128xi32, #tpu.memory_space<vmem>>, vector<1x16xi32>,
    %add3A_179 = arith.constant 128 : i32
    %add3A_180 = arith.addi %mul3A_4, %add3A_179 : i32
    %add3A_181 = vector.broadcast %add3A_180 : i32 to vector<16xi32>
    %add3A_182 = arith.addi %add3A_181, %iota3A : vector<16xi32>
    %swap3A_183 = arith.constant 1 : i32
    %swap3A_184 = arith.index_cast %swap3A_183 : i32 to index
    %swap3A_185 = arith.constant 0 : index
    %swap3A_186 = tpu.vector_load %arg10[%swap3A_184, %swap3A_185] {strides = array<i32>} : memref<5x128xi32, #tpu.memory_space<vmem>>, vector<1x16xi32>,
    %swap3A_187 = vector.shape_cast %swap3A_186 : vector<1x16xi32> to vector<16xi32>
    %swap3A_188 = vector.shape_cast %add3A_182 : vector<16xi32> to vector<1x16xi32>
    tpu.vector_store %arg10[%swap3A_184, %swap3A_185], %swap3A_188 {strides = array<i32>} : memref<5x128xi32, #tpu.memory_space<vmem>>, vector<1x16xi32>,
    %min3A_189 = arith.constant 9999 : i32
    %min3A_190 = vector.broadcast %min3A_189 : i32 to vector<16xi32>
    %min3A_191 = arith.minsi %add3A_182, %min3A_190 : vector<16xi32>
    %mul3A_192 = arith.constant 2 : i32
    %mul3A_193 = vector.broadcast %mul3A_192 : i32 to vector<16xi32>
    %mul3A_194 = arith.muli %min3A_191, %mul3A_193 : vector<16xi32>
    %swap3A_195 = arith.constant 1 : i32
    %swap3A_196 = arith.index_cast %swap3A_195 : i32 to index
    %swap3A_197 = arith.constant 0 : index
    %swap3A_198 = tpu.vector_load %arg9[%swap3A_196, %swap3A_197] {strides = array<i32>} : memref<5x128xi32, #tpu.memory_space<vmem>>, vector<1x16xi32>,
    %swap3A_199 = vector.shape_cast %swap3A_198 : vector<1x16xi32> to vector<16xi32>
    %swap3A_200 = vector.shape_cast %mul3A_194 : vector<16xi32> to vector<1x16xi32>
    tpu.vector_store %arg9[%swap3A_196, %swap3A_197], %swap3A_200 {strides = array<i32>} : memref<5x128xi32, #tpu.memory_space<vmem>>, vector<1x16xi32>,
    %add3A_201 = arith.constant 144 : i32
    %add3A_202 = arith.addi %mul3A_4, %add3A_201 : i32
    %add3A_203 = vector.broadcast %add3A_202 : i32 to vector<16xi32>
    %add3A_204 = arith.addi %add3A_203, %iota3A : vector<16xi32>
    %swap3A_205 = arith.constant 1 : i32
    %swap3A_206 = arith.index_cast %swap3A_205 : i32 to index
    %swap3A_207 = arith.constant 16 : index
    %swap3A_208 = tpu.vector_load %arg10[%swap3A_206, %swap3A_207] {strides = array<i32>} : memref<5x128xi32, #tpu.memory_space<vmem>>, vector<1x16xi32>,
    %swap3A_209 = vector.shape_cast %swap3A_208 : vector<1x16xi32> to vector<16xi32>
    %swap3A_210 = vector.shape_cast %add3A_204 : vector<16xi32> to vector<1x16xi32>
    tpu.vector_store %arg10[%swap3A_206, %swap3A_207], %swap3A_210 {strides = array<i32>} : memref<5x128xi32, #tpu.memory_space<vmem>>, vector<1x16xi32>,
    %min3A_211 = arith.constant 9999 : i32
    %min3A_212 = vector.broadcast %min3A_211 : i32 to vector<16xi32>
    %min3A_213 = arith.minsi %add3A_204, %min3A_212 : vector<16xi32>
    %mul3A_214 = arith.constant 2 : i32
    %mul3A_215 = vector.broadcast %mul3A_214 : i32 to vector<16xi32>
    %mul3A_216 = arith.muli %min3A_213, %mul3A_215 : vector<16xi32>
    %swap3A_217 = arith.constant 1 : i32
    %swap3A_218 = arith.index_cast %swap3A_217 : i32 to index
    %swap3A_219 = arith.constant 16 : index
    %swap3A_220 = tpu.vector_load %arg9[%swap3A_218, %swap3A_219] {strides = array<i32>} : memref<5x128xi32, #tpu.memory_space<vmem>>, vector<1x16xi32>,
    %swap3A_221 = vector.shape_cast %swap3A_220 : vector<1x16xi32> to vector<16xi32>
    %swap3A_222 = vector.shape_cast %mul3A_216 : vector<16xi32> to vector<1x16xi32>
    tpu.vector_store %arg9[%swap3A_218, %swap3A_219], %swap3A_222 {strides = array<i32>} : memref<5x128xi32, #tpu.memory_space<vmem>>, vector<1x16xi32>,
    %add3A_223 = arith.constant 160 : i32
    %add3A_224 = arith.addi %mul3A_4, %add3A_223 : i32
    %add3A_225 = vector.broadcast %add3A_224 : i32 to vector<16xi32>
    %add3A_226 = arith.addi %add3A_225, %iota3A : vector<16xi32>
    %swap3A_227 = arith.constant 1 : i32
    %swap3A_228 = arith.index_cast %swap3A_227 : i32 to index
    %swap3A_229 = arith.constant 32 : index
    %swap3A_230 = tpu.vector_load %arg10[%swap3A_228, %swap3A_229] {strides = array<i32>} : memref<5x128xi32, #tpu.memory_space<vmem>>, vector<1x16xi32>,
    %swap3A_231 = vector.shape_cast %swap3A_230 : vector<1x16xi32> to vector<16xi32>
    %swap3A_232 = vector.shape_cast %add3A_226 : vector<16xi32> to vector<1x16xi32>
    tpu.vector_store %arg10[%swap3A_228, %swap3A_229], %swap3A_232 {strides = array<i32>} : memref<5x128xi32, #tpu.memory_space<vmem>>, vector<1x16xi32>,
    %min3A_233 = arith.constant 9999 : i32
    %min3A_234 = vector.broadcast %min3A_233 : i32 to vector<16xi32>
    %min3A_235 = arith.minsi %add3A_226, %min3A_234 : vector<16xi32>
    %mul3A_236 = arith.constant 2 : i32
    %mul3A_237 = vector.broadcast %mul3A_236 : i32 to vector<16xi32>
    %mul3A_238 = arith.muli %min3A_235, %mul3A_237 : vector<16xi32>
    %swap3A_239 = arith.constant 1 : i32
    %swap3A_240 = arith.index_cast %swap3A_239 : i32 to index
    %swap3A_241 = arith.constant 32 : index
    %swap3A_242 = tpu.vector_load %arg9[%swap3A_240, %swap3A_241] {strides = array<i32>} : memref<5x128xi32, #tpu.memory_space<vmem>>, vector<1x16xi32>,
    %swap3A_243 = vector.shape_cast %swap3A_242 : vector<1x16xi32> to vector<16xi32>
    %swap3A_244 = vector.shape_cast %mul3A_238 : vector<16xi32> to vector<1x16xi32>
    tpu.vector_store %arg9[%swap3A_240, %swap3A_241], %swap3A_244 {strides = array<i32>} : memref<5x128xi32, #tpu.memory_space<vmem>>, vector<1x16xi32>,
    %add3A_245 = arith.constant 176 : i32
    %add3A_246 = arith.addi %mul3A_4, %add3A_245 : i32
    %add3A_247 = vector.broadcast %add3A_246 : i32 to vector<16xi32>
    %add3A_248 = arith.addi %add3A_247, %iota3A : vector<16xi32>
    %swap3A_249 = arith.constant 1 : i32
    %swap3A_250 = arith.index_cast %swap3A_249 : i32 to index
    %swap3A_251 = arith.constant 48 : index
    %swap3A_252 = tpu.vector_load %arg10[%swap3A_250, %swap3A_251] {strides = array<i32>} : memref<5x128xi32, #tpu.memory_space<vmem>>, vector<1x16xi32>,
    %swap3A_253 = vector.shape_cast %swap3A_252 : vector<1x16xi32> to vector<16xi32>
    %swap3A_254 = vector.shape_cast %add3A_248 : vector<16xi32> to vector<1x16xi32>
    tpu.vector_store %arg10[%swap3A_250, %swap3A_251], %swap3A_254 {strides = array<i32>} : memref<5x128xi32, #tpu.memory_space<vmem>>, vector<1x16xi32>,
    %min3A_255 = arith.constant 9999 : i32
    %min3A_256 = vector.broadcast %min3A_255 : i32 to vector<16xi32>
    %min3A_257 = arith.minsi %add3A_248, %min3A_256 : vector<16xi32>
    %mul3A_258 = arith.constant 2 : i32
    %mul3A_259 = vector.broadcast %mul3A_258 : i32 to vector<16xi32>
    %mul3A_260 = arith.muli %min3A_257, %mul3A_259 : vector<16xi32>
    %swap3A_261 = arith.constant 1 : i32
    %swap3A_262 = arith.index_cast %swap3A_261 : i32 to index
    %swap3A_263 = arith.constant 48 : index
    %swap3A_264 = tpu.vector_load %arg9[%swap3A_262, %swap3A_263] {strides = array<i32>} : memref<5x128xi32, #tpu.memory_space<vmem>>, vector<1x16xi32>,
    %swap3A_265 = vector.shape_cast %swap3A_264 : vector<1x16xi32> to vector<16xi32>
    %swap3A_266 = vector.shape_cast %mul3A_260 : vector<16xi32> to vector<1x16xi32>
    tpu.vector_store %arg9[%swap3A_262, %swap3A_263], %swap3A_266 {strides = array<i32>} : memref<5x128xi32, #tpu.memory_space<vmem>>, vector<1x16xi32>,
    %add3A_267 = arith.constant 192 : i32
    %add3A_268 = arith.addi %mul3A_4, %add3A_267 : i32
    %add3A_269 = vector.broadcast %add3A_268 : i32 to vector<16xi32>
    %add3A_270 = arith.addi %add3A_269, %iota3A : vector<16xi32>
    %swap3A_271 = arith.constant 1 : i32
    %swap3A_272 = arith.index_cast %swap3A_271 : i32 to index
    %swap3A_273 = arith.constant 64 : index
    %swap3A_274 = tpu.vector_load %arg10[%swap3A_272, %swap3A_273] {strides = array<i32>} : memref<5x128xi32, #tpu.memory_space<vmem>>, vector<1x16xi32>,
    %swap3A_275 = vector.shape_cast %swap3A_274 : vector<1x16xi32> to vector<16xi32>
    %swap3A_276 = vector.shape_cast %add3A_270 : vector<16xi32> to vector<1x16xi32>
    tpu.vector_store %arg10[%swap3A_272, %swap3A_273], %swap3A_276 {strides = array<i32>} : memref<5x128xi32, #tpu.memory_space<vmem>>, vector<1x16xi32>,
    %min3A_277 = arith.constant 9999 : i32
    %min3A_278 = vector.broadcast %min3A_277 : i32 to vector<16xi32>
    %min3A_279 = arith.minsi %add3A_270, %min3A_278 : vector<16xi32>
    %mul3A_280 = arith.constant 2 : i32
    %mul3A_281 = vector.broadcast %mul3A_280 : i32 to vector<16xi32>
    %mul3A_282 = arith.muli %min3A_279, %mul3A_281 : vector<16xi32>
    %swap3A_283 = arith.constant 1 : i32
    %swap3A_284 = arith.index_cast %swap3A_283 : i32 to index
    %swap3A_285 = arith.constant 64 : index
    %swap3A_286 = tpu.vector_load %arg9[%swap3A_284, %swap3A_285] {strides = array<i32>} : memref<5x128xi32, #tpu.memory_space<vmem>>, vector<1x16xi32>,
    %swap3A_287 = vector.shape_cast %swap3A_286 : vector<1x16xi32> to vector<16xi32>
    %swap3A_288 = vector.shape_cast %mul3A_282 : vector<16xi32> to vector<1x16xi32>
    tpu.vector_store %arg9[%swap3A_284, %swap3A_285], %swap3A_288 {strides = array<i32>} : memref<5x128xi32, #tpu.memory_space<vmem>>, vector<1x16xi32>,
    %add3A_289 = arith.constant 208 : i32
    %add3A_290 = arith.addi %mul3A_4, %add3A_289 : i32
    %add3A_291 = vector.broadcast %add3A_290 : i32 to vector<16xi32>
    %add3A_292 = arith.addi %add3A_291, %iota3A : vector<16xi32>
    %swap3A_293 = arith.constant 1 : i32
    %swap3A_294 = arith.index_cast %swap3A_293 : i32 to index
    %swap3A_295 = arith.constant 80 : index
    %swap3A_296 = tpu.vector_load %arg10[%swap3A_294, %swap3A_295] {strides = array<i32>} : memref<5x128xi32, #tpu.memory_space<vmem>>, vector<1x16xi32>,
    %swap3A_297 = vector.shape_cast %swap3A_296 : vector<1x16xi32> to vector<16xi32>
    %swap3A_298 = vector.shape_cast %add3A_292 : vector<16xi32> to vector<1x16xi32>
    tpu.vector_store %arg10[%swap3A_294, %swap3A_295], %swap3A_298 {strides = array<i32>} : memref<5x128xi32, #tpu.memory_space<vmem>>, vector<1x16xi32>,
    %min3A_299 = arith.constant 9999 : i32
    %min3A_300 = vector.broadcast %min3A_299 : i32 to vector<16xi32>
    %min3A_301 = arith.minsi %add3A_292, %min3A_300 : vector<16xi32>
    %mul3A_302 = arith.constant 2 : i32
    %mul3A_303 = vector.broadcast %mul3A_302 : i32 to vector<16xi32>
    %mul3A_304 = arith.muli %min3A_301, %mul3A_303 : vector<16xi32>
    %swap3A_305 = arith.constant 1 : i32
    %swap3A_306 = arith.index_cast %swap3A_305 : i32 to index
    %swap3A_307 = arith.constant 80 : index
    %swap3A_308 = tpu.vector_load %arg9[%swap3A_306, %swap3A_307] {strides = array<i32>} : memref<5x128xi32, #tpu.memory_space<vmem>>, vector<1x16xi32>,
    %swap3A_309 = vector.shape_cast %swap3A_308 : vector<1x16xi32> to vector<16xi32>
    %swap3A_310 = vector.shape_cast %mul3A_304 : vector<16xi32> to vector<1x16xi32>
    tpu.vector_store %arg9[%swap3A_306, %swap3A_307], %swap3A_310 {strides = array<i32>} : memref<5x128xi32, #tpu.memory_space<vmem>>, vector<1x16xi32>,
    %add3A_311 = arith.constant 224 : i32
    %add3A_312 = arith.addi %mul3A_4, %add3A_311 : i32
    %add3A_313 = vector.broadcast %add3A_312 : i32 to vector<16xi32>
    %add3A_314 = arith.addi %add3A_313, %iota3A : vector<16xi32>
    %swap3A_315 = arith.constant 1 : i32
    %swap3A_316 = arith.index_cast %swap3A_315 : i32 to index
    %swap3A_317 = arith.constant 96 : index
    %swap3A_318 = tpu.vector_load %arg10[%swap3A_316, %swap3A_317] {strides = array<i32>} : memref<5x128xi32, #tpu.memory_space<vmem>>, vector<1x16xi32>,
    %swap3A_319 = vector.shape_cast %swap3A_318 : vector<1x16xi32> to vector<16xi32>
    %swap3A_320 = vector.shape_cast %add3A_314 : vector<16xi32> to vector<1x16xi32>
    tpu.vector_store %arg10[%swap3A_316, %swap3A_317], %swap3A_320 {strides = array<i32>} : memref<5x128xi32, #tpu.memory_space<vmem>>, vector<1x16xi32>,
    %min3A_321 = arith.constant 9999 : i32
    %min3A_322 = vector.broadcast %min3A_321 : i32 to vector<16xi32>
    %min3A_323 = arith.minsi %add3A_314, %min3A_322 : vector<16xi32>
    %mul3A_324 = arith.constant 2 : i32
    %mul3A_325 = vector.broadcast %mul3A_324 : i32 to vector<16xi32>
    %mul3A_326 = arith.muli %min3A_323, %mul3A_325 : vector<16xi32>
    %swap3A_327 = arith.constant 1 : i32
    %swap3A_328 = arith.index_cast %swap3A_327 : i32 to index
    %swap3A_329 = arith.constant 96 : index
    %swap3A_330 = tpu.vector_load %arg9[%swap3A_328, %swap3A_329] {strides = array<i32>} : memref<5x128xi32, #tpu.memory_space<vmem>>, vector<1x16xi32>,
    %swap3A_331 = vector.shape_cast %swap3A_330 : vector<1x16xi32> to vector<16xi32>
    %swap3A_332 = vector.shape_cast %mul3A_326 : vector<16xi32> to vector<1x16xi32>
    tpu.vector_store %arg9[%swap3A_328, %swap3A_329], %swap3A_332 {strides = array<i32>} : memref<5x128xi32, #tpu.memory_space<vmem>>, vector<1x16xi32>,
    %add3A_333 = arith.constant 240 : i32
    %add3A_334 = arith.addi %mul3A_4, %add3A_333 : i32
    %add3A_335 = vector.broadcast %add3A_334 : i32 to vector<16xi32>
    %add3A_336 = arith.addi %add3A_335, %iota3A : vector<16xi32>
    %swap3A_337 = arith.constant 1 : i32
    %swap3A_338 = arith.index_cast %swap3A_337 : i32 to index
    %swap3A_339 = arith.constant 112 : index
    %swap3A_340 = tpu.vector_load %arg10[%swap3A_338, %swap3A_339] {strides = array<i32>} : memref<5x128xi32, #tpu.memory_space<vmem>>, vector<1x16xi32>,
    %swap3A_341 = vector.shape_cast %swap3A_340 : vector<1x16xi32> to vector<16xi32>
    %swap3A_342 = vector.shape_cast %add3A_336 : vector<16xi32> to vector<1x16xi32>
    tpu.vector_store %arg10[%swap3A_338, %swap3A_339], %swap3A_342 {strides = array<i32>} : memref<5x128xi32, #tpu.memory_space<vmem>>, vector<1x16xi32>,
    %min3A_343 = arith.constant 9999 : i32
    %min3A_344 = vector.broadcast %min3A_343 : i32 to vector<16xi32>
    %min3A_345 = arith.minsi %add3A_336, %min3A_344 : vector<16xi32>
    %mul3A_346 = arith.constant 2 : i32
    %mul3A_347 = vector.broadcast %mul3A_346 : i32 to vector<16xi32>
    %mul3A_348 = arith.muli %min3A_345, %mul3A_347 : vector<16xi32>
    %swap3A_349 = arith.constant 1 : i32
    %swap3A_350 = arith.index_cast %swap3A_349 : i32 to index
    %swap3A_351 = arith.constant 112 : index
    %swap3A_352 = tpu.vector_load %arg9[%swap3A_350, %swap3A_351] {strides = array<i32>} : memref<5x128xi32, #tpu.memory_space<vmem>>, vector<1x16xi32>,
    %swap3A_353 = vector.shape_cast %swap3A_352 : vector<1x16xi32> to vector<16xi32>
    %swap3A_354 = vector.shape_cast %mul3A_348 : vector<16xi32> to vector<1x16xi32>
    tpu.vector_store %arg9[%swap3A_350, %swap3A_351], %swap3A_354 {strides = array<i32>} : memref<5x128xi32, #tpu.memory_space<vmem>>, vector<1x16xi32>,
    %add3A_355 = arith.constant 256 : i32
    %add3A_356 = arith.addi %mul3A_4, %add3A_355 : i32
    %add3A_357 = vector.broadcast %add3A_356 : i32 to vector<16xi32>
    %add3A_358 = arith.addi %add3A_357, %iota3A : vector<16xi32>
    %swap3A_359 = arith.constant 2 : i32
    %swap3A_360 = arith.index_cast %swap3A_359 : i32 to index
    %swap3A_361 = arith.constant 0 : index
    %swap3A_362 = tpu.vector_load %arg10[%swap3A_360, %swap3A_361] {strides = array<i32>} : memref<5x128xi32, #tpu.memory_space<vmem>>, vector<1x16xi32>,
    %swap3A_363 = vector.shape_cast %swap3A_362 : vector<1x16xi32> to vector<16xi32>
    %swap3A_364 = vector.shape_cast %add3A_358 : vector<16xi32> to vector<1x16xi32>
    tpu.vector_store %arg10[%swap3A_360, %swap3A_361], %swap3A_364 {strides = array<i32>} : memref<5x128xi32, #tpu.memory_space<vmem>>, vector<1x16xi32>,
    %min3A_365 = arith.constant 9999 : i32
    %min3A_366 = vector.broadcast %min3A_365 : i32 to vector<16xi32>
    %min3A_367 = arith.minsi %add3A_358, %min3A_366 : vector<16xi32>
    %mul3A_368 = arith.constant 2 : i32
    %mul3A_369 = vector.broadcast %mul3A_368 : i32 to vector<16xi32>
    %mul3A_370 = arith.muli %min3A_367, %mul3A_369 : vector<16xi32>
    %swap3A_371 = arith.constant 2 : i32
    %swap3A_372 = arith.index_cast %swap3A_371 : i32 to index
    %swap3A_373 = arith.constant 0 : index
    %swap3A_374 = tpu.vector_load %arg9[%swap3A_372, %swap3A_373] {strides = array<i32>} : memref<5x128xi32, #tpu.memory_space<vmem>>, vector<1x16xi32>,
    %swap3A_375 = vector.shape_cast %swap3A_374 : vector<1x16xi32> to vector<16xi32>
    %swap3A_376 = vector.shape_cast %mul3A_370 : vector<16xi32> to vector<1x16xi32>
    tpu.vector_store %arg9[%swap3A_372, %swap3A_373], %swap3A_376 {strides = array<i32>} : memref<5x128xi32, #tpu.memory_space<vmem>>, vector<1x16xi32>,
    %add3A_377 = arith.constant 272 : i32
    %add3A_378 = arith.addi %mul3A_4, %add3A_377 : i32
    %add3A_379 = vector.broadcast %add3A_378 : i32 to vector<16xi32>
    %add3A_380 = arith.addi %add3A_379, %iota3A : vector<16xi32>
    %swap3A_381 = arith.constant 2 : i32
    %swap3A_382 = arith.index_cast %swap3A_381 : i32 to index
    %swap3A_383 = arith.constant 16 : index
    %swap3A_384 = tpu.vector_load %arg10[%swap3A_382, %swap3A_383] {strides = array<i32>} : memref<5x128xi32, #tpu.memory_space<vmem>>, vector<1x16xi32>,
    %swap3A_385 = vector.shape_cast %swap3A_384 : vector<1x16xi32> to vector<16xi32>
    %swap3A_386 = vector.shape_cast %add3A_380 : vector<16xi32> to vector<1x16xi32>
    tpu.vector_store %arg10[%swap3A_382, %swap3A_383], %swap3A_386 {strides = array<i32>} : memref<5x128xi32, #tpu.memory_space<vmem>>, vector<1x16xi32>,
    %min3A_387 = arith.constant 9999 : i32
    %min3A_388 = vector.broadcast %min3A_387 : i32 to vector<16xi32>
    %min3A_389 = arith.minsi %add3A_380, %min3A_388 : vector<16xi32>
    %mul3A_390 = arith.constant 2 : i32
    %mul3A_391 = vector.broadcast %mul3A_390 : i32 to vector<16xi32>
    %mul3A_392 = arith.muli %min3A_389, %mul3A_391 : vector<16xi32>
    %swap3A_393 = arith.constant 2 : i32
    %swap3A_394 = arith.index_cast %swap3A_393 : i32 to index
    %swap3A_395 = arith.constant 16 : index
    %swap3A_396 = tpu.vector_load %arg9[%swap3A_394, %swap3A_395] {strides = array<i32>} : memref<5x128xi32, #tpu.memory_space<vmem>>, vector<1x16xi32>,
    %swap3A_397 = vector.shape_cast %swap3A_396 : vector<1x16xi32> to vector<16xi32>
    %swap3A_398 = vector.shape_cast %mul3A_392 : vector<16xi32> to vector<1x16xi32>
    tpu.vector_store %arg9[%swap3A_394, %swap3A_395], %swap3A_398 {strides = array<i32>} : memref<5x128xi32, #tpu.memory_space<vmem>>, vector<1x16xi32>,
    %add3A_399 = arith.constant 288 : i32
    %add3A_400 = arith.addi %mul3A_4, %add3A_399 : i32
    %add3A_401 = vector.broadcast %add3A_400 : i32 to vector<16xi32>
    %add3A_402 = arith.addi %add3A_401, %iota3A : vector<16xi32>
    %swap3A_403 = arith.constant 2 : i32
    %swap3A_404 = arith.index_cast %swap3A_403 : i32 to index
    %swap3A_405 = arith.constant 32 : index
    %swap3A_406 = tpu.vector_load %arg10[%swap3A_404, %swap3A_405] {strides = array<i32>} : memref<5x128xi32, #tpu.memory_space<vmem>>, vector<1x16xi32>,
    %swap3A_407 = vector.shape_cast %swap3A_406 : vector<1x16xi32> to vector<16xi32>
    %swap3A_408 = vector.shape_cast %add3A_402 : vector<16xi32> to vector<1x16xi32>
    tpu.vector_store %arg10[%swap3A_404, %swap3A_405], %swap3A_408 {strides = array<i32>} : memref<5x128xi32, #tpu.memory_space<vmem>>, vector<1x16xi32>,
    %min3A_409 = arith.constant 9999 : i32
    %min3A_410 = vector.broadcast %min3A_409 : i32 to vector<16xi32>
    %min3A_411 = arith.minsi %add3A_402, %min3A_410 : vector<16xi32>
    %mul3A_412 = arith.constant 2 : i32
    %mul3A_413 = vector.broadcast %mul3A_412 : i32 to vector<16xi32>
    %mul3A_414 = arith.muli %min3A_411, %mul3A_413 : vector<16xi32>
    %swap3A_415 = arith.constant 2 : i32
    %swap3A_416 = arith.index_cast %swap3A_415 : i32 to index
    %swap3A_417 = arith.constant 32 : index
    %swap3A_418 = tpu.vector_load %arg9[%swap3A_416, %swap3A_417] {strides = array<i32>} : memref<5x128xi32, #tpu.memory_space<vmem>>, vector<1x16xi32>,
    %swap3A_419 = vector.shape_cast %swap3A_418 : vector<1x16xi32> to vector<16xi32>
    %swap3A_420 = vector.shape_cast %mul3A_414 : vector<16xi32> to vector<1x16xi32>
    tpu.vector_store %arg9[%swap3A_416, %swap3A_417], %swap3A_420 {strides = array<i32>} : memref<5x128xi32, #tpu.memory_space<vmem>>, vector<1x16xi32>,
    %add3A_421 = arith.constant 304 : i32
    %add3A_422 = arith.addi %mul3A_4, %add3A_421 : i32
    %add3A_423 = vector.broadcast %add3A_422 : i32 to vector<16xi32>
    %add3A_424 = arith.addi %add3A_423, %iota3A : vector<16xi32>
    %swap3A_425 = arith.constant 2 : i32
    %swap3A_426 = arith.index_cast %swap3A_425 : i32 to index
    %swap3A_427 = arith.constant 48 : index
    %swap3A_428 = tpu.vector_load %arg10[%swap3A_426, %swap3A_427] {strides = array<i32>} : memref<5x128xi32, #tpu.memory_space<vmem>>, vector<1x16xi32>,
    %swap3A_429 = vector.shape_cast %swap3A_428 : vector<1x16xi32> to vector<16xi32>
    %swap3A_430 = vector.shape_cast %add3A_424 : vector<16xi32> to vector<1x16xi32>
    tpu.vector_store %arg10[%swap3A_426, %swap3A_427], %swap3A_430 {strides = array<i32>} : memref<5x128xi32, #tpu.memory_space<vmem>>, vector<1x16xi32>,
    %min3A_431 = arith.constant 9999 : i32
    %min3A_432 = vector.broadcast %min3A_431 : i32 to vector<16xi32>
    %min3A_433 = arith.minsi %add3A_424, %min3A_432 : vector<16xi32>
    %mul3A_434 = arith.constant 2 : i32
    %mul3A_435 = vector.broadcast %mul3A_434 : i32 to vector<16xi32>
    %mul3A_436 = arith.muli %min3A_433, %mul3A_435 : vector<16xi32>
    %swap3A_437 = arith.constant 2 : i32
    %swap3A_438 = arith.index_cast %swap3A_437 : i32 to index
    %swap3A_439 = arith.constant 48 : index
    %swap3A_440 = tpu.vector_load %arg9[%swap3A_438, %swap3A_439] {strides = array<i32>} : memref<5x128xi32, #tpu.memory_space<vmem>>, vector<1x16xi32>,
    %swap3A_441 = vector.shape_cast %swap3A_440 : vector<1x16xi32> to vector<16xi32>
    %swap3A_442 = vector.shape_cast %mul3A_436 : vector<16xi32> to vector<1x16xi32>
    tpu.vector_store %arg9[%swap3A_438, %swap3A_439], %swap3A_442 {strides = array<i32>} : memref<5x128xi32, #tpu.memory_space<vmem>>, vector<1x16xi32>,
    %add3A_443 = arith.constant 320 : i32
    %add3A_444 = arith.addi %mul3A_4, %add3A_443 : i32
    %add3A_445 = vector.broadcast %add3A_444 : i32 to vector<16xi32>
    %add3A_446 = arith.addi %add3A_445, %iota3A : vector<16xi32>
    %swap3A_447 = arith.constant 2 : i32
    %swap3A_448 = arith.index_cast %swap3A_447 : i32 to index
    %swap3A_449 = arith.constant 64 : index
    %swap3A_450 = tpu.vector_load %arg10[%swap3A_448, %swap3A_449] {strides = array<i32>} : memref<5x128xi32, #tpu.memory_space<vmem>>, vector<1x16xi32>,
    %swap3A_451 = vector.shape_cast %swap3A_450 : vector<1x16xi32> to vector<16xi32>
    %swap3A_452 = vector.shape_cast %add3A_446 : vector<16xi32> to vector<1x16xi32>
    tpu.vector_store %arg10[%swap3A_448, %swap3A_449], %swap3A_452 {strides = array<i32>} : memref<5x128xi32, #tpu.memory_space<vmem>>, vector<1x16xi32>,
    %min3A_453 = arith.constant 9999 : i32
    %min3A_454 = vector.broadcast %min3A_453 : i32 to vector<16xi32>
    %min3A_455 = arith.minsi %add3A_446, %min3A_454 : vector<16xi32>
    %mul3A_456 = arith.constant 2 : i32
    %mul3A_457 = vector.broadcast %mul3A_456 : i32 to vector<16xi32>
    %mul3A_458 = arith.muli %min3A_455, %mul3A_457 : vector<16xi32>
    %swap3A_459 = arith.constant 2 : i32
    %swap3A_460 = arith.index_cast %swap3A_459 : i32 to index
    %swap3A_461 = arith.constant 64 : index
    %swap3A_462 = tpu.vector_load %arg9[%swap3A_460, %swap3A_461] {strides = array<i32>} : memref<5x128xi32, #tpu.memory_space<vmem>>, vector<1x16xi32>,
    %swap3A_463 = vector.shape_cast %swap3A_462 : vector<1x16xi32> to vector<16xi32>
    %swap3A_464 = vector.shape_cast %mul3A_458 : vector<16xi32> to vector<1x16xi32>
    tpu.vector_store %arg9[%swap3A_460, %swap3A_461], %swap3A_464 {strides = array<i32>} : memref<5x128xi32, #tpu.memory_space<vmem>>, vector<1x16xi32>,
    %add3A_465 = arith.constant 336 : i32
    %add3A_466 = arith.addi %mul3A_4, %add3A_465 : i32
    %add3A_467 = vector.broadcast %add3A_466 : i32 to vector<16xi32>
    %add3A_468 = arith.addi %add3A_467, %iota3A : vector<16xi32>
    %swap3A_469 = arith.constant 2 : i32
    %swap3A_470 = arith.index_cast %swap3A_469 : i32 to index
    %swap3A_471 = arith.constant 80 : index
    %swap3A_472 = tpu.vector_load %arg10[%swap3A_470, %swap3A_471] {strides = array<i32>} : memref<5x128xi32, #tpu.memory_space<vmem>>, vector<1x16xi32>,
    %swap3A_473 = vector.shape_cast %swap3A_472 : vector<1x16xi32> to vector<16xi32>
    %swap3A_474 = vector.shape_cast %add3A_468 : vector<16xi32> to vector<1x16xi32>
    tpu.vector_store %arg10[%swap3A_470, %swap3A_471], %swap3A_474 {strides = array<i32>} : memref<5x128xi32, #tpu.memory_space<vmem>>, vector<1x16xi32>,
    %min3A_475 = arith.constant 9999 : i32
    %min3A_476 = vector.broadcast %min3A_475 : i32 to vector<16xi32>
    %min3A_477 = arith.minsi %add3A_468, %min3A_476 : vector<16xi32>
    %mul3A_478 = arith.constant 2 : i32
    %mul3A_479 = vector.broadcast %mul3A_478 : i32 to vector<16xi32>
    %mul3A_480 = arith.muli %min3A_477, %mul3A_479 : vector<16xi32>
    %swap3A_481 = arith.constant 2 : i32
    %swap3A_482 = arith.index_cast %swap3A_481 : i32 to index
    %swap3A_483 = arith.constant 80 : index
    %swap3A_484 = tpu.vector_load %arg9[%swap3A_482, %swap3A_483] {strides = array<i32>} : memref<5x128xi32, #tpu.memory_space<vmem>>, vector<1x16xi32>,
    %swap3A_485 = vector.shape_cast %swap3A_484 : vector<1x16xi32> to vector<16xi32>
    %swap3A_486 = vector.shape_cast %mul3A_480 : vector<16xi32> to vector<1x16xi32>
    tpu.vector_store %arg9[%swap3A_482, %swap3A_483], %swap3A_486 {strides = array<i32>} : memref<5x128xi32, #tpu.memory_space<vmem>>, vector<1x16xi32>,
    %add3A_487 = arith.constant 352 : i32
    %add3A_488 = arith.addi %mul3A_4, %add3A_487 : i32
    %add3A_489 = vector.broadcast %add3A_488 : i32 to vector<16xi32>
    %add3A_490 = arith.addi %add3A_489, %iota3A : vector<16xi32>
    %swap3A_491 = arith.constant 2 : i32
    %swap3A_492 = arith.index_cast %swap3A_491 : i32 to index
    %swap3A_493 = arith.constant 96 : index
    %swap3A_494 = tpu.vector_load %arg10[%swap3A_492, %swap3A_493] {strides = array<i32>} : memref<5x128xi32, #tpu.memory_space<vmem>>, vector<1x16xi32>,
    %swap3A_495 = vector.shape_cast %swap3A_494 : vector<1x16xi32> to vector<16xi32>
    %swap3A_496 = vector.shape_cast %add3A_490 : vector<16xi32> to vector<1x16xi32>
    tpu.vector_store %arg10[%swap3A_492, %swap3A_493], %swap3A_496 {strides = array<i32>} : memref<5x128xi32, #tpu.memory_space<vmem>>, vector<1x16xi32>,
    %min3A_497 = arith.constant 9999 : i32
    %min3A_498 = vector.broadcast %min3A_497 : i32 to vector<16xi32>
    %min3A_499 = arith.minsi %add3A_490, %min3A_498 : vector<16xi32>
    %mul3A_500 = arith.constant 2 : i32
    %mul3A_501 = vector.broadcast %mul3A_500 : i32 to vector<16xi32>
    %mul3A_502 = arith.muli %min3A_499, %mul3A_501 : vector<16xi32>
    %swap3A_503 = arith.constant 2 : i32
    %swap3A_504 = arith.index_cast %swap3A_503 : i32 to index
    %swap3A_505 = arith.constant 96 : index
    %swap3A_506 = tpu.vector_load %arg9[%swap3A_504, %swap3A_505] {strides = array<i32>} : memref<5x128xi32, #tpu.memory_space<vmem>>, vector<1x16xi32>,
    %swap3A_507 = vector.shape_cast %swap3A_506 : vector<1x16xi32> to vector<16xi32>
    %swap3A_508 = vector.shape_cast %mul3A_502 : vector<16xi32> to vector<1x16xi32>
    tpu.vector_store %arg9[%swap3A_504, %swap3A_505], %swap3A_508 {strides = array<i32>} : memref<5x128xi32, #tpu.memory_space<vmem>>, vector<1x16xi32>,
    %add3A_509 = arith.constant 368 : i32
    %add3A_510 = arith.addi %mul3A_4, %add3A_509 : i32
    %add3A_511 = vector.broadcast %add3A_510 : i32 to vector<16xi32>
    %add3A_512 = arith.addi %add3A_511, %iota3A : vector<16xi32>
    %swap3A_513 = arith.constant 2 : i32
    %swap3A_514 = arith.index_cast %swap3A_513 : i32 to index
    %swap3A_515 = arith.constant 112 : index
    %swap3A_516 = tpu.vector_load %arg10[%swap3A_514, %swap3A_515] {strides = array<i32>} : memref<5x128xi32, #tpu.memory_space<vmem>>, vector<1x16xi32>,
    %swap3A_517 = vector.shape_cast %swap3A_516 : vector<1x16xi32> to vector<16xi32>
    %swap3A_518 = vector.shape_cast %add3A_512 : vector<16xi32> to vector<1x16xi32>
    tpu.vector_store %arg10[%swap3A_514, %swap3A_515], %swap3A_518 {strides = array<i32>} : memref<5x128xi32, #tpu.memory_space<vmem>>, vector<1x16xi32>,
    %min3A_519 = arith.constant 9999 : i32
    %min3A_520 = vector.broadcast %min3A_519 : i32 to vector<16xi32>
    %min3A_521 = arith.minsi %add3A_512, %min3A_520 : vector<16xi32>
    %mul3A_522 = arith.constant 2 : i32
    %mul3A_523 = vector.broadcast %mul3A_522 : i32 to vector<16xi32>
    %mul3A_524 = arith.muli %min3A_521, %mul3A_523 : vector<16xi32>
    %swap3A_525 = arith.constant 2 : i32
    %swap3A_526 = arith.index_cast %swap3A_525 : i32 to index
    %swap3A_527 = arith.constant 112 : index
    %swap3A_528 = tpu.vector_load %arg9[%swap3A_526, %swap3A_527] {strides = array<i32>} : memref<5x128xi32, #tpu.memory_space<vmem>>, vector<1x16xi32>,
    %swap3A_529 = vector.shape_cast %swap3A_528 : vector<1x16xi32> to vector<16xi32>
    %swap3A_530 = vector.shape_cast %mul3A_524 : vector<16xi32> to vector<1x16xi32>
    tpu.vector_store %arg9[%swap3A_526, %swap3A_527], %swap3A_530 {strides = array<i32>} : memref<5x128xi32, #tpu.memory_space<vmem>>, vector<1x16xi32>,
    %add3A_531 = arith.constant 384 : i32
    %add3A_532 = arith.addi %mul3A_4, %add3A_531 : i32
    %add3A_533 = vector.broadcast %add3A_532 : i32 to vector<16xi32>
    %add3A_534 = arith.addi %add3A_533, %iota3A : vector<16xi32>
    %swap3A_535 = arith.constant 3 : i32
    %swap3A_536 = arith.index_cast %swap3A_535 : i32 to index
    %swap3A_537 = arith.constant 0 : index
    %swap3A_538 = tpu.vector_load %arg10[%swap3A_536, %swap3A_537] {strides = array<i32>} : memref<5x128xi32, #tpu.memory_space<vmem>>, vector<1x16xi32>,
    %swap3A_539 = vector.shape_cast %swap3A_538 : vector<1x16xi32> to vector<16xi32>
    %swap3A_540 = vector.shape_cast %add3A_534 : vector<16xi32> to vector<1x16xi32>
    tpu.vector_store %arg10[%swap3A_536, %swap3A_537], %swap3A_540 {strides = array<i32>} : memref<5x128xi32, #tpu.memory_space<vmem>>, vector<1x16xi32>,
    %min3A_541 = arith.constant 9999 : i32
    %min3A_542 = vector.broadcast %min3A_541 : i32 to vector<16xi32>
    %min3A_543 = arith.minsi %add3A_534, %min3A_542 : vector<16xi32>
    %mul3A_544 = arith.constant 2 : i32
    %mul3A_545 = vector.broadcast %mul3A_544 : i32 to vector<16xi32>
    %mul3A_546 = arith.muli %min3A_543, %mul3A_545 : vector<16xi32>
    %swap3A_547 = arith.constant 3 : i32
    %swap3A_548 = arith.index_cast %swap3A_547 : i32 to index
    %swap3A_549 = arith.constant 0 : index
    %swap3A_550 = tpu.vector_load %arg9[%swap3A_548, %swap3A_549] {strides = array<i32>} : memref<5x128xi32, #tpu.memory_space<vmem>>, vector<1x16xi32>,
    %swap3A_551 = vector.shape_cast %swap3A_550 : vector<1x16xi32> to vector<16xi32>
    %swap3A_552 = vector.shape_cast %mul3A_546 : vector<16xi32> to vector<1x16xi32>
    tpu.vector_store %arg9[%swap3A_548, %swap3A_549], %swap3A_552 {strides = array<i32>} : memref<5x128xi32, #tpu.memory_space<vmem>>, vector<1x16xi32>,
    %add3A_553 = arith.constant 400 : i32
    %add3A_554 = arith.addi %mul3A_4, %add3A_553 : i32
    %add3A_555 = vector.broadcast %add3A_554 : i32 to vector<16xi32>
    %add3A_556 = arith.addi %add3A_555, %iota3A : vector<16xi32>
    %swap3A_557 = arith.constant 3 : i32
    %swap3A_558 = arith.index_cast %swap3A_557 : i32 to index
    %swap3A_559 = arith.constant 16 : index
    %swap3A_560 = tpu.vector_load %arg10[%swap3A_558, %swap3A_559] {strides = array<i32>} : memref<5x128xi32, #tpu.memory_space<vmem>>, vector<1x16xi32>,
    %swap3A_561 = vector.shape_cast %swap3A_560 : vector<1x16xi32> to vector<16xi32>
    %swap3A_562 = vector.shape_cast %add3A_556 : vector<16xi32> to vector<1x16xi32>
    tpu.vector_store %arg10[%swap3A_558, %swap3A_559], %swap3A_562 {strides = array<i32>} : memref<5x128xi32, #tpu.memory_space<vmem>>, vector<1x16xi32>,
    %min3A_563 = arith.constant 9999 : i32
    %min3A_564 = vector.broadcast %min3A_563 : i32 to vector<16xi32>
    %min3A_565 = arith.minsi %add3A_556, %min3A_564 : vector<16xi32>
    %mul3A_566 = arith.constant 2 : i32
    %mul3A_567 = vector.broadcast %mul3A_566 : i32 to vector<16xi32>
    %mul3A_568 = arith.muli %min3A_565, %mul3A_567 : vector<16xi32>
    %swap3A_569 = arith.constant 3 : i32
    %swap3A_570 = arith.index_cast %swap3A_569 : i32 to index
    %swap3A_571 = arith.constant 16 : index
    %swap3A_572 = tpu.vector_load %arg9[%swap3A_570, %swap3A_571] {strides = array<i32>} : memref<5x128xi32, #tpu.memory_space<vmem>>, vector<1x16xi32>,
    %swap3A_573 = vector.shape_cast %swap3A_572 : vector<1x16xi32> to vector<16xi32>
    %swap3A_574 = vector.shape_cast %mul3A_568 : vector<16xi32> to vector<1x16xi32>
    tpu.vector_store %arg9[%swap3A_570, %swap3A_571], %swap3A_574 {strides = array<i32>} : memref<5x128xi32, #tpu.memory_space<vmem>>, vector<1x16xi32>,
    %add3A_575 = arith.constant 416 : i32
    %add3A_576 = arith.addi %mul3A_4, %add3A_575 : i32
    %add3A_577 = vector.broadcast %add3A_576 : i32 to vector<16xi32>
    %add3A_578 = arith.addi %add3A_577, %iota3A : vector<16xi32>
    %swap3A_579 = arith.constant 3 : i32
    %swap3A_580 = arith.index_cast %swap3A_579 : i32 to index
    %swap3A_581 = arith.constant 32 : index
    %swap3A_582 = tpu.vector_load %arg10[%swap3A_580, %swap3A_581] {strides = array<i32>} : memref<5x128xi32, #tpu.memory_space<vmem>>, vector<1x16xi32>,
    %swap3A_583 = vector.shape_cast %swap3A_582 : vector<1x16xi32> to vector<16xi32>
    %swap3A_584 = vector.shape_cast %add3A_578 : vector<16xi32> to vector<1x16xi32>
    tpu.vector_store %arg10[%swap3A_580, %swap3A_581], %swap3A_584 {strides = array<i32>} : memref<5x128xi32, #tpu.memory_space<vmem>>, vector<1x16xi32>,
    %min3A_585 = arith.constant 9999 : i32
    %min3A_586 = vector.broadcast %min3A_585 : i32 to vector<16xi32>
    %min3A_587 = arith.minsi %add3A_578, %min3A_586 : vector<16xi32>
    %mul3A_588 = arith.constant 2 : i32
    %mul3A_589 = vector.broadcast %mul3A_588 : i32 to vector<16xi32>
    %mul3A_590 = arith.muli %min3A_587, %mul3A_589 : vector<16xi32>
    %swap3A_591 = arith.constant 3 : i32
    %swap3A_592 = arith.index_cast %swap3A_591 : i32 to index
    %swap3A_593 = arith.constant 32 : index
    %swap3A_594 = tpu.vector_load %arg9[%swap3A_592, %swap3A_593] {strides = array<i32>} : memref<5x128xi32, #tpu.memory_space<vmem>>, vector<1x16xi32>,
    %swap3A_595 = vector.shape_cast %swap3A_594 : vector<1x16xi32> to vector<16xi32>
    %swap3A_596 = vector.shape_cast %mul3A_590 : vector<16xi32> to vector<1x16xi32>
    tpu.vector_store %arg9[%swap3A_592, %swap3A_593], %swap3A_596 {strides = array<i32>} : memref<5x128xi32, #tpu.memory_space<vmem>>, vector<1x16xi32>,
    %add3A_597 = arith.constant 432 : i32
    %add3A_598 = arith.addi %mul3A_4, %add3A_597 : i32
    %add3A_599 = vector.broadcast %add3A_598 : i32 to vector<16xi32>
    %add3A_600 = arith.addi %add3A_599, %iota3A : vector<16xi32>
    %swap3A_601 = arith.constant 3 : i32
    %swap3A_602 = arith.index_cast %swap3A_601 : i32 to index
    %swap3A_603 = arith.constant 48 : index
    %swap3A_604 = tpu.vector_load %arg10[%swap3A_602, %swap3A_603] {strides = array<i32>} : memref<5x128xi32, #tpu.memory_space<vmem>>, vector<1x16xi32>,
    %swap3A_605 = vector.shape_cast %swap3A_604 : vector<1x16xi32> to vector<16xi32>
    %swap3A_606 = vector.shape_cast %add3A_600 : vector<16xi32> to vector<1x16xi32>
    tpu.vector_store %arg10[%swap3A_602, %swap3A_603], %swap3A_606 {strides = array<i32>} : memref<5x128xi32, #tpu.memory_space<vmem>>, vector<1x16xi32>,
    %min3A_607 = arith.constant 9999 : i32
    %min3A_608 = vector.broadcast %min3A_607 : i32 to vector<16xi32>
    %min3A_609 = arith.minsi %add3A_600, %min3A_608 : vector<16xi32>
    %mul3A_610 = arith.constant 2 : i32
    %mul3A_611 = vector.broadcast %mul3A_610 : i32 to vector<16xi32>
    %mul3A_612 = arith.muli %min3A_609, %mul3A_611 : vector<16xi32>
    %swap3A_613 = arith.constant 3 : i32
    %swap3A_614 = arith.index_cast %swap3A_613 : i32 to index
    %swap3A_615 = arith.constant 48 : index
    %swap3A_616 = tpu.vector_load %arg9[%swap3A_614, %swap3A_615] {strides = array<i32>} : memref<5x128xi32, #tpu.memory_space<vmem>>, vector<1x16xi32>,
    %swap3A_617 = vector.shape_cast %swap3A_616 : vector<1x16xi32> to vector<16xi32>
    %swap3A_618 = vector.shape_cast %mul3A_612 : vector<16xi32> to vector<1x16xi32>
    tpu.vector_store %arg9[%swap3A_614, %swap3A_615], %swap3A_618 {strides = array<i32>} : memref<5x128xi32, #tpu.memory_space<vmem>>, vector<1x16xi32>,
    %add3A_619 = arith.constant 448 : i32
    %add3A_620 = arith.addi %mul3A_4, %add3A_619 : i32
    %add3A_621 = vector.broadcast %add3A_620 : i32 to vector<16xi32>
    %add3A_622 = arith.addi %add3A_621, %iota3A : vector<16xi32>
    %swap3A_623 = arith.constant 3 : i32
    %swap3A_624 = arith.index_cast %swap3A_623 : i32 to index
    %swap3A_625 = arith.constant 64 : index
    %swap3A_626 = tpu.vector_load %arg10[%swap3A_624, %swap3A_625] {strides = array<i32>} : memref<5x128xi32, #tpu.memory_space<vmem>>, vector<1x16xi32>,
    %swap3A_627 = vector.shape_cast %swap3A_626 : vector<1x16xi32> to vector<16xi32>
    %swap3A_628 = vector.shape_cast %add3A_622 : vector<16xi32> to vector<1x16xi32>
    tpu.vector_store %arg10[%swap3A_624, %swap3A_625], %swap3A_628 {strides = array<i32>} : memref<5x128xi32, #tpu.memory_space<vmem>>, vector<1x16xi32>,
    %min3A_629 = arith.constant 9999 : i32
    %min3A_630 = vector.broadcast %min3A_629 : i32 to vector<16xi32>
    %min3A_631 = arith.minsi %add3A_622, %min3A_630 : vector<16xi32>
    %mul3A_632 = arith.constant 2 : i32
    %mul3A_633 = vector.broadcast %mul3A_632 : i32 to vector<16xi32>
    %mul3A_634 = arith.muli %min3A_631, %mul3A_633 : vector<16xi32>
    %swap3A_635 = arith.constant 3 : i32
    %swap3A_636 = arith.index_cast %swap3A_635 : i32 to index
    %swap3A_637 = arith.constant 64 : index
    %swap3A_638 = tpu.vector_load %arg9[%swap3A_636, %swap3A_637] {strides = array<i32>} : memref<5x128xi32, #tpu.memory_space<vmem>>, vector<1x16xi32>,
    %swap3A_639 = vector.shape_cast %swap3A_638 : vector<1x16xi32> to vector<16xi32>
    %swap3A_640 = vector.shape_cast %mul3A_634 : vector<16xi32> to vector<1x16xi32>
    tpu.vector_store %arg9[%swap3A_636, %swap3A_637], %swap3A_640 {strides = array<i32>} : memref<5x128xi32, #tpu.memory_space<vmem>>, vector<1x16xi32>,
    %add3A_641 = arith.constant 464 : i32
    %add3A_642 = arith.addi %mul3A_4, %add3A_641 : i32
    %add3A_643 = vector.broadcast %add3A_642 : i32 to vector<16xi32>
    %add3A_644 = arith.addi %add3A_643, %iota3A : vector<16xi32>
    %swap3A_645 = arith.constant 3 : i32
    %swap3A_646 = arith.index_cast %swap3A_645 : i32 to index
    %swap3A_647 = arith.constant 80 : index
    %swap3A_648 = tpu.vector_load %arg10[%swap3A_646, %swap3A_647] {strides = array<i32>} : memref<5x128xi32, #tpu.memory_space<vmem>>, vector<1x16xi32>,
    %swap3A_649 = vector.shape_cast %swap3A_648 : vector<1x16xi32> to vector<16xi32>
    %swap3A_650 = vector.shape_cast %add3A_644 : vector<16xi32> to vector<1x16xi32>
    tpu.vector_store %arg10[%swap3A_646, %swap3A_647], %swap3A_650 {strides = array<i32>} : memref<5x128xi32, #tpu.memory_space<vmem>>, vector<1x16xi32>,
    %min3A_651 = arith.constant 9999 : i32
    %min3A_652 = vector.broadcast %min3A_651 : i32 to vector<16xi32>
    %min3A_653 = arith.minsi %add3A_644, %min3A_652 : vector<16xi32>
    %mul3A_654 = arith.constant 2 : i32
    %mul3A_655 = vector.broadcast %mul3A_654 : i32 to vector<16xi32>
    %mul3A_656 = arith.muli %min3A_653, %mul3A_655 : vector<16xi32>
    %swap3A_657 = arith.constant 3 : i32
    %swap3A_658 = arith.index_cast %swap3A_657 : i32 to index
    %swap3A_659 = arith.constant 80 : index
    %swap3A_660 = tpu.vector_load %arg9[%swap3A_658, %swap3A_659] {strides = array<i32>} : memref<5x128xi32, #tpu.memory_space<vmem>>, vector<1x16xi32>,
    %swap3A_661 = vector.shape_cast %swap3A_660 : vector<1x16xi32> to vector<16xi32>
    %swap3A_662 = vector.shape_cast %mul3A_656 : vector<16xi32> to vector<1x16xi32>
    tpu.vector_store %arg9[%swap3A_658, %swap3A_659], %swap3A_662 {strides = array<i32>} : memref<5x128xi32, #tpu.memory_space<vmem>>, vector<1x16xi32>,
    %add3A_663 = arith.constant 480 : i32
    %add3A_664 = arith.addi %mul3A_4, %add3A_663 : i32
    %add3A_665 = vector.broadcast %add3A_664 : i32 to vector<16xi32>
    %add3A_666 = arith.addi %add3A_665, %iota3A : vector<16xi32>
    %swap3A_667 = arith.constant 3 : i32
    %swap3A_668 = arith.index_cast %swap3A_667 : i32 to index
    %swap3A_669 = arith.constant 96 : index
    %swap3A_670 = tpu.vector_load %arg10[%swap3A_668, %swap3A_669] {strides = array<i32>} : memref<5x128xi32, #tpu.memory_space<vmem>>, vector<1x16xi32>,
    %swap3A_671 = vector.shape_cast %swap3A_670 : vector<1x16xi32> to vector<16xi32>
    %swap3A_672 = vector.shape_cast %add3A_666 : vector<16xi32> to vector<1x16xi32>
    tpu.vector_store %arg10[%swap3A_668, %swap3A_669], %swap3A_672 {strides = array<i32>} : memref<5x128xi32, #tpu.memory_space<vmem>>, vector<1x16xi32>,
    %min3A_673 = arith.constant 9999 : i32
    %min3A_674 = vector.broadcast %min3A_673 : i32 to vector<16xi32>
    %min3A_675 = arith.minsi %add3A_666, %min3A_674 : vector<16xi32>
    %mul3A_676 = arith.constant 2 : i32
    %mul3A_677 = vector.broadcast %mul3A_676 : i32 to vector<16xi32>
    %mul3A_678 = arith.muli %min3A_675, %mul3A_677 : vector<16xi32>
    %swap3A_679 = arith.constant 3 : i32
    %swap3A_680 = arith.index_cast %swap3A_679 : i32 to index
    %swap3A_681 = arith.constant 96 : index
    %swap3A_682 = tpu.vector_load %arg9[%swap3A_680, %swap3A_681] {strides = array<i32>} : memref<5x128xi32, #tpu.memory_space<vmem>>, vector<1x16xi32>,
    %swap3A_683 = vector.shape_cast %swap3A_682 : vector<1x16xi32> to vector<16xi32>
    %swap3A_684 = vector.shape_cast %mul3A_678 : vector<16xi32> to vector<1x16xi32>
    tpu.vector_store %arg9[%swap3A_680, %swap3A_681], %swap3A_684 {strides = array<i32>} : memref<5x128xi32, #tpu.memory_space<vmem>>, vector<1x16xi32>,
    %add3A_685 = arith.constant 496 : i32
    %add3A_686 = arith.addi %mul3A_4, %add3A_685 : i32
    %add3A_687 = vector.broadcast %add3A_686 : i32 to vector<16xi32>
    %add3A_688 = arith.addi %add3A_687, %iota3A : vector<16xi32>
    %swap3A_689 = arith.constant 3 : i32
    %swap3A_690 = arith.index_cast %swap3A_689 : i32 to index
    %swap3A_691 = arith.constant 112 : index
    %swap3A_692 = tpu.vector_load %arg10[%swap3A_690, %swap3A_691] {strides = array<i32>} : memref<5x128xi32, #tpu.memory_space<vmem>>, vector<1x16xi32>,
    %swap3A_693 = vector.shape_cast %swap3A_692 : vector<1x16xi32> to vector<16xi32>
    %swap3A_694 = vector.shape_cast %add3A_688 : vector<16xi32> to vector<1x16xi32>
    tpu.vector_store %arg10[%swap3A_690, %swap3A_691], %swap3A_694 {strides = array<i32>} : memref<5x128xi32, #tpu.memory_space<vmem>>, vector<1x16xi32>,
    %min3A_695 = arith.constant 9999 : i32
    %min3A_696 = vector.broadcast %min3A_695 : i32 to vector<16xi32>
    %min3A_697 = arith.minsi %add3A_688, %min3A_696 : vector<16xi32>
    %mul3A_698 = arith.constant 2 : i32
    %mul3A_699 = vector.broadcast %mul3A_698 : i32 to vector<16xi32>
    %mul3A_700 = arith.muli %min3A_697, %mul3A_699 : vector<16xi32>
    %swap3A_701 = arith.constant 3 : i32
    %swap3A_702 = arith.index_cast %swap3A_701 : i32 to index
    %swap3A_703 = arith.constant 112 : index
    %swap3A_704 = tpu.vector_load %arg9[%swap3A_702, %swap3A_703] {strides = array<i32>} : memref<5x128xi32, #tpu.memory_space<vmem>>, vector<1x16xi32>,
    %swap3A_705 = vector.shape_cast %swap3A_704 : vector<1x16xi32> to vector<16xi32>
    %swap3A_706 = vector.shape_cast %mul3A_700 : vector<16xi32> to vector<1x16xi32>
    tpu.vector_store %arg9[%swap3A_702, %swap3A_703], %swap3A_706 {strides = array<i32>} : memref<5x128xi32, #tpu.memory_space<vmem>>, vector<1x16xi32>,
    %add3A_707 = arith.constant 512 : i32
    %add3A_708 = arith.addi %mul3A_4, %add3A_707 : i32
    %add3A_709 = vector.broadcast %add3A_708 : i32 to vector<16xi32>
    %add3A_710 = arith.addi %add3A_709, %iota3A : vector<16xi32>
    %swap3A_711 = arith.constant 4 : i32
    %swap3A_712 = arith.index_cast %swap3A_711 : i32 to index
    %swap3A_713 = arith.constant 0 : index
    %swap3A_714 = tpu.vector_load %arg10[%swap3A_712, %swap3A_713] {strides = array<i32>} : memref<5x128xi32, #tpu.memory_space<vmem>>, vector<1x16xi32>,
    %swap3A_715 = vector.shape_cast %swap3A_714 : vector<1x16xi32> to vector<16xi32>
    %swap3A_716 = vector.shape_cast %add3A_710 : vector<16xi32> to vector<1x16xi32>
    tpu.vector_store %arg10[%swap3A_712, %swap3A_713], %swap3A_716 {strides = array<i32>} : memref<5x128xi32, #tpu.memory_space<vmem>>, vector<1x16xi32>,
    %min3A_717 = arith.constant 9999 : i32
    %min3A_718 = vector.broadcast %min3A_717 : i32 to vector<16xi32>
    %min3A_719 = arith.minsi %add3A_710, %min3A_718 : vector<16xi32>
    %mul3A_720 = arith.constant 2 : i32
    %mul3A_721 = vector.broadcast %mul3A_720 : i32 to vector<16xi32>
    %mul3A_722 = arith.muli %min3A_719, %mul3A_721 : vector<16xi32>
    %swap3A_723 = arith.constant 4 : i32
    %swap3A_724 = arith.index_cast %swap3A_723 : i32 to index
    %swap3A_725 = arith.constant 0 : index
    %swap3A_726 = tpu.vector_load %arg9[%swap3A_724, %swap3A_725] {strides = array<i32>} : memref<5x128xi32, #tpu.memory_space<vmem>>, vector<1x16xi32>,
    %swap3A_727 = vector.shape_cast %swap3A_726 : vector<1x16xi32> to vector<16xi32>
    %swap3A_728 = vector.shape_cast %mul3A_722 : vector<16xi32> to vector<1x16xi32>
    tpu.vector_store %arg9[%swap3A_724, %swap3A_725], %swap3A_728 {strides = array<i32>} : memref<5x128xi32, #tpu.memory_space<vmem>>, vector<1x16xi32>,
    %add3A_729 = arith.constant 528 : i32
    %add3A_730 = arith.addi %mul3A_4, %add3A_729 : i32
    %add3A_731 = vector.broadcast %add3A_730 : i32 to vector<16xi32>
    %add3A_732 = arith.addi %add3A_731, %iota3A : vector<16xi32>
    %swap3A_733 = arith.constant 4 : i32
    %swap3A_734 = arith.index_cast %swap3A_733 : i32 to index
    %swap3A_735 = arith.constant 16 : index
    %swap3A_736 = tpu.vector_load %arg10[%swap3A_734, %swap3A_735] {strides = array<i32>} : memref<5x128xi32, #tpu.memory_space<vmem>>, vector<1x16xi32>,
    %swap3A_737 = vector.shape_cast %swap3A_736 : vector<1x16xi32> to vector<16xi32>
    %swap3A_738 = vector.shape_cast %add3A_732 : vector<16xi32> to vector<1x16xi32>
    tpu.vector_store %arg10[%swap3A_734, %swap3A_735], %swap3A_738 {strides = array<i32>} : memref<5x128xi32, #tpu.memory_space<vmem>>, vector<1x16xi32>,
    %min3A_739 = arith.constant 9999 : i32
    %min3A_740 = vector.broadcast %min3A_739 : i32 to vector<16xi32>
    %min3A_741 = arith.minsi %add3A_732, %min3A_740 : vector<16xi32>
    %mul3A_742 = arith.constant 2 : i32
    %mul3A_743 = vector.broadcast %mul3A_742 : i32 to vector<16xi32>
    %mul3A_744 = arith.muli %min3A_741, %mul3A_743 : vector<16xi32>
    %swap3A_745 = arith.constant 4 : i32
    %swap3A_746 = arith.index_cast %swap3A_745 : i32 to index
    %swap3A_747 = arith.constant 16 : index
    %swap3A_748 = tpu.vector_load %arg9[%swap3A_746, %swap3A_747] {strides = array<i32>} : memref<5x128xi32, #tpu.memory_space<vmem>>, vector<1x16xi32>,
    %swap3A_749 = vector.shape_cast %swap3A_748 : vector<1x16xi32> to vector<16xi32>
    %swap3A_750 = vector.shape_cast %mul3A_744 : vector<16xi32> to vector<1x16xi32>
    tpu.vector_store %arg9[%swap3A_746, %swap3A_747], %swap3A_750 {strides = array<i32>} : memref<5x128xi32, #tpu.memory_space<vmem>>, vector<1x16xi32>,
    %add3A_751 = arith.constant 544 : i32
    %add3A_752 = arith.addi %mul3A_4, %add3A_751 : i32
    %add3A_753 = vector.broadcast %add3A_752 : i32 to vector<16xi32>
    %add3A_754 = arith.addi %add3A_753, %iota3A : vector<16xi32>
    %swap3A_755 = arith.constant 4 : i32
    %swap3A_756 = arith.index_cast %swap3A_755 : i32 to index
    %swap3A_757 = arith.constant 32 : index
    %swap3A_758 = tpu.vector_load %arg10[%swap3A_756, %swap3A_757] {strides = array<i32>} : memref<5x128xi32, #tpu.memory_space<vmem>>, vector<1x16xi32>,
    %swap3A_759 = vector.shape_cast %swap3A_758 : vector<1x16xi32> to vector<16xi32>
    %swap3A_760 = vector.shape_cast %add3A_754 : vector<16xi32> to vector<1x16xi32>
    tpu.vector_store %arg10[%swap3A_756, %swap3A_757], %swap3A_760 {strides = array<i32>} : memref<5x128xi32, #tpu.memory_space<vmem>>, vector<1x16xi32>,
    %min3A_761 = arith.constant 9999 : i32
    %min3A_762 = vector.broadcast %min3A_761 : i32 to vector<16xi32>
    %min3A_763 = arith.minsi %add3A_754, %min3A_762 : vector<16xi32>
    %mul3A_764 = arith.constant 2 : i32
    %mul3A_765 = vector.broadcast %mul3A_764 : i32 to vector<16xi32>
    %mul3A_766 = arith.muli %min3A_763, %mul3A_765 : vector<16xi32>
    %swap3A_767 = arith.constant 4 : i32
    %swap3A_768 = arith.index_cast %swap3A_767 : i32 to index
    %swap3A_769 = arith.constant 32 : index
    %swap3A_770 = tpu.vector_load %arg9[%swap3A_768, %swap3A_769] {strides = array<i32>} : memref<5x128xi32, #tpu.memory_space<vmem>>, vector<1x16xi32>,
    %swap3A_771 = vector.shape_cast %swap3A_770 : vector<1x16xi32> to vector<16xi32>
    %swap3A_772 = vector.shape_cast %mul3A_766 : vector<16xi32> to vector<1x16xi32>
    tpu.vector_store %arg9[%swap3A_768, %swap3A_769], %swap3A_772 {strides = array<i32>} : memref<5x128xi32, #tpu.memory_space<vmem>>, vector<1x16xi32>,
    %add3A_773 = arith.constant 560 : i32
    %add3A_774 = arith.addi %mul3A_4, %add3A_773 : i32
    %add3A_775 = vector.broadcast %add3A_774 : i32 to vector<16xi32>
    %add3A_776 = arith.addi %add3A_775, %iota3A : vector<16xi32>
    %swap3A_777 = arith.constant 4 : i32
    %swap3A_778 = arith.index_cast %swap3A_777 : i32 to index
    %swap3A_779 = arith.constant 48 : index
    %swap3A_780 = tpu.vector_load %arg10[%swap3A_778, %swap3A_779] {strides = array<i32>} : memref<5x128xi32, #tpu.memory_space<vmem>>, vector<1x16xi32>,
    %swap3A_781 = vector.shape_cast %swap3A_780 : vector<1x16xi32> to vector<16xi32>
    %swap3A_782 = vector.shape_cast %add3A_776 : vector<16xi32> to vector<1x16xi32>
    tpu.vector_store %arg10[%swap3A_778, %swap3A_779], %swap3A_782 {strides = array<i32>} : memref<5x128xi32, #tpu.memory_space<vmem>>, vector<1x16xi32>,
    %min3A_783 = arith.constant 9999 : i32
    %min3A_784 = vector.broadcast %min3A_783 : i32 to vector<16xi32>
    %min3A_785 = arith.minsi %add3A_776, %min3A_784 : vector<16xi32>
    %mul3A_786 = arith.constant 2 : i32
    %mul3A_787 = vector.broadcast %mul3A_786 : i32 to vector<16xi32>
    %mul3A_788 = arith.muli %min3A_785, %mul3A_787 : vector<16xi32>
    %swap3A_789 = arith.constant 4 : i32
    %swap3A_790 = arith.index_cast %swap3A_789 : i32 to index
    %swap3A_791 = arith.constant 48 : index
    %swap3A_792 = tpu.vector_load %arg9[%swap3A_790, %swap3A_791] {strides = array<i32>} : memref<5x128xi32, #tpu.memory_space<vmem>>, vector<1x16xi32>,
    %swap3A_793 = vector.shape_cast %swap3A_792 : vector<1x16xi32> to vector<16xi32>
    %swap3A_794 = vector.shape_cast %mul3A_788 : vector<16xi32> to vector<1x16xi32>
    tpu.vector_store %arg9[%swap3A_790, %swap3A_791], %swap3A_794 {strides = array<i32>} : memref<5x128xi32, #tpu.memory_space<vmem>>, vector<1x16xi32>,
    %add3A_795 = arith.constant 576 : i32
    %add3A_796 = arith.addi %mul3A_4, %add3A_795 : i32
    %add3A_797 = vector.broadcast %add3A_796 : i32 to vector<16xi32>
    %add3A_798 = arith.addi %add3A_797, %iota3A : vector<16xi32>
    %swap3A_799 = arith.constant 4 : i32
    %swap3A_800 = arith.index_cast %swap3A_799 : i32 to index
    %swap3A_801 = arith.constant 64 : index
    %swap3A_802 = tpu.vector_load %arg10[%swap3A_800, %swap3A_801] {strides = array<i32>} : memref<5x128xi32, #tpu.memory_space<vmem>>, vector<1x16xi32>,
    %swap3A_803 = vector.shape_cast %swap3A_802 : vector<1x16xi32> to vector<16xi32>
    %swap3A_804 = vector.shape_cast %add3A_798 : vector<16xi32> to vector<1x16xi32>
    tpu.vector_store %arg10[%swap3A_800, %swap3A_801], %swap3A_804 {strides = array<i32>} : memref<5x128xi32, #tpu.memory_space<vmem>>, vector<1x16xi32>,
    %min3A_805 = arith.constant 9999 : i32
    %min3A_806 = vector.broadcast %min3A_805 : i32 to vector<16xi32>
    %min3A_807 = arith.minsi %add3A_798, %min3A_806 : vector<16xi32>
    %mul3A_808 = arith.constant 2 : i32
    %mul3A_809 = vector.broadcast %mul3A_808 : i32 to vector<16xi32>
    %mul3A_810 = arith.muli %min3A_807, %mul3A_809 : vector<16xi32>
    %swap3A_811 = arith.constant 4 : i32
    %swap3A_812 = arith.index_cast %swap3A_811 : i32 to index
    %swap3A_813 = arith.constant 64 : index
    %swap3A_814 = tpu.vector_load %arg9[%swap3A_812, %swap3A_813] {strides = array<i32>} : memref<5x128xi32, #tpu.memory_space<vmem>>, vector<1x16xi32>,
    %swap3A_815 = vector.shape_cast %swap3A_814 : vector<1x16xi32> to vector<16xi32>
    %swap3A_816 = vector.shape_cast %mul3A_810 : vector<16xi32> to vector<1x16xi32>
    tpu.vector_store %arg9[%swap3A_812, %swap3A_813], %swap3A_816 {strides = array<i32>} : memref<5x128xi32, #tpu.memory_space<vmem>>, vector<1x16xi32>,
    %add3A_817 = arith.constant 592 : i32
    %add3A_818 = arith.addi %mul3A_4, %add3A_817 : i32
    %add3A_819 = vector.broadcast %add3A_818 : i32 to vector<16xi32>
    %add3A_820 = arith.addi %add3A_819, %iota3A : vector<16xi32>
    %swap3A_821 = arith.constant 4 : i32
    %swap3A_822 = arith.index_cast %swap3A_821 : i32 to index
    %swap3A_823 = arith.constant 80 : index
    %swap3A_824 = tpu.vector_load %arg10[%swap3A_822, %swap3A_823] {strides = array<i32>} : memref<5x128xi32, #tpu.memory_space<vmem>>, vector<1x16xi32>,
    %swap3A_825 = vector.shape_cast %swap3A_824 : vector<1x16xi32> to vector<16xi32>
    %swap3A_826 = vector.shape_cast %add3A_820 : vector<16xi32> to vector<1x16xi32>
    tpu.vector_store %arg10[%swap3A_822, %swap3A_823], %swap3A_826 {strides = array<i32>} : memref<5x128xi32, #tpu.memory_space<vmem>>, vector<1x16xi32>,
    %min3A_827 = arith.constant 9999 : i32
    %min3A_828 = vector.broadcast %min3A_827 : i32 to vector<16xi32>
    %min3A_829 = arith.minsi %add3A_820, %min3A_828 : vector<16xi32>
    %mul3A_830 = arith.constant 2 : i32
    %mul3A_831 = vector.broadcast %mul3A_830 : i32 to vector<16xi32>
    %mul3A_832 = arith.muli %min3A_829, %mul3A_831 : vector<16xi32>
    %swap3A_833 = arith.constant 4 : i32
    %swap3A_834 = arith.index_cast %swap3A_833 : i32 to index
    %swap3A_835 = arith.constant 80 : index
    %swap3A_836 = tpu.vector_load %arg9[%swap3A_834, %swap3A_835] {strides = array<i32>} : memref<5x128xi32, #tpu.memory_space<vmem>>, vector<1x16xi32>,
    %swap3A_837 = vector.shape_cast %swap3A_836 : vector<1x16xi32> to vector<16xi32>
    %swap3A_838 = vector.shape_cast %mul3A_832 : vector<16xi32> to vector<1x16xi32>
    tpu.vector_store %arg9[%swap3A_834, %swap3A_835], %swap3A_838 {strides = array<i32>} : memref<5x128xi32, #tpu.memory_space<vmem>>, vector<1x16xi32>,
    %add3A_839 = arith.constant 608 : i32
    %add3A_840 = arith.addi %mul3A_4, %add3A_839 : i32
    %add3A_841 = vector.broadcast %add3A_840 : i32 to vector<16xi32>
    %add3A_842 = arith.addi %add3A_841, %iota3A : vector<16xi32>
    %swap3A_843 = arith.constant 4 : i32
    %swap3A_844 = arith.index_cast %swap3A_843 : i32 to index
    %swap3A_845 = arith.constant 96 : index
    %swap3A_846 = tpu.vector_load %arg10[%swap3A_844, %swap3A_845] {strides = array<i32>} : memref<5x128xi32, #tpu.memory_space<vmem>>, vector<1x16xi32>,
    %swap3A_847 = vector.shape_cast %swap3A_846 : vector<1x16xi32> to vector<16xi32>
    %swap3A_848 = vector.shape_cast %add3A_842 : vector<16xi32> to vector<1x16xi32>
    tpu.vector_store %arg10[%swap3A_844, %swap3A_845], %swap3A_848 {strides = array<i32>} : memref<5x128xi32, #tpu.memory_space<vmem>>, vector<1x16xi32>,
    %min3A_849 = arith.constant 9999 : i32
    %min3A_850 = vector.broadcast %min3A_849 : i32 to vector<16xi32>
    %min3A_851 = arith.minsi %add3A_842, %min3A_850 : vector<16xi32>
    %mul3A_852 = arith.constant 2 : i32
    %mul3A_853 = vector.broadcast %mul3A_852 : i32 to vector<16xi32>
    %mul3A_854 = arith.muli %min3A_851, %mul3A_853 : vector<16xi32>
    %swap3A_855 = arith.constant 4 : i32
    %swap3A_856 = arith.index_cast %swap3A_855 : i32 to index
    %swap3A_857 = arith.constant 96 : index
    %swap3A_858 = tpu.vector_load %arg9[%swap3A_856, %swap3A_857] {strides = array<i32>} : memref<5x128xi32, #tpu.memory_space<vmem>>, vector<1x16xi32>,
    %swap3A_859 = vector.shape_cast %swap3A_858 : vector<1x16xi32> to vector<16xi32>
    %swap3A_860 = vector.shape_cast %mul3A_854 : vector<16xi32> to vector<1x16xi32>
    tpu.vector_store %arg9[%swap3A_856, %swap3A_857], %swap3A_860 {strides = array<i32>} : memref<5x128xi32, #tpu.memory_space<vmem>>, vector<1x16xi32>,
    %add3A_861 = arith.constant 624 : i32
    %add3A_862 = arith.addi %mul3A_4, %add3A_861 : i32
    %add3A_863 = vector.broadcast %add3A_862 : i32 to vector<16xi32>
    %add3A_864 = arith.addi %add3A_863, %iota3A : vector<16xi32>
    %swap3A_865 = arith.constant 4 : i32
    %swap3A_866 = arith.index_cast %swap3A_865 : i32 to index
    %swap3A_867 = arith.constant 112 : index
    %swap3A_868 = tpu.vector_load %arg10[%swap3A_866, %swap3A_867] {strides = array<i32>} : memref<5x128xi32, #tpu.memory_space<vmem>>, vector<1x16xi32>,
    %swap3A_869 = vector.shape_cast %swap3A_868 : vector<1x16xi32> to vector<16xi32>
    %swap3A_870 = vector.shape_cast %add3A_864 : vector<16xi32> to vector<1x16xi32>
    tpu.vector_store %arg10[%swap3A_866, %swap3A_867], %swap3A_870 {strides = array<i32>} : memref<5x128xi32, #tpu.memory_space<vmem>>, vector<1x16xi32>,
    %min3A_871 = arith.constant 9999 : i32
    %min3A_872 = vector.broadcast %min3A_871 : i32 to vector<16xi32>
    %min3A_873 = arith.minsi %add3A_864, %min3A_872 : vector<16xi32>
    %mul3A_874 = arith.constant 2 : i32
    %mul3A_875 = vector.broadcast %mul3A_874 : i32 to vector<16xi32>
    %mul3A_876 = arith.muli %min3A_873, %mul3A_875 : vector<16xi32>
    %swap3A_877 = arith.constant 4 : i32
    %swap3A_878 = arith.index_cast %swap3A_877 : i32 to index
    %swap3A_879 = arith.constant 112 : index
    %swap3A_880 = tpu.vector_load %arg9[%swap3A_878, %swap3A_879] {strides = array<i32>} : memref<5x128xi32, #tpu.memory_space<vmem>>, vector<1x16xi32>,
    %swap3A_881 = vector.shape_cast %swap3A_880 : vector<1x16xi32> to vector<16xi32>
    %swap3A_882 = vector.shape_cast %mul3A_876 : vector<16xi32> to vector<1x16xi32>
    tpu.vector_store %arg9[%swap3A_878, %swap3A_879], %swap3A_882 {strides = array<i32>} : memref<5x128xi32, #tpu.memory_space<vmem>>, vector<1x16xi32>,
    %mul3A_883 = arith.constant 10240 : i32
    %mul3A_884 = arith.muli %add3A, %mul3A_883 : i32
    "tpu.region"() ({
      %run_scoped3A = tpu.sem_alloc : memref<!tpu.dma_semaphore, #tpu.memory_space<semaphore_mem>>
      %dma_start3A_911 = tpu.memref_slice %arg3[%mul3A_884] : memref<327680xi32, #tpu.memory_space<hbm>> -> memref<10240xi32, #tpu.memory_space<hbm>>
      %dma_start3A_912 = tpu.memref_slice %arg3[%mul3A_884] : memref<327680xi32, #tpu.memory_space<hbm>> -> memref<10240xi32, #tpu.memory_space<hbm>>
      tpu.enqueue_dma source(%dma_start3A_912 : memref<10240xi32, #tpu.memory_space<hbm>>) target(%arg7 : memref<10240xi32, #tpu.memory_space<vmem>>) target_semaphore(%run_scoped3A : memref<!tpu.dma_semaphore, #tpu.memory_space<semaphore_mem>>)
      %dma_wait3A_913 = tpu.memref_slice %arg3[%mul3A_884] : memref<327680xi32, #tpu.memory_space<hbm>> -> memref<10240xi32, #tpu.memory_space<hbm>>
      %dma_wait3A_914 = tpu.memref_slice %arg3[%mul3A_884] : memref<327680xi32, #tpu.memory_space<hbm>> -> memref<10240xi32, #tpu.memory_space<hbm>>
      tpu.wait_dma2 semaphore(%run_scoped3A : memref<!tpu.dma_semaphore, #tpu.memory_space<semaphore_mem>>) src(%dma_wait3A_914 : memref<10240xi32, #tpu.memory_space<hbm>>) dst(%arg7 : memref<10240xi32, #tpu.memory_space<vmem>>)
      tpu.yield
    }) : () -> ()
    %mul3A_885 = arith.constant 10240 : i32
    %mul3A_886 = arith.muli %add3A, %mul3A_885 : i32
    "tpu.region"() ({
      %run_scoped3A = tpu.sem_alloc : memref<!tpu.dma_semaphore, #tpu.memory_space<semaphore_mem>>
      %dma_start3A_911 = tpu.memref_slice %arg4[%mul3A_886] : memref<327680xi32, #tpu.memory_space<hbm>> -> memref<10240xi32, #tpu.memory_space<hbm>>
      %dma_start3A_912 = tpu.memref_slice %arg4[%mul3A_886] : memref<327680xi32, #tpu.memory_space<hbm>> -> memref<10240xi32, #tpu.memory_space<hbm>>
      tpu.enqueue_dma source(%dma_start3A_912 : memref<10240xi32, #tpu.memory_space<hbm>>) target(%arg8 : memref<10240xi32, #tpu.memory_space<vmem>>) target_semaphore(%run_scoped3A : memref<!tpu.dma_semaphore, #tpu.memory_space<semaphore_mem>>)
      %dma_wait3A_913 = tpu.memref_slice %arg4[%mul3A_886] : memref<327680xi32, #tpu.memory_space<hbm>> -> memref<10240xi32, #tpu.memory_space<hbm>>
      %dma_wait3A_914 = tpu.memref_slice %arg4[%mul3A_886] : memref<327680xi32, #tpu.memory_space<hbm>> -> memref<10240xi32, #tpu.memory_space<hbm>>
      tpu.wait_dma2 semaphore(%run_scoped3A : memref<!tpu.dma_semaphore, #tpu.memory_space<semaphore_mem>>) src(%dma_wait3A_914 : memref<10240xi32, #tpu.memory_space<hbm>>) dst(%arg8 : memref<10240xi32, #tpu.memory_space<vmem>>)
      tpu.yield
    }) : () -> ()
    %barrier3A = arith.constant 0 : index
    tpu.barrier barrier_id(%barrier3A)
    %dma_start3A = arith.constant 0 : i32
    %dma_start3A_887 = tpu.memref_slice %arg7[%dma_start3A] : memref<10240xi32, #tpu.memory_space<vmem>> -> memref<256xi32, #tpu.memory_space<vmem>>
    %dma_start3A_888 = arith.constant 0 : i32
    %dma_start3A_889 = arith.constant 0 : i32
    %dma_start3A_890 = tpu.memref_slice %arg2[%dma_start3A_888, %dma_start3A_889] : memref<20000x64xf32, #tpu.memory_space<hbm>> -> memref<20000x64xf32, #tpu.memory_space<hbm>>
    tpu.enqueue_indirect_dma source(%dma_start3A_890 : memref<20000x64xf32, #tpu.memory_space<hbm>>) target(%arg11 : memref<256x64xf32, #tpu.memory_space<vmem>>) offsets(%dma_start3A_887 : memref<256xi32, #tpu.memory_space<vmem>>) semaphore(%arg14 : memref<!tpu.dma_semaphore, #tpu.memory_space<semaphore_mem>>)
    %scan3A = arith.constant 0 : i32
    %scan3A_891 = arith.constant 20 : i32
    %scan3A_892 = arith.addi %scan3A, %scan3A_891 : i32
    %scan3A_893 = arith.constant 1 : i32
    scf.for %scan3A_911 = %scan3A to %scan3A_892 step %scan3A_893  : i32 {
      %mul3A_912 = arith.constant 2 : i32
      %mul3A_913 = arith.muli %mul3A_912, %scan3A_911 : i32
      %add3A_914 = arith.constant 1 : i32
      %add3A_915 = arith.addi %mul3A_913, %add3A_914 : i32
      %mul3A_916 = arith.constant 256 : i32
      %mul3A_917 = arith.muli %add3A_915, %mul3A_916 : i32
      %dma_start3A_918 = tpu.memref_slice %arg7[%mul3A_917] : memref<10240xi32, #tpu.memory_space<vmem>> -> memref<256xi32, #tpu.memory_space<vmem>>
      %dma_start3A_919 = arith.constant 0 : i32
      %dma_start3A_920 = arith.constant 0 : i32
      %dma_start3A_921 = tpu.memref_slice %arg2[%dma_start3A_919, %dma_start3A_920] : memref<20000x64xf32, #tpu.memory_space<hbm>> -> memref<20000x64xf32, #tpu.memory_space<hbm>>
      tpu.enqueue_indirect_dma source(%dma_start3A_921 : memref<20000x64xf32, #tpu.memory_space<hbm>>) target(%arg12 : memref<256x64xf32, #tpu.memory_space<vmem>>) offsets(%dma_start3A_918 : memref<256xi32, #tpu.memory_space<vmem>>) semaphore(%arg15 : memref<!tpu.dma_semaphore, #tpu.memory_space<semaphore_mem>>)
      %mul3A_922 = arith.constant 256 : i32
      %mul3A_923 = arith.muli %mul3A_913, %mul3A_922 : i32
      %dma_wait3A_924 = tpu.memref_slice %arg7[%mul3A_923] : memref<10240xi32, #tpu.memory_space<vmem>> -> memref<256xi32, #tpu.memory_space<vmem>>
      %dma_wait3A_925 = arith.constant 0 : i32
      %dma_wait3A_926 = arith.constant 0 : i32
      %dma_wait3A_927 = tpu.memref_slice %arg2[%dma_wait3A_925, %dma_wait3A_926] : memref<20000x64xf32, #tpu.memory_space<hbm>> -> memref<20000x64xf32, #tpu.memory_space<hbm>>
      tpu.wait_indirect_dma semaphore(%arg14 : memref<!tpu.dma_semaphore, #tpu.memory_space<semaphore_mem>>) src(%dma_wait3A_927 : memref<20000x64xf32, #tpu.memory_space<hbm>>) dst(%arg11 : memref<256x64xf32, #tpu.memory_space<vmem>>)
      %mul3A_928 = arith.constant 256 : i32
      %mul3A_929 = arith.muli %mul3A_913, %mul3A_928 : i32
      "tpu.region"() ({
        %run_scoped3A = tpu.sem_alloc : memref<!tpu.dma_semaphore, #tpu.memory_space<semaphore_mem>>
        %dma_start3A_948 = tpu.memref_slice %arg8[%mul3A_929] : memref<10240xi32, #tpu.memory_space<vmem>> -> memref<256xi32, #tpu.memory_space<vmem>>
        %dma_start3A_949 = arith.constant 0 : i32
        %dma_start3A_950 = arith.constant 0 : i32
        %dma_start3A_951 = tpu.memref_slice %arg13[%dma_start3A_949, %dma_start3A_950] : memref<10240x64xf32, #tpu.memory_space<vmem_shared>> -> memref<10240x64xf32, #tpu.memory_space<vmem_shared>>
        tpu.enqueue_indirect_dma source(%arg11 : memref<256x64xf32, #tpu.memory_space<vmem>>) target(%dma_start3A_951 : memref<10240x64xf32, #tpu.memory_space<vmem_shared>>) offsets(%dma_start3A_948 : memref<256xi32, #tpu.memory_space<vmem>>) semaphore(%run_scoped3A : memref<!tpu.dma_semaphore, #tpu.memory_space<semaphore_mem>>) {add = true}
        %dma_wait3A_952 = tpu.memref_slice %arg8[%mul3A_929] : memref<10240xi32, #tpu.memory_space<vmem>> -> memref<256xi32, #tpu.memory_space<vmem>>
        %dma_wait3A_953 = arith.constant 0 : i32
        %dma_wait3A_954 = arith.constant 0 : i32
        %dma_wait3A_955 = tpu.memref_slice %arg13[%dma_wait3A_953, %dma_wait3A_954] : memref<10240x64xf32, #tpu.memory_space<vmem_shared>> -> memref<10240x64xf32, #tpu.memory_space<vmem_shared>>
        tpu.wait_indirect_dma semaphore(%run_scoped3A : memref<!tpu.dma_semaphore, #tpu.memory_space<semaphore_mem>>) src(%arg11 : memref<256x64xf32, #tpu.memory_space<vmem>>) dst(%dma_wait3A_955 : memref<10240x64xf32, #tpu.memory_space<vmem_shared>>)
        tpu.yield
      }) : () -> ()
      %add3A_930 = arith.constant 2 : i32
      %add3A_931 = arith.addi %mul3A_913, %add3A_930 : i32
      %min3A_932 = arith.constant 39 : i32
      %min3A_933 = arith.minsi %add3A_931, %min3A_932 : i32
      %mul3A_934 = arith.constant 256 : i32
      %mul3A_935 = arith.muli %min3A_933, %mul3A_934 : i32
      %dma_start3A_936 = tpu.memref_slice %arg7[%mul3A_935] : memref<10240xi32, #tpu.memory_space<vmem>> -> memref<256xi32, #tpu.memory_space<vmem>>
      %dma_start3A_937 = arith.constant 0 : i32
      %dma_start3A_938 = arith.constant 0 : i32
      %dma_start3A_939 = tpu.memref_slice %arg2[%dma_start3A_937, %dma_start3A_938] : memref<20000x64xf32, #tpu.memory_space<hbm>> -> memref<20000x64xf32, #tpu.memory_space<hbm>>
      tpu.enqueue_indirect_dma source(%dma_start3A_939 : memref<20000x64xf32, #tpu.memory_space<hbm>>) target(%arg11 : memref<256x64xf32, #tpu.memory_space<vmem>>) offsets(%dma_start3A_936 : memref<256xi32, #tpu.memory_space<vmem>>) semaphore(%arg14 : memref<!tpu.dma_semaphore, #tpu.memory_space<semaphore_mem>>)
      %mul3A_940 = arith.constant 256 : i32
      %mul3A_941 = arith.muli %add3A_915, %mul3A_940 : i32
      %dma_wait3A_942 = tpu.memref_slice %arg7[%mul3A_941] : memref<10240xi32, #tpu.memory_space<vmem>> -> memref<256xi32, #tpu.memory_space<vmem>>
      %dma_wait3A_943 = arith.constant 0 : i32
      %dma_wait3A_944 = arith.constant 0 : i32
      %dma_wait3A_945 = tpu.memref_slice %arg2[%dma_wait3A_943, %dma_wait3A_944] : memref<20000x64xf32, #tpu.memory_space<hbm>> -> memref<20000x64xf32, #tpu.memory_space<hbm>>
      tpu.wait_indirect_dma semaphore(%arg15 : memref<!tpu.dma_semaphore, #tpu.memory_space<semaphore_mem>>) src(%dma_wait3A_945 : memref<20000x64xf32, #tpu.memory_space<hbm>>) dst(%arg12 : memref<256x64xf32, #tpu.memory_space<vmem>>)
      %mul3A_946 = arith.constant 256 : i32
      %mul3A_947 = arith.muli %add3A_915, %mul3A_946 : i32
      "tpu.region"() ({
        %run_scoped3A = tpu.sem_alloc : memref<!tpu.dma_semaphore, #tpu.memory_space<semaphore_mem>>
        %dma_start3A_948 = tpu.memref_slice %arg8[%mul3A_947] : memref<10240xi32, #tpu.memory_space<vmem>> -> memref<256xi32, #tpu.memory_space<vmem>>
        %dma_start3A_949 = arith.constant 0 : i32
        %dma_start3A_950 = arith.constant 0 : i32
        %dma_start3A_951 = tpu.memref_slice %arg13[%dma_start3A_949, %dma_start3A_950] : memref<10240x64xf32, #tpu.memory_space<vmem_shared>> -> memref<10240x64xf32, #tpu.memory_space<vmem_shared>>
        tpu.enqueue_indirect_dma source(%arg12 : memref<256x64xf32, #tpu.memory_space<vmem>>) target(%dma_start3A_951 : memref<10240x64xf32, #tpu.memory_space<vmem_shared>>) offsets(%dma_start3A_948 : memref<256xi32, #tpu.memory_space<vmem>>) semaphore(%run_scoped3A : memref<!tpu.dma_semaphore, #tpu.memory_space<semaphore_mem>>) {add = true}
        %dma_wait3A_952 = tpu.memref_slice %arg8[%mul3A_947] : memref<10240xi32, #tpu.memory_space<vmem>> -> memref<256xi32, #tpu.memory_space<vmem>>
        %dma_wait3A_953 = arith.constant 0 : i32
        %dma_wait3A_954 = arith.constant 0 : i32
        %dma_wait3A_955 = tpu.memref_slice %arg13[%dma_wait3A_953, %dma_wait3A_954] : memref<10240x64xf32, #tpu.memory_space<vmem_shared>> -> memref<10240x64xf32, #tpu.memory_space<vmem_shared>>
        tpu.wait_indirect_dma semaphore(%run_scoped3A : memref<!tpu.dma_semaphore, #tpu.memory_space<semaphore_mem>>) src(%arg12 : memref<256x64xf32, #tpu.memory_space<vmem>>) dst(%dma_wait3A_955 : memref<10240x64xf32, #tpu.memory_space<vmem_shared>>)
        tpu.yield
      }) : () -> ()
    }
    %scan3A_894 = arith.constant 20 : i32
    %dma_wait3A = arith.constant 9984 : i32
    %dma_wait3A_895 = tpu.memref_slice %arg7[%dma_wait3A] : memref<10240xi32, #tpu.memory_space<vmem>> -> memref<256xi32, #tpu.memory_space<vmem>>
    %dma_wait3A_896 = arith.constant 0 : i32
    %dma_wait3A_897 = arith.constant 0 : i32
    %dma_wait3A_898 = tpu.memref_slice %arg2[%dma_wait3A_896, %dma_wait3A_897] : memref<20000x64xf32, #tpu.memory_space<hbm>> -> memref<20000x64xf32, #tpu.memory_space<hbm>>
    tpu.wait_indirect_dma semaphore(%arg14 : memref<!tpu.dma_semaphore, #tpu.memory_space<semaphore_mem>>) src(%dma_wait3A_898 : memref<20000x64xf32, #tpu.memory_space<hbm>>) dst(%arg11 : memref<256x64xf32, #tpu.memory_space<vmem>>)
    %eq3A = arith.constant 0 : i32
    %eq3A_899 = arith.cmpi eq, %arg0, %eq3A : i32
    %convert_element_type3A = arith.extui %eq3A_899 : i1 to i32
    %cond3A = arith.constant 0 : i32
    %cond3A_900 = arith.cmpi ne, %convert_element_type3A, %cond3A : i32
    scf.if %cond3A_900 {
      %dma_start3A_911 = arith.constant 0 : i32
      %dma_start3A_912 = arith.constant 0 : i32
      %dma_start3A_913 = arith.constant 0 : i32
      %dma_start3A_914 = tpu.memref_slice %arg11[%dma_start3A_912, %dma_start3A_913] : memref<256x64xf32, #tpu.memory_space<vmem>> -> memref<128x64xf32, #tpu.memory_space<vmem>>
      %dma_start3A_915 = arith.constant 0 : i32
      %dma_start3A_916 = tpu.memref_slice %arg9[%dma_start3A_911, %dma_start3A_915] : memref<5x128xi32, #tpu.memory_space<vmem>> -> memref<1x128xi32, #tpu.memory_space<vmem>>
      %dma_start3A_917 = tpu.memref_squeeze %dma_start3A_916 : memref<1x128xi32, #tpu.memory_space<vmem>> -> memref<128xi32, #tpu.memory_space<vmem>>
      %dma_start3A_918 = arith.constant 0 : i32
      %dma_start3A_919 = arith.constant 0 : i32
      %dma_start3A_920 = tpu.memref_slice %arg2[%dma_start3A_918, %dma_start3A_919] : memref<20000x64xf32, #tpu.memory_space<hbm>> -> memref<20000x64xf32, #tpu.memory_space<hbm>>
      tpu.enqueue_indirect_dma source(%dma_start3A_920 : memref<20000x64xf32, #tpu.memory_space<hbm>>) target(%dma_start3A_914 : memref<128x64xf32, #tpu.memory_space<vmem>>) offsets(%dma_start3A_917 : memref<128xi32, #tpu.memory_space<vmem>>) semaphore(%arg14 : memref<!tpu.dma_semaphore, #tpu.memory_space<semaphore_mem>>)
      %dma_start3A_921 = arith.constant 2 : i32
      %dma_start3A_922 = arith.constant 0 : i32
      %dma_start3A_923 = arith.constant 0 : i32
      %dma_start3A_924 = tpu.memref_slice %arg12[%dma_start3A_922, %dma_start3A_923] : memref<256x64xf32, #tpu.memory_space<vmem>> -> memref<128x64xf32, #tpu.memory_space<vmem>>
      %dma_start3A_925 = arith.constant 0 : i32
      %dma_start3A_926 = tpu.memref_slice %arg9[%dma_start3A_921, %dma_start3A_925] : memref<5x128xi32, #tpu.memory_space<vmem>> -> memref<1x128xi32, #tpu.memory_space<vmem>>
      %dma_start3A_927 = tpu.memref_squeeze %dma_start3A_926 : memref<1x128xi32, #tpu.memory_space<vmem>> -> memref<128xi32, #tpu.memory_space<vmem>>
      %dma_start3A_928 = arith.constant 0 : i32
      %dma_start3A_929 = arith.constant 0 : i32
      %dma_start3A_930 = tpu.memref_slice %arg2[%dma_start3A_928, %dma_start3A_929] : memref<20000x64xf32, #tpu.memory_space<hbm>> -> memref<20000x64xf32, #tpu.memory_space<hbm>>
      tpu.enqueue_indirect_dma source(%dma_start3A_930 : memref<20000x64xf32, #tpu.memory_space<hbm>>) target(%dma_start3A_924 : memref<128x64xf32, #tpu.memory_space<vmem>>) offsets(%dma_start3A_927 : memref<128xi32, #tpu.memory_space<vmem>>) semaphore(%arg15 : memref<!tpu.dma_semaphore, #tpu.memory_space<semaphore_mem>>)
      %dma_wait3A_931 = arith.constant 0 : i32
      %dma_wait3A_932 = arith.constant 0 : i32
      %dma_wait3A_933 = arith.constant 0 : i32
      %dma_wait3A_934 = tpu.memref_slice %arg11[%dma_wait3A_932, %dma_wait3A_933] : memref<256x64xf32, #tpu.memory_space<vmem>> -> memref<128x64xf32, #tpu.memory_space<vmem>>
      %dma_wait3A_935 = arith.constant 0 : i32
      %dma_wait3A_936 = tpu.memref_slice %arg9[%dma_wait3A_931, %dma_wait3A_935] : memref<5x128xi32, #tpu.memory_space<vmem>> -> memref<1x128xi32, #tpu.memory_space<vmem>>
      %dma_wait3A_937 = tpu.memref_squeeze %dma_wait3A_936 : memref<1x128xi32, #tpu.memory_space<vmem>> -> memref<128xi32, #tpu.memory_space<vmem>>
      %dma_wait3A_938 = arith.constant 0 : i32
      %dma_wait3A_939 = arith.constant 0 : i32
      %dma_wait3A_940 = tpu.memref_slice %arg2[%dma_wait3A_938, %dma_wait3A_939] : memref<20000x64xf32, #tpu.memory_space<hbm>> -> memref<20000x64xf32, #tpu.memory_space<hbm>>
      tpu.wait_indirect_dma semaphore(%arg14 : memref<!tpu.dma_semaphore, #tpu.memory_space<semaphore_mem>>) src(%dma_wait3A_940 : memref<20000x64xf32, #tpu.memory_space<hbm>>) dst(%dma_wait3A_934 : memref<128x64xf32, #tpu.memory_space<vmem>>)
      %run_scoped3A = arith.constant 0 : i32
      "tpu.region"() ({
        %run_scoped3A_973 = tpu.sem_alloc : memref<!tpu.dma_semaphore, #tpu.memory_space<semaphore_mem>>
        %dma_start3A_974 = arith.constant 0 : i32
        %dma_start3A_975 = arith.constant 0 : i32
        %dma_start3A_976 = tpu.memref_slice %arg11[%dma_start3A_974, %dma_start3A_975] : memref<256x64xf32, #tpu.memory_space<vmem>> -> memref<128x64xf32, #tpu.memory_space<vmem>>
        %dma_start3A_977 = arith.constant 0 : i32
        %dma_start3A_978 = tpu.memref_slice %arg10[%run_scoped3A, %dma_start3A_977] : memref<5x128xi32, #tpu.memory_space<vmem>> -> memref<1x128xi32, #tpu.memory_space<vmem>>
        %dma_start3A_979 = tpu.memref_squeeze %dma_start3A_978 : memref<1x128xi32, #tpu.memory_space<vmem>> -> memref<128xi32, #tpu.memory_space<vmem>>
        %dma_start3A_980 = arith.constant 0 : i32
        %dma_start3A_981 = arith.constant 0 : i32
        %dma_start3A_982 = tpu.memref_slice %arg13[%dma_start3A_980, %dma_start3A_981] : memref<10240x64xf32, #tpu.memory_space<vmem_shared>> -> memref<10240x64xf32, #tpu.memory_space<vmem_shared>>
        tpu.enqueue_indirect_dma source(%dma_start3A_976 : memref<128x64xf32, #tpu.memory_space<vmem>>) target(%dma_start3A_982 : memref<10240x64xf32, #tpu.memory_space<vmem_shared>>) offsets(%dma_start3A_979 : memref<128xi32, #tpu.memory_space<vmem>>) semaphore(%run_scoped3A_973 : memref<!tpu.dma_semaphore, #tpu.memory_space<semaphore_mem>>) {add = true}
        %dma_wait3A_983 = arith.constant 0 : i32
        %dma_wait3A_984 = arith.constant 0 : i32
        %dma_wait3A_985 = tpu.memref_slice %arg11[%dma_wait3A_983, %dma_wait3A_984] : memref<256x64xf32, #tpu.memory_space<vmem>> -> memref<128x64xf32, #tpu.memory_space<vmem>>
        %dma_wait3A_986 = arith.constant 0 : i32
        %dma_wait3A_987 = tpu.memref_slice %arg10[%run_scoped3A, %dma_wait3A_986] : memref<5x128xi32, #tpu.memory_space<vmem>> -> memref<1x128xi32, #tpu.memory_space<vmem>>
        %dma_wait3A_988 = tpu.memref_squeeze %dma_wait3A_987 : memref<1x128xi32, #tpu.memory_space<vmem>> -> memref<128xi32, #tpu.memory_space<vmem>>
        %dma_wait3A_989 = arith.constant 0 : i32
        %dma_wait3A_990 = arith.constant 0 : i32
        %dma_wait3A_991 = tpu.memref_slice %arg13[%dma_wait3A_989, %dma_wait3A_990] : memref<10240x64xf32, #tpu.memory_space<vmem_shared>> -> memref<10240x64xf32, #tpu.memory_space<vmem_shared>>
        tpu.wait_indirect_dma semaphore(%run_scoped3A_973 : memref<!tpu.dma_semaphore, #tpu.memory_space<semaphore_mem>>) src(%dma_wait3A_985 : memref<128x64xf32, #tpu.memory_space<vmem>>) dst(%dma_wait3A_991 : memref<10240x64xf32, #tpu.memory_space<vmem_shared>>)
        tpu.yield
      }) : () -> ()
      %dma_start3A_941 = arith.constant 4 : i32
      %dma_start3A_942 = arith.constant 0 : i32
      %dma_start3A_943 = arith.constant 0 : i32
      %dma_start3A_944 = tpu.memref_slice %arg11[%dma_start3A_942, %dma_start3A_943] : memref<256x64xf32, #tpu.memory_space<vmem>> -> memref<128x64xf32, #tpu.memory_space<vmem>>
      %dma_start3A_945 = arith.constant 0 : i32
      %dma_start3A_946 = tpu.memref_slice %arg9[%dma_start3A_941, %dma_start3A_945] : memref<5x128xi32, #tpu.memory_space<vmem>> -> memref<1x128xi32, #tpu.memory_space<vmem>>
      %dma_start3A_947 = tpu.memref_squeeze %dma_start3A_946 : memref<1x128xi32, #tpu.memory_space<vmem>> -> memref<128xi32, #tpu.memory_space<vmem>>
      %dma_start3A_948 = arith.constant 0 : i32
      %dma_start3A_949 = arith.constant 0 : i32
      %dma_start3A_950 = tpu.memref_slice %arg2[%dma_start3A_948, %dma_start3A_949] : memref<20000x64xf32, #tpu.memory_space<hbm>> -> memref<20000x64xf32, #tpu.memory_space<hbm>>
      tpu.enqueue_indirect_dma source(%dma_start3A_950 : memref<20000x64xf32, #tpu.memory_space<hbm>>) target(%dma_start3A_944 : memref<128x64xf32, #tpu.memory_space<vmem>>) offsets(%dma_start3A_947 : memref<128xi32, #tpu.memory_space<vmem>>) semaphore(%arg14 : memref<!tpu.dma_semaphore, #tpu.memory_space<semaphore_mem>>)
      %dma_wait3A_951 = arith.constant 2 : i32
      %dma_wait3A_952 = arith.constant 0 : i32
      %dma_wait3A_953 = arith.constant 0 : i32
      %dma_wait3A_954 = tpu.memref_slice %arg12[%dma_wait3A_952, %dma_wait3A_953] : memref<256x64xf32, #tpu.memory_space<vmem>> -> memref<128x64xf32, #tpu.memory_space<vmem>>
      %dma_wait3A_955 = arith.constant 0 : i32
      %dma_wait3A_956 = tpu.memref_slice %arg9[%dma_wait3A_951, %dma_wait3A_955] : memref<5x128xi32, #tpu.memory_space<vmem>> -> memref<1x128xi32, #tpu.memory_space<vmem>>
      %dma_wait3A_957 = tpu.memref_squeeze %dma_wait3A_956 : memref<1x128xi32, #tpu.memory_space<vmem>> -> memref<128xi32, #tpu.memory_space<vmem>>
      %dma_wait3A_958 = arith.constant 0 : i32
      %dma_wait3A_959 = arith.constant 0 : i32
      %dma_wait3A_960 = tpu.memref_slice %arg2[%dma_wait3A_958, %dma_wait3A_959] : memref<20000x64xf32, #tpu.memory_space<hbm>> -> memref<20000x64xf32, #tpu.memory_space<hbm>>
      tpu.wait_indirect_dma semaphore(%arg15 : memref<!tpu.dma_semaphore, #tpu.memory_space<semaphore_mem>>) src(%dma_wait3A_960 : memref<20000x64xf32, #tpu.memory_space<hbm>>) dst(%dma_wait3A_954 : memref<128x64xf32, #tpu.memory_space<vmem>>)
      %run_scoped3A_961 = arith.constant 2 : i32
      "tpu.region"() ({
        %run_scoped3A_973 = tpu.sem_alloc : memref<!tpu.dma_semaphore, #tpu.memory_space<semaphore_mem>>
        %dma_start3A_974 = arith.constant 0 : i32
        %dma_start3A_975 = arith.constant 0 : i32
        %dma_start3A_976 = tpu.memref_slice %arg12[%dma_start3A_974, %dma_start3A_975] : memref<256x64xf32, #tpu.memory_space<vmem>> -> memref<128x64xf32, #tpu.memory_space<vmem>>
        %dma_start3A_977 = arith.constant 0 : i32
        %dma_start3A_978 = tpu.memref_slice %arg10[%run_scoped3A_961, %dma_start3A_977] : memref<5x128xi32, #tpu.memory_space<vmem>> -> memref<1x128xi32, #tpu.memory_space<vmem>>
        %dma_start3A_979 = tpu.memref_squeeze %dma_start3A_978 : memref<1x128xi32, #tpu.memory_space<vmem>> -> memref<128xi32, #tpu.memory_space<vmem>>
        %dma_start3A_980 = arith.constant 0 : i32
        %dma_start3A_981 = arith.constant 0 : i32
        %dma_start3A_982 = tpu.memref_slice %arg13[%dma_start3A_980, %dma_start3A_981] : memref<10240x64xf32, #tpu.memory_space<vmem_shared>> -> memref<10240x64xf32, #tpu.memory_space<vmem_shared>>
        tpu.enqueue_indirect_dma source(%dma_start3A_976 : memref<128x64xf32, #tpu.memory_space<vmem>>) target(%dma_start3A_982 : memref<10240x64xf32, #tpu.memory_space<vmem_shared>>) offsets(%dma_start3A_979 : memref<128xi32, #tpu.memory_space<vmem>>) semaphore(%run_scoped3A_973 : memref<!tpu.dma_semaphore, #tpu.memory_space<semaphore_mem>>) {add = true}
        %dma_wait3A_983 = arith.constant 0 : i32
        %dma_wait3A_984 = arith.constant 0 : i32
        %dma_wait3A_985 = tpu.memref_slice %arg12[%dma_wait3A_983, %dma_wait3A_984] : memref<256x64xf32, #tpu.memory_space<vmem>> -> memref<128x64xf32, #tpu.memory_space<vmem>>
        %dma_wait3A_986 = arith.constant 0 : i32
        %dma_wait3A_987 = tpu.memref_slice %arg10[%run_scoped3A_961, %dma_wait3A_986] : memref<5x128xi32, #tpu.memory_space<vmem>> -> memref<1x128xi32, #tpu.memory_space<vmem>>
        %dma_wait3A_988 = tpu.memref_squeeze %dma_wait3A_987 : memref<1x128xi32, #tpu.memory_space<vmem>> -> memref<128xi32, #tpu.memory_space<vmem>>
        %dma_wait3A_989 = arith.constant 0 : i32
        %dma_wait3A_990 = arith.constant 0 : i32
        %dma_wait3A_991 = tpu.memref_slice %arg13[%dma_wait3A_989, %dma_wait3A_990] : memref<10240x64xf32, #tpu.memory_space<vmem_shared>> -> memref<10240x64xf32, #tpu.memory_space<vmem_shared>>
        tpu.wait_indirect_dma semaphore(%run_scoped3A_973 : memref<!tpu.dma_semaphore, #tpu.memory_space<semaphore_mem>>) src(%dma_wait3A_985 : memref<128x64xf32, #tpu.memory_space<vmem>>) dst(%dma_wait3A_991 : memref<10240x64xf32, #tpu.memory_space<vmem_shared>>)
        tpu.yield
      }) : () -> ()
      %dma_wait3A_962 = arith.constant 4 : i32
      %dma_wait3A_963 = arith.constant 0 : i32
      %dma_wait3A_964 = arith.constant 0 : i32
      %dma_wait3A_965 = tpu.memref_slice %arg11[%dma_wait3A_963, %dma_wait3A_964] : memref<256x64xf32, #tpu.memory_space<vmem>> -> memref<128x64xf32, #tpu.memory_space<vmem>>
      %dma_wait3A_966 = arith.constant 0 : i32
      %dma_wait3A_967 = tpu.memref_slice %arg9[%dma_wait3A_962, %dma_wait3A_966] : memref<5x128xi32, #tpu.memory_space<vmem>> -> memref<1x128xi32, #tpu.memory_space<vmem>>
      %dma_wait3A_968 = tpu.memref_squeeze %dma_wait3A_967 : memref<1x128xi32, #tpu.memory_space<vmem>> -> memref<128xi32, #tpu.memory_space<vmem>>
      %dma_wait3A_969 = arith.constant 0 : i32
      %dma_wait3A_970 = arith.constant 0 : i32
      %dma_wait3A_971 = tpu.memref_slice %arg2[%dma_wait3A_969, %dma_wait3A_970] : memref<20000x64xf32, #tpu.memory_space<hbm>> -> memref<20000x64xf32, #tpu.memory_space<hbm>>
      tpu.wait_indirect_dma semaphore(%arg14 : memref<!tpu.dma_semaphore, #tpu.memory_space<semaphore_mem>>) src(%dma_wait3A_971 : memref<20000x64xf32, #tpu.memory_space<hbm>>) dst(%dma_wait3A_965 : memref<128x64xf32, #tpu.memory_space<vmem>>)
      %run_scoped3A_972 = arith.constant 4 : i32
      "tpu.region"() ({
        %run_scoped3A_973 = tpu.sem_alloc : memref<!tpu.dma_semaphore, #tpu.memory_space<semaphore_mem>>
        %dma_start3A_974 = arith.constant 0 : i32
        %dma_start3A_975 = arith.constant 0 : i32
        %dma_start3A_976 = tpu.memref_slice %arg11[%dma_start3A_974, %dma_start3A_975] : memref<256x64xf32, #tpu.memory_space<vmem>> -> memref<128x64xf32, #tpu.memory_space<vmem>>
        %dma_start3A_977 = arith.constant 0 : i32
        %dma_start3A_978 = tpu.memref_slice %arg10[%run_scoped3A_972, %dma_start3A_977] : memref<5x128xi32, #tpu.memory_space<vmem>> -> memref<1x128xi32, #tpu.memory_space<vmem>>
        %dma_start3A_979 = tpu.memref_squeeze %dma_start3A_978 : memref<1x128xi32, #tpu.memory_space<vmem>> -> memref<128xi32, #tpu.memory_space<vmem>>
        %dma_start3A_980 = arith.constant 0 : i32
        %dma_start3A_981 = arith.constant 0 : i32
        %dma_start3A_982 = tpu.memref_slice %arg13[%dma_start3A_980, %dma_start3A_981] : memref<10240x64xf32, #tpu.memory_space<vmem_shared>> -> memref<10240x64xf32, #tpu.memory_space<vmem_shared>>
        tpu.enqueue_indirect_dma source(%dma_start3A_976 : memref<128x64xf32, #tpu.memory_space<vmem>>) target(%dma_start3A_982 : memref<10240x64xf32, #tpu.memory_space<vmem_shared>>) offsets(%dma_start3A_979 : memref<128xi32, #tpu.memory_space<vmem>>) semaphore(%run_scoped3A_973 : memref<!tpu.dma_semaphore, #tpu.memory_space<semaphore_mem>>) {add = true}
        %dma_wait3A_983 = arith.constant 0 : i32
        %dma_wait3A_984 = arith.constant 0 : i32
        %dma_wait3A_985 = tpu.memref_slice %arg11[%dma_wait3A_983, %dma_wait3A_984] : memref<256x64xf32, #tpu.memory_space<vmem>> -> memref<128x64xf32, #tpu.memory_space<vmem>>
        %dma_wait3A_986 = arith.constant 0 : i32
        %dma_wait3A_987 = tpu.memref_slice %arg10[%run_scoped3A_972, %dma_wait3A_986] : memref<5x128xi32, #tpu.memory_space<vmem>> -> memref<1x128xi32, #tpu.memory_space<vmem>>
        %dma_wait3A_988 = tpu.memref_squeeze %dma_wait3A_987 : memref<1x128xi32, #tpu.memory_space<vmem>> -> memref<128xi32, #tpu.memory_space<vmem>>
        %dma_wait3A_989 = arith.constant 0 : i32
        %dma_wait3A_990 = arith.constant 0 : i32
        %dma_wait3A_991 = tpu.memref_slice %arg13[%dma_wait3A_989, %dma_wait3A_990] : memref<10240x64xf32, #tpu.memory_space<vmem_shared>> -> memref<10240x64xf32, #tpu.memory_space<vmem_shared>>
        tpu.wait_indirect_dma semaphore(%run_scoped3A_973 : memref<!tpu.dma_semaphore, #tpu.memory_space<semaphore_mem>>) src(%dma_wait3A_985 : memref<128x64xf32, #tpu.memory_space<vmem>>) dst(%dma_wait3A_991 : memref<10240x64xf32, #tpu.memory_space<vmem_shared>>)
        tpu.yield
      }) : () -> ()
    } else {
    }
    %eq3A_901 = arith.constant 1 : i32
    %eq3A_902 = arith.cmpi eq, %arg0, %eq3A_901 : i32
    %convert_element_type3A_903 = arith.extui %eq3A_902 : i1 to i32
    %cond3A_904 = arith.constant 0 : i32
    %cond3A_905 = arith.cmpi ne, %convert_element_type3A_903, %cond3A_904 : i32
    scf.if %cond3A_905 {
      %dma_start3A_911 = arith.constant 1 : i32
      %dma_start3A_912 = arith.constant 0 : i32
      %dma_start3A_913 = arith.constant 0 : i32
      %dma_start3A_914 = tpu.memref_slice %arg11[%dma_start3A_912, %dma_start3A_913] : memref<256x64xf32, #tpu.memory_space<vmem>> -> memref<128x64xf32, #tpu.memory_space<vmem>>
      %dma_start3A_915 = arith.constant 0 : i32
      %dma_start3A_916 = tpu.memref_slice %arg9[%dma_start3A_911, %dma_start3A_915] : memref<5x128xi32, #tpu.memory_space<vmem>> -> memref<1x128xi32, #tpu.memory_space<vmem>>
      %dma_start3A_917 = tpu.memref_squeeze %dma_start3A_916 : memref<1x128xi32, #tpu.memory_space<vmem>> -> memref<128xi32, #tpu.memory_space<vmem>>
      %dma_start3A_918 = arith.constant 0 : i32
      %dma_start3A_919 = arith.constant 0 : i32
      %dma_start3A_920 = tpu.memref_slice %arg2[%dma_start3A_918, %dma_start3A_919] : memref<20000x64xf32, #tpu.memory_space<hbm>> -> memref<20000x64xf32, #tpu.memory_space<hbm>>
      tpu.enqueue_indirect_dma source(%dma_start3A_920 : memref<20000x64xf32, #tpu.memory_space<hbm>>) target(%dma_start3A_914 : memref<128x64xf32, #tpu.memory_space<vmem>>) offsets(%dma_start3A_917 : memref<128xi32, #tpu.memory_space<vmem>>) semaphore(%arg14 : memref<!tpu.dma_semaphore, #tpu.memory_space<semaphore_mem>>)
      %dma_start3A_921 = arith.constant 3 : i32
      %dma_start3A_922 = arith.constant 0 : i32
      %dma_start3A_923 = arith.constant 0 : i32
      %dma_start3A_924 = tpu.memref_slice %arg12[%dma_start3A_922, %dma_start3A_923] : memref<256x64xf32, #tpu.memory_space<vmem>> -> memref<128x64xf32, #tpu.memory_space<vmem>>
      %dma_start3A_925 = arith.constant 0 : i32
      %dma_start3A_926 = tpu.memref_slice %arg9[%dma_start3A_921, %dma_start3A_925] : memref<5x128xi32, #tpu.memory_space<vmem>> -> memref<1x128xi32, #tpu.memory_space<vmem>>
      %dma_start3A_927 = tpu.memref_squeeze %dma_start3A_926 : memref<1x128xi32, #tpu.memory_space<vmem>> -> memref<128xi32, #tpu.memory_space<vmem>>
      %dma_start3A_928 = arith.constant 0 : i32
      %dma_start3A_929 = arith.constant 0 : i32
      %dma_start3A_930 = tpu.memref_slice %arg2[%dma_start3A_928, %dma_start3A_929] : memref<20000x64xf32, #tpu.memory_space<hbm>> -> memref<20000x64xf32, #tpu.memory_space<hbm>>
      tpu.enqueue_indirect_dma source(%dma_start3A_930 : memref<20000x64xf32, #tpu.memory_space<hbm>>) target(%dma_start3A_924 : memref<128x64xf32, #tpu.memory_space<vmem>>) offsets(%dma_start3A_927 : memref<128xi32, #tpu.memory_space<vmem>>) semaphore(%arg15 : memref<!tpu.dma_semaphore, #tpu.memory_space<semaphore_mem>>)
      %dma_wait3A_931 = arith.constant 1 : i32
      %dma_wait3A_932 = arith.constant 0 : i32
      %dma_wait3A_933 = arith.constant 0 : i32
      %dma_wait3A_934 = tpu.memref_slice %arg11[%dma_wait3A_932, %dma_wait3A_933] : memref<256x64xf32, #tpu.memory_space<vmem>> -> memref<128x64xf32, #tpu.memory_space<vmem>>
      %dma_wait3A_935 = arith.constant 0 : i32
      %dma_wait3A_936 = tpu.memref_slice %arg9[%dma_wait3A_931, %dma_wait3A_935] : memref<5x128xi32, #tpu.memory_space<vmem>> -> memref<1x128xi32, #tpu.memory_space<vmem>>
      %dma_wait3A_937 = tpu.memref_squeeze %dma_wait3A_936 : memref<1x128xi32, #tpu.memory_space<vmem>> -> memref<128xi32, #tpu.memory_space<vmem>>
      %dma_wait3A_938 = arith.constant 0 : i32
      %dma_wait3A_939 = arith.constant 0 : i32
      %dma_wait3A_940 = tpu.memref_slice %arg2[%dma_wait3A_938, %dma_wait3A_939] : memref<20000x64xf32, #tpu.memory_space<hbm>> -> memref<20000x64xf32, #tpu.memory_space<hbm>>
      tpu.wait_indirect_dma semaphore(%arg14 : memref<!tpu.dma_semaphore, #tpu.memory_space<semaphore_mem>>) src(%dma_wait3A_940 : memref<20000x64xf32, #tpu.memory_space<hbm>>) dst(%dma_wait3A_934 : memref<128x64xf32, #tpu.memory_space<vmem>>)
      %run_scoped3A = arith.constant 1 : i32
      "tpu.region"() ({
        %run_scoped3A_952 = tpu.sem_alloc : memref<!tpu.dma_semaphore, #tpu.memory_space<semaphore_mem>>
        %dma_start3A_953 = arith.constant 0 : i32
        %dma_start3A_954 = arith.constant 0 : i32
        %dma_start3A_955 = tpu.memref_slice %arg11[%dma_start3A_953, %dma_start3A_954] : memref<256x64xf32, #tpu.memory_space<vmem>> -> memref<128x64xf32, #tpu.memory_space<vmem>>
        %dma_start3A_956 = arith.constant 0 : i32
        %dma_start3A_957 = tpu.memref_slice %arg10[%run_scoped3A, %dma_start3A_956] : memref<5x128xi32, #tpu.memory_space<vmem>> -> memref<1x128xi32, #tpu.memory_space<vmem>>
        %dma_start3A_958 = tpu.memref_squeeze %dma_start3A_957 : memref<1x128xi32, #tpu.memory_space<vmem>> -> memref<128xi32, #tpu.memory_space<vmem>>
        %dma_start3A_959 = arith.constant 0 : i32
        %dma_start3A_960 = arith.constant 0 : i32
        %dma_start3A_961 = tpu.memref_slice %arg13[%dma_start3A_959, %dma_start3A_960] : memref<10240x64xf32, #tpu.memory_space<vmem_shared>> -> memref<10240x64xf32, #tpu.memory_space<vmem_shared>>
        tpu.enqueue_indirect_dma source(%dma_start3A_955 : memref<128x64xf32, #tpu.memory_space<vmem>>) target(%dma_start3A_961 : memref<10240x64xf32, #tpu.memory_space<vmem_shared>>) offsets(%dma_start3A_958 : memref<128xi32, #tpu.memory_space<vmem>>) semaphore(%run_scoped3A_952 : memref<!tpu.dma_semaphore, #tpu.memory_space<semaphore_mem>>) {add = true}
        %dma_wait3A_962 = arith.constant 0 : i32
        %dma_wait3A_963 = arith.constant 0 : i32
        %dma_wait3A_964 = tpu.memref_slice %arg11[%dma_wait3A_962, %dma_wait3A_963] : memref<256x64xf32, #tpu.memory_space<vmem>> -> memref<128x64xf32, #tpu.memory_space<vmem>>
        %dma_wait3A_965 = arith.constant 0 : i32
        %dma_wait3A_966 = tpu.memref_slice %arg10[%run_scoped3A, %dma_wait3A_965] : memref<5x128xi32, #tpu.memory_space<vmem>> -> memref<1x128xi32, #tpu.memory_space<vmem>>
        %dma_wait3A_967 = tpu.memref_squeeze %dma_wait3A_966 : memref<1x128xi32, #tpu.memory_space<vmem>> -> memref<128xi32, #tpu.memory_space<vmem>>
        %dma_wait3A_968 = arith.constant 0 : i32
        %dma_wait3A_969 = arith.constant 0 : i32
        %dma_wait3A_970 = tpu.memref_slice %arg13[%dma_wait3A_968, %dma_wait3A_969] : memref<10240x64xf32, #tpu.memory_space<vmem_shared>> -> memref<10240x64xf32, #tpu.memory_space<vmem_shared>>
        tpu.wait_indirect_dma semaphore(%run_scoped3A_952 : memref<!tpu.dma_semaphore, #tpu.memory_space<semaphore_mem>>) src(%dma_wait3A_964 : memref<128x64xf32, #tpu.memory_space<vmem>>) dst(%dma_wait3A_970 : memref<10240x64xf32, #tpu.memory_space<vmem_shared>>)
        tpu.yield
      }) : () -> ()
      %dma_wait3A_941 = arith.constant 3 : i32
      %dma_wait3A_942 = arith.constant 0 : i32
      %dma_wait3A_943 = arith.constant 0 : i32
      %dma_wait3A_944 = tpu.memref_slice %arg12[%dma_wait3A_942, %dma_wait3A_943] : memref<256x64xf32, #tpu.memory_space<vmem>> -> memref<128x64xf32, #tpu.memory_space<vmem>>
      %dma_wait3A_945 = arith.constant 0 : i32
      %dma_wait3A_946 = tpu.memref_slice %arg9[%dma_wait3A_941, %dma_wait3A_945] : memref<5x128xi32, #tpu.memory_space<vmem>> -> memref<1x128xi32, #tpu.memory_space<vmem>>
      %dma_wait3A_947 = tpu.memref_squeeze %dma_wait3A_946 : memref<1x128xi32, #tpu.memory_space<vmem>> -> memref<128xi32, #tpu.memory_space<vmem>>
      %dma_wait3A_948 = arith.constant 0 : i32
      %dma_wait3A_949 = arith.constant 0 : i32
      %dma_wait3A_950 = tpu.memref_slice %arg2[%dma_wait3A_948, %dma_wait3A_949] : memref<20000x64xf32, #tpu.memory_space<hbm>> -> memref<20000x64xf32, #tpu.memory_space<hbm>>
      tpu.wait_indirect_dma semaphore(%arg15 : memref<!tpu.dma_semaphore, #tpu.memory_space<semaphore_mem>>) src(%dma_wait3A_950 : memref<20000x64xf32, #tpu.memory_space<hbm>>) dst(%dma_wait3A_944 : memref<128x64xf32, #tpu.memory_space<vmem>>)
      %run_scoped3A_951 = arith.constant 3 : i32
      "tpu.region"() ({
        %run_scoped3A_952 = tpu.sem_alloc : memref<!tpu.dma_semaphore, #tpu.memory_space<semaphore_mem>>
        %dma_start3A_953 = arith.constant 0 : i32
        %dma_start3A_954 = arith.constant 0 : i32
        %dma_start3A_955 = tpu.memref_slice %arg12[%dma_start3A_953, %dma_start3A_954] : memref<256x64xf32, #tpu.memory_space<vmem>> -> memref<128x64xf32, #tpu.memory_space<vmem>>
        %dma_start3A_956 = arith.constant 0 : i32
        %dma_start3A_957 = tpu.memref_slice %arg10[%run_scoped3A_951, %dma_start3A_956] : memref<5x128xi32, #tpu.memory_space<vmem>> -> memref<1x128xi32, #tpu.memory_space<vmem>>
        %dma_start3A_958 = tpu.memref_squeeze %dma_start3A_957 : memref<1x128xi32, #tpu.memory_space<vmem>> -> memref<128xi32, #tpu.memory_space<vmem>>
        %dma_start3A_959 = arith.constant 0 : i32
        %dma_start3A_960 = arith.constant 0 : i32
        %dma_start3A_961 = tpu.memref_slice %arg13[%dma_start3A_959, %dma_start3A_960] : memref<10240x64xf32, #tpu.memory_space<vmem_shared>> -> memref<10240x64xf32, #tpu.memory_space<vmem_shared>>
        tpu.enqueue_indirect_dma source(%dma_start3A_955 : memref<128x64xf32, #tpu.memory_space<vmem>>) target(%dma_start3A_961 : memref<10240x64xf32, #tpu.memory_space<vmem_shared>>) offsets(%dma_start3A_958 : memref<128xi32, #tpu.memory_space<vmem>>) semaphore(%run_scoped3A_952 : memref<!tpu.dma_semaphore, #tpu.memory_space<semaphore_mem>>) {add = true}
        %dma_wait3A_962 = arith.constant 0 : i32
        %dma_wait3A_963 = arith.constant 0 : i32
        %dma_wait3A_964 = tpu.memref_slice %arg12[%dma_wait3A_962, %dma_wait3A_963] : memref<256x64xf32, #tpu.memory_space<vmem>> -> memref<128x64xf32, #tpu.memory_space<vmem>>
        %dma_wait3A_965 = arith.constant 0 : i32
        %dma_wait3A_966 = tpu.memref_slice %arg10[%run_scoped3A_951, %dma_wait3A_965] : memref<5x128xi32, #tpu.memory_space<vmem>> -> memref<1x128xi32, #tpu.memory_space<vmem>>
        %dma_wait3A_967 = tpu.memref_squeeze %dma_wait3A_966 : memref<1x128xi32, #tpu.memory_space<vmem>> -> memref<128xi32, #tpu.memory_space<vmem>>
        %dma_wait3A_968 = arith.constant 0 : i32
        %dma_wait3A_969 = arith.constant 0 : i32
        %dma_wait3A_970 = tpu.memref_slice %arg13[%dma_wait3A_968, %dma_wait3A_969] : memref<10240x64xf32, #tpu.memory_space<vmem_shared>> -> memref<10240x64xf32, #tpu.memory_space<vmem_shared>>
        tpu.wait_indirect_dma semaphore(%run_scoped3A_952 : memref<!tpu.dma_semaphore, #tpu.memory_space<semaphore_mem>>) src(%dma_wait3A_964 : memref<128x64xf32, #tpu.memory_space<vmem>>) dst(%dma_wait3A_970 : memref<10240x64xf32, #tpu.memory_space<vmem_shared>>)
        tpu.yield
      }) : () -> ()
    } else {
    }
    %barrier3A_906 = arith.constant 0 : index
    tpu.barrier barrier_id(%barrier3A_906)
    %mul3A_907 = arith.constant 640 : i32
    %mul3A_908 = arith.muli %arg1, %mul3A_907 : i32
    %mul3A_909 = arith.constant 640 : i32
    %mul3A_910 = arith.muli %arg1, %mul3A_909 : i32
    "tpu.region"() ({
      %run_scoped3A = tpu.sem_alloc : memref<!tpu.dma_semaphore, #tpu.memory_space<semaphore_mem>>
      %dma_start3A_911 = arith.constant 0 : i32
      %dma_start3A_912 = tpu.memref_slice %arg6[%arg0, %mul3A_910, %dma_start3A_911] : memref<2x10240x64xf32, #tpu.memory_space<hbm>> -> memref<1x640x64xf32, #tpu.memory_space<hbm>>
      %dma_start3A_913 = tpu.memref_squeeze %dma_start3A_912 : memref<1x640x64xf32, #tpu.memory_space<hbm>> -> memref<640x64xf32, #tpu.memory_space<hbm>>
      %dma_start3A_914 = arith.constant 0 : i32
      %dma_start3A_915 = tpu.memref_slice %arg13[%mul3A_908, %dma_start3A_914] : memref<10240x64xf32, #tpu.memory_space<vmem_shared>> -> memref<640x64xf32, #tpu.memory_space<vmem_shared>>
      tpu.enqueue_dma source(%dma_start3A_915 : memref<640x64xf32, #tpu.memory_space<vmem_shared>>) target(%dma_start3A_913 : memref<640x64xf32, #tpu.memory_space<hbm>>) target_semaphore(%run_scoped3A : memref<!tpu.dma_semaphore, #tpu.memory_space<semaphore_mem>>)
      %dma_wait3A_916 = arith.constant 0 : i32
      %dma_wait3A_917 = tpu.memref_slice %arg6[%arg0, %mul3A_910, %dma_wait3A_916] : memref<2x10240x64xf32, #tpu.memory_space<hbm>> -> memref<1x640x64xf32, #tpu.memory_space<hbm>>
      %dma_wait3A_918 = tpu.memref_squeeze %dma_wait3A_917 : memref<1x640x64xf32, #tpu.memory_space<hbm>> -> memref<640x64xf32, #tpu.memory_space<hbm>>
      %dma_wait3A_919 = arith.constant 0 : i32
      %dma_wait3A_920 = tpu.memref_slice %arg13[%mul3A_908, %dma_wait3A_919] : memref<10240x64xf32, #tpu.memory_space<vmem_shared>> -> memref<640x64xf32, #tpu.memory_space<vmem_shared>>
      tpu.wait_dma2 semaphore(%run_scoped3A : memref<!tpu.dma_semaphore, #tpu.memory_space<semaphore_mem>>) src(%dma_wait3A_920 : memref<640x64xf32, #tpu.memory_space<vmem_shared>>) dst(%dma_wait3A_918 : memref<640x64xf32, #tpu.memory_space<hbm>>)
      tpu.yield
    }) : () -> ()
    return
  }
}

module attributes {stable_mosaic.version = 14 : i64} {
  func.func @body(%arg0: i32, %arg1: memref<2x65536xi32, #tpu.memory_space<vmem>>, %arg2: memref<65536xi32, #tpu.memory_space<vmem>>, %arg3: memref<65536xi32, #tpu.memory_space<vmem>>) attributes {dimension_semantics = [#tpu.dimension_semantics<arbitrary>], iteration_bounds = array<i64: 5>, scalar_prefetch = 0 : i64, scratch_operands = 0 : i64, tpu.core_type = #tpu.core_type<tc>, window_params = [{transform_indices = @transform_0, window_bounds = array<i64: 2, 65536>}, {transform_indices = @transform_1, window_bounds = array<i64: 65536>}, {transform_indices = @transform_2, window_bounds = array<i64: 65536>}]} {
    %mul3A = arith.constant 65536 : i32
    %mul3A_0 = arith.muli %arg0, %mul3A : i32
    %iota3A = tpu.iota {dimensions = array<i32: 1>} : vector<1x65536xi32>
    %iota3A_1 = vector.shape_cast %iota3A : vector<1x65536xi32> to vector<65536xi32>
    %add3A = vector.broadcast %mul3A_0 : i32 to vector<65536xi32>
    %add3A_2 = arith.addi %add3A, %iota3A_1 : vector<65536xi32>
    %lt3A = arith.constant 320000 : i32
    %lt3A_3 = vector.broadcast %lt3A : i32 to vector<65536xi32>
    %lt3A_4 = arith.cmpi slt, %add3A_2, %lt3A_3 : vector<65536xi32>
    %get3A = arith.constant 0 : index
    %get3A_5 = arith.constant 0 : index
    %get3A_6 = vector.load %arg1[%get3A, %get3A_5] : memref<2x65536xi32, #tpu.memory_space<vmem>>, vector<1x65536xi32>
    %get3A_7 = vector.shape_cast %get3A_6 : vector<1x65536xi32> to vector<65536xi32>
    %jit3A = arith.constant 10000 : i32
    %eq3A = arith.constant 0 : i32
    %eq3A_8 = arith.cmpi eq, %jit3A, %eq3A : i32
    %jit3A_9 = arith.constant 1 : i32
    %select_n3A = arith.select %eq3A_8, %jit3A_9, %jit3A : i32
    %rem3A = vector.broadcast %select_n3A : i32 to vector<65536xi32>
    %rem3A_10 = arith.remsi %add3A_2, %rem3A : vector<65536xi32>
    %ne3A = arith.constant 0 : i32
    %ne3A_11 = vector.broadcast %ne3A : i32 to vector<65536xi32>
    %ne3A_12 = arith.cmpi ne, %rem3A_10, %ne3A_11 : vector<65536xi32>
    %lt3A_13 = arith.constant 0 : i32
    %lt3A_14 = vector.broadcast %lt3A_13 : i32 to vector<65536xi32>
    %lt3A_15 = arith.cmpi slt, %rem3A_10, %lt3A_14 : vector<65536xi32>
    %lt3A_16 = arith.constant 0 : i32
    %lt3A_17 = arith.cmpi slt, %select_n3A, %lt3A_16 : i32
    %ne3A_18 = vector.broadcast %lt3A_17 : i1 to vector<65536xi1>
    %ne3A_19 = vector.broadcast %ne3A_18 : vector<65536xi1> to vector<65536xi1>
    %ne3A_20 = arith.xori %lt3A_15, %ne3A_19 : vector<65536xi1>
    %and3A = arith.andi %ne3A_20, %ne3A_12 : vector<65536xi1>
    %add3A_21 = vector.broadcast %select_n3A : i32 to vector<65536xi32>
    %add3A_22 = arith.addi %rem3A_10, %add3A_21 : vector<65536xi32>
    %select_n3A_23 = arith.select %and3A, %add3A_22, %rem3A_10 : vector<65536xi1>, vector<65536xi32>
    %select_n3A_24 = arith.select %lt3A_4, %get3A_7, %select_n3A_23 : vector<65536xi1>, vector<65536xi32>
    %swap3A = arith.constant 0 : index
    %swap3A_25 = vector.load %arg2[%swap3A] : memref<65536xi32, #tpu.memory_space<vmem>>, vector<65536xi32>
    tpu.vector_store %arg2[%swap3A], %select_n3A_24 {strides = array<i32>} : memref<65536xi32, #tpu.memory_space<vmem>>, vector<65536xi32>,
    %mul3A_26 = arith.constant 2 : i32
    %mul3A_27 = vector.broadcast %mul3A_26 : i32 to vector<65536xi32>
    %mul3A_28 = arith.muli %mul3A_27, %select_n3A_24 : vector<65536xi32>
    %swap3A_29 = arith.constant 0 : index
    %swap3A_30 = vector.load %arg3[%swap3A_29] : memref<65536xi32, #tpu.memory_space<vmem>>, vector<65536xi32>
    tpu.vector_store %arg3[%swap3A_29], %mul3A_28 {strides = array<i32>} : memref<65536xi32, #tpu.memory_space<vmem>>, vector<65536xi32>,
    return
  }
  func.func @transform_0(%arg0: i32) -> (i32, i32) {
    %c0_i32 = arith.constant 0 : i32
    %c0_i32_0 = arith.constant 0 : i32
    return %c0_i32, %arg0 : i32, i32
  }
  func.func @transform_1(%arg0: i32) -> i32 {
    %c0_i32 = arith.constant 0 : i32
    return %arg0 : i32
  }
  func.func @transform_2(%arg0: i32) -> i32 {
    %c0_i32 = arith.constant 0 : i32
    return %arg0 : i32
  }
}

module attributes {stable_mosaic.version = 14 : i64} {
  func.func @body(%arg0: i32, %arg1: memref<2x65536xi32, #tpu.memory_space<vmem>>, %arg2: memref<65536xi32, #tpu.memory_space<vmem>>) attributes {dimension_semantics = [#tpu.dimension_semantics<arbitrary>], iteration_bounds = array<i64: 5>, scalar_prefetch = 0 : i64, scratch_operands = 0 : i64, tpu.core_type = #tpu.core_type<tc>, window_params = [{transform_indices = @transform_0, window_bounds = array<i64: 2, 65536>}, {transform_indices = @transform_1, window_bounds = array<i64: 65536>}]} {
    %mul3A = arith.constant 65536 : i32
    %mul3A_0 = arith.muli %arg0, %mul3A : i32
    %iota3A = tpu.iota {dimensions = array<i32: 1>} : vector<1x65536xi32>
    %iota3A_1 = vector.shape_cast %iota3A : vector<1x65536xi32> to vector<65536xi32>
    %add3A = vector.broadcast %mul3A_0 : i32 to vector<65536xi32>
    %add3A_2 = arith.addi %add3A, %iota3A_1 : vector<65536xi32>
    %lt3A = arith.constant 320000 : i32
    %lt3A_3 = vector.broadcast %lt3A : i32 to vector<65536xi32>
    %lt3A_4 = arith.cmpi slt, %add3A_2, %lt3A_3 : vector<65536xi32>
    %get3A = arith.constant 1 : index
    %get3A_5 = arith.constant 0 : index
    %get3A_6 = vector.load %arg1[%get3A, %get3A_5] : memref<2x65536xi32, #tpu.memory_space<vmem>>, vector<1x65536xi32>
    %get3A_7 = vector.shape_cast %get3A_6 : vector<1x65536xi32> to vector<65536xi32>
    %jit3A = arith.constant 240 : i32
    %eq3A = arith.constant 0 : i32
    %eq3A_8 = arith.cmpi eq, %jit3A, %eq3A : i32
    %jit3A_9 = arith.constant 1 : i32
    %select_n3A = arith.select %eq3A_8, %jit3A_9, %jit3A : i32
    %rem3A = vector.broadcast %select_n3A : i32 to vector<65536xi32>
    %rem3A_10 = arith.remsi %add3A_2, %rem3A : vector<65536xi32>
    %ne3A = arith.constant 0 : i32
    %ne3A_11 = vector.broadcast %ne3A : i32 to vector<65536xi32>
    %ne3A_12 = arith.cmpi ne, %rem3A_10, %ne3A_11 : vector<65536xi32>
    %lt3A_13 = arith.constant 0 : i32
    %lt3A_14 = vector.broadcast %lt3A_13 : i32 to vector<65536xi32>
    %lt3A_15 = arith.cmpi slt, %rem3A_10, %lt3A_14 : vector<65536xi32>
    %lt3A_16 = arith.constant 0 : i32
    %lt3A_17 = arith.cmpi slt, %select_n3A, %lt3A_16 : i32
    %ne3A_18 = vector.broadcast %lt3A_17 : i1 to vector<65536xi1>
    %ne3A_19 = vector.broadcast %ne3A_18 : vector<65536xi1> to vector<65536xi1>
    %ne3A_20 = arith.xori %lt3A_15, %ne3A_19 : vector<65536xi1>
    %and3A = arith.andi %ne3A_20, %ne3A_12 : vector<65536xi1>
    %add3A_21 = vector.broadcast %select_n3A : i32 to vector<65536xi32>
    %add3A_22 = arith.addi %rem3A_10, %add3A_21 : vector<65536xi32>
    %select_n3A_23 = arith.select %and3A, %add3A_22, %rem3A_10 : vector<65536xi1>, vector<65536xi32>
    %add3A_24 = arith.constant 10000 : i32
    %add3A_25 = vector.broadcast %add3A_24 : i32 to vector<65536xi32>
    %add3A_26 = arith.addi %add3A_25, %select_n3A_23 : vector<65536xi32>
    %select_n3A_27 = arith.select %lt3A_4, %get3A_7, %add3A_26 : vector<65536xi1>, vector<65536xi32>
    %swap3A = arith.constant 0 : index
    %swap3A_28 = vector.load %arg2[%swap3A] : memref<65536xi32, #tpu.memory_space<vmem>>, vector<65536xi32>
    tpu.vector_store %arg2[%swap3A], %select_n3A_27 {strides = array<i32>} : memref<65536xi32, #tpu.memory_space<vmem>>, vector<65536xi32>,
    return
  }
  func.func @transform_0(%arg0: i32) -> (i32, i32) {
    %c0_i32 = arith.constant 0 : i32
    %c0_i32_0 = arith.constant 0 : i32
    return %c0_i32, %arg0 : i32, i32
  }
  func.func @transform_1(%arg0: i32) -> i32 {
    %c0_i32 = arith.constant 0 : i32
    return %arg0 : i32
  }
}

module attributes {stable_mosaic.version = 14 : i64} {
  func.func @body(%arg0: i32, %arg1: memref<2x80x128xf32, #tpu.memory_space<vmem>>, %arg2: memref<1024x128xf32, #tpu.memory_space<vmem>>, %arg3: memref<128x64xf32, #tpu.memory_space<vmem>>, %arg4: memref<1024x128xf32, #tpu.memory_space<vmem>>) attributes {dimension_semantics = [#tpu.dimension_semantics<arbitrary>], iteration_bounds = array<i64: 10>, scalar_prefetch = 0 : i64, scratch_operands = 0 : i64, tpu.core_type = #tpu.core_type<tc>, window_params = [{pipeline_mode = #tpu.pipeline_mode<synchronous>, transform_indices = @transform_0, window_bounds = array<i64: 2, 80, 128>}, {transform_indices = @transform_1, window_bounds = array<i64: 1024, 128>}, {pipeline_mode = #tpu.pipeline_mode<synchronous>, transform_indices = @transform_2, window_bounds = array<i64: 128, 64>}, {transform_indices = @transform_3, window_bounds = array<i64: 1024, 128>}]} {
    %mul3A = arith.constant 8 : i32
    %mul3A_0 = arith.muli %mul3A, %arg0 : i32
    %get3A = arith.constant 0 : index
    %get3A_1 = arith.index_cast %mul3A_0 : i32 to index
    %get3A_2 = arith.constant 0 : index
    %get3A_3 = vector.load %arg1[%get3A, %get3A_1, %get3A_2] : memref<2x80x128xf32, #tpu.memory_space<vmem>>, vector<1x8x128xf32>
    %get3A_4 = vector.shape_cast %get3A_3 : vector<1x8x128xf32> to vector<8x128xf32>
    %mul3A_5 = arith.constant 8 : i32
    %mul3A_6 = arith.muli %mul3A_5, %arg0 : i32
    %get3A_7 = arith.constant 1 : index
    %get3A_8 = arith.index_cast %mul3A_6 : i32 to index
    %get3A_9 = arith.constant 0 : index
    %get3A_10 = vector.load %arg1[%get3A_7, %get3A_8, %get3A_9] : memref<2x80x128xf32, #tpu.memory_space<vmem>>, vector<1x8x128xf32>
    %get3A_11 = vector.shape_cast %get3A_10 : vector<1x8x128xf32> to vector<8x128xf32>
    %add3A = arith.addf %get3A_4, %get3A_11 : vector<8x128xf32>
    %add3A_12 = arith.constant 1.000000e+00 : f32
    %add3A_13 = vector.broadcast %add3A_12 : f32 to vector<8x128xf32>
    %add3A_14 = arith.addf %add3A, %add3A_13 : vector<8x128xf32>
    %rsqrt3A = math.rsqrt %add3A_14 : vector<8x128xf32>
    %transpose3A = tpu.transpose %rsqrt3A, [1, 0] : vector<8x128xf32> -> vector<128x8xf32>
    %slice3A = vector.extract_strided_slice %transpose3A {offsets = [0, 0], sizes = [128, 1], strides = [1, 1]} : vector<128x8xf32> to vector<128x1xf32>
    %slice3A_15 = vector.extract_strided_slice %transpose3A {offsets = [0, 1], sizes = [128, 1], strides = [1, 1]} : vector<128x8xf32> to vector<128x1xf32>
    %slice3A_16 = vector.extract_strided_slice %transpose3A {offsets = [0, 2], sizes = [128, 1], strides = [1, 1]} : vector<128x8xf32> to vector<128x1xf32>
    %slice3A_17 = vector.extract_strided_slice %transpose3A {offsets = [0, 3], sizes = [128, 1], strides = [1, 1]} : vector<128x8xf32> to vector<128x1xf32>
    %slice3A_18 = vector.extract_strided_slice %transpose3A {offsets = [0, 4], sizes = [128, 1], strides = [1, 1]} : vector<128x8xf32> to vector<128x1xf32>
    %slice3A_19 = vector.extract_strided_slice %transpose3A {offsets = [0, 5], sizes = [128, 1], strides = [1, 1]} : vector<128x8xf32> to vector<128x1xf32>
    %slice3A_20 = vector.extract_strided_slice %transpose3A {offsets = [0, 6], sizes = [128, 1], strides = [1, 1]} : vector<128x8xf32> to vector<128x1xf32>
    %slice3A_21 = vector.extract_strided_slice %transpose3A {offsets = [0, 7], sizes = [128, 1], strides = [1, 1]} : vector<128x8xf32> to vector<128x1xf32>
    %concatenate3A = tpu.concatenate %slice3A, %slice3A_15, %slice3A_16, %slice3A_17, %slice3A_18, %slice3A_19, %slice3A_20, %slice3A_21 in 0 : vector<128x1xf32>, vector<128x1xf32>, vector<128x1xf32>, vector<128x1xf32>, vector<128x1xf32>, vector<128x1xf32>, vector<128x1xf32>, vector<128x1xf32> -> vector<1024x1xf32>
    %get3A_22 = arith.constant 0 : index
    %get3A_23 = arith.constant 0 : index
    %get3A_24 = vector.load %arg2[%get3A_22, %get3A_23] : memref<1024x128xf32, #tpu.memory_space<vmem>>, vector<1024x128xf32>
    %get3A_25 = arith.constant 0 : index
    %get3A_26 = arith.constant 0 : index
    %get3A_27 = vector.load %arg3[%get3A_25, %get3A_26] : memref<128x64xf32, #tpu.memory_space<vmem>>, vector<128x64xf32>
    %dot_general3A = arith.constant dense<0.000000e+00> : vector<1024x64xf32>
    %dot_general3A_28 = tpu.matmul %get3A_24, %get3A_27, %dot_general3A {dimension_numbers = #tpu.dot_dimension_numbers<[1], [0], [0], [1], [0, 0, 1, 1], [], []>, transpose_lhs_hint = false} : vector<1024x128xf32>, vector<128x64xf32>, vector<1024x64xf32> -> vector<1024x64xf32>
    %mul3A_29 = vector.broadcast %concatenate3A : vector<1024x1xf32> to vector<1024x64xf32>
    %mul3A_30 = arith.mulf %dot_general3A_28, %mul3A_29 : vector<1024x64xf32>
    %broadcast_in_dim3A = arith.constant 0.000000e+00 : f32
    %broadcast_in_dim3A_31 = vector.broadcast %broadcast_in_dim3A : f32 to vector<1024x64xf32>
    %concatenate3A_32 = tpu.concatenate %mul3A_30, %broadcast_in_dim3A_31 in 1 : vector<1024x64xf32>, vector<1024x64xf32> -> vector<1024x128xf32>
    %swap3A = arith.constant 0 : index
    %swap3A_33 = arith.constant 0 : index
    %swap3A_34 = vector.load %arg4[%swap3A, %swap3A_33] : memref<1024x128xf32, #tpu.memory_space<vmem>>, vector<1024x128xf32>
    tpu.vector_store %arg4[%swap3A, %swap3A_33], %concatenate3A_32 {strides = array<i32>} : memref<1024x128xf32, #tpu.memory_space<vmem>>, vector<1024x128xf32>,
    return
  }
  func.func @transform_0(%arg0: i32) -> (i32, i32, i32) {
    %c0_i32 = arith.constant 0 : i32
    %c0_i32_0 = arith.constant 0 : i32
    %c0_i32_1 = arith.constant 0 : i32
    %c0_i32_2 = arith.constant 0 : i32
    return %c0_i32, %c0_i32_0, %c0_i32_1 : i32, i32, i32
  }
  func.func @transform_1(%arg0: i32) -> (i32, i32) {
    %c0_i32 = arith.constant 0 : i32
    %c0_i32_0 = arith.constant 0 : i32
    return %arg0, %c0_i32 : i32, i32
  }
  func.func @transform_2(%arg0: i32) -> (i32, i32) {
    %c0_i32 = arith.constant 0 : i32
    %c0_i32_0 = arith.constant 0 : i32
    %c0_i32_1 = arith.constant 0 : i32
    return %c0_i32, %c0_i32_0 : i32, i32
  }
  func.func @transform_3(%arg0: i32) -> (i32, i32) {
    %c0_i32 = arith.constant 0 : i32
    %c0_i32_0 = arith.constant 0 : i32
    return %arg0, %c0_i32 : i32, i32
  }
}

module attributes {stable_mosaic.version = 14 : i64} {
  func.func @body(%arg0: memref<2x5120x128xf32, #tpu.memory_space<vmem>>, %arg1: memref<2x5120x128xf32, #tpu.memory_space<vmem>>, %arg2: memref<5000x128xf32, #tpu.memory_space<vmem>>) attributes {dimension_semantics = [], scalar_prefetch = 0 : i64, scratch_operands = 0 : i64, tpu.core_type = #tpu.core_type<tc>} {
    %get3A = arith.constant 0 : index
    %get3A_0 = arith.constant 0 : index
    %get3A_1 = arith.constant 0 : index
    %get3A_2 = vector.load %arg0[%get3A, %get3A_0, %get3A_1] : memref<2x5120x128xf32, #tpu.memory_space<vmem>>, vector<1x5000x128xf32>
    %get3A_3 = vector.shape_cast %get3A_2 : vector<1x5000x128xf32> to vector<5000x128xf32>
    %get3A_4 = arith.constant 1 : index
    %get3A_5 = arith.constant 0 : index
    %get3A_6 = arith.constant 0 : index
    %get3A_7 = vector.load %arg0[%get3A_4, %get3A_5, %get3A_6] : memref<2x5120x128xf32, #tpu.memory_space<vmem>>, vector<1x5000x128xf32>
    %get3A_8 = vector.shape_cast %get3A_7 : vector<1x5000x128xf32> to vector<5000x128xf32>
    %add3A = arith.addf %get3A_3, %get3A_8 : vector<5000x128xf32>
    %get3A_9 = arith.constant 0 : index
    %get3A_10 = arith.constant 0 : index
    %get3A_11 = arith.constant 0 : index
    %get3A_12 = vector.load %arg1[%get3A_9, %get3A_10, %get3A_11] : memref<2x5120x128xf32, #tpu.memory_space<vmem>>, vector<1x5000x128xf32>
    %get3A_13 = vector.shape_cast %get3A_12 : vector<1x5000x128xf32> to vector<5000x128xf32>
    %get3A_14 = arith.constant 1 : index
    %get3A_15 = arith.constant 0 : index
    %get3A_16 = arith.constant 0 : index
    %get3A_17 = vector.load %arg1[%get3A_14, %get3A_15, %get3A_16] : memref<2x5120x128xf32, #tpu.memory_space<vmem>>, vector<1x5000x128xf32>
    %get3A_18 = vector.shape_cast %get3A_17 : vector<1x5000x128xf32> to vector<5000x128xf32>
    %add3A_19 = arith.addf %get3A_13, %get3A_18 : vector<5000x128xf32>
    %add3A_20 = arith.constant 1.000000e+00 : f32
    %add3A_21 = vector.broadcast %add3A_20 : f32 to vector<5000x128xf32>
    %add3A_22 = arith.addf %add3A_19, %add3A_21 : vector<5000x128xf32>
    %div3A = arith.divf %add3A, %add3A_22 : vector<5000x128xf32>
    %swap3A = arith.constant 0 : index
    %swap3A_23 = arith.constant 0 : index
    %swap3A_24 = vector.load %arg2[%swap3A, %swap3A_23] : memref<5000x128xf32, #tpu.memory_space<vmem>>, vector<5000x128xf32>
    tpu.vector_store %arg2[%swap3A, %swap3A_23], %div3A {strides = array<i32>} : memref<5000x128xf32, #tpu.memory_space<vmem>>, vector<5000x128xf32>,
    return
  }
}

module attributes {stable_mosaic.version = 14 : i64} {
  func.func @body(%arg0: memref<2x5120x128xf32, #tpu.memory_space<vmem>>, %arg1: memref<2x5120x128xf32, #tpu.memory_space<vmem>>, %arg2: memref<1x128xf32, #tpu.memory_space<vmem>>, %arg3: memref<5000x128xf32, #tpu.memory_space<vmem>>) attributes {dimension_semantics = [], scalar_prefetch = 0 : i64, scratch_operands = 0 : i64, tpu.core_type = #tpu.core_type<tc>} {
    %get3A = arith.constant 0 : index
    %get3A_0 = arith.constant 0 : index
    %get3A_1 = arith.constant 0 : index
    %get3A_2 = vector.load %arg0[%get3A, %get3A_0, %get3A_1] : memref<2x5120x128xf32, #tpu.memory_space<vmem>>, vector<1x5000x128xf32>
    %get3A_3 = vector.shape_cast %get3A_2 : vector<1x5000x128xf32> to vector<5000x128xf32>
    %get3A_4 = arith.constant 1 : index
    %get3A_5 = arith.constant 0 : index
    %get3A_6 = arith.constant 0 : index
    %get3A_7 = vector.load %arg0[%get3A_4, %get3A_5, %get3A_6] : memref<2x5120x128xf32, #tpu.memory_space<vmem>>, vector<1x5000x128xf32>
    %get3A_8 = vector.shape_cast %get3A_7 : vector<1x5000x128xf32> to vector<5000x128xf32>
    %add3A = arith.addf %get3A_3, %get3A_8 : vector<5000x128xf32>
    %get3A_9 = arith.constant 0 : index
    %get3A_10 = arith.constant 0 : index
    %get3A_11 = arith.constant 0 : index
    %get3A_12 = vector.load %arg1[%get3A_9, %get3A_10, %get3A_11] : memref<2x5120x128xf32, #tpu.memory_space<vmem>>, vector<1x5000x128xf32>
    %get3A_13 = vector.shape_cast %get3A_12 : vector<1x5000x128xf32> to vector<5000x128xf32>
    %get3A_14 = arith.constant 1 : index
    %get3A_15 = arith.constant 0 : index
    %get3A_16 = arith.constant 0 : index
    %get3A_17 = vector.load %arg1[%get3A_14, %get3A_15, %get3A_16] : memref<2x5120x128xf32, #tpu.memory_space<vmem>>, vector<1x5000x128xf32>
    %get3A_18 = vector.shape_cast %get3A_17 : vector<1x5000x128xf32> to vector<5000x128xf32>
    %add3A_19 = arith.addf %get3A_13, %get3A_18 : vector<5000x128xf32>
    %add3A_20 = arith.constant 1.000000e+00 : f32
    %add3A_21 = vector.broadcast %add3A_20 : f32 to vector<5000x128xf32>
    %add3A_22 = arith.addf %add3A_19, %add3A_21 : vector<5000x128xf32>
    %rsqrt3A = math.rsqrt %add3A_22 : vector<5000x128xf32>
    %mul3A = arith.mulf %add3A, %rsqrt3A : vector<5000x128xf32>
    %get3A_23 = arith.constant 0 : index
    %get3A_24 = arith.constant 0 : index
    %get3A_25 = vector.load %arg2[%get3A_23, %get3A_24] : memref<1x128xf32, #tpu.memory_space<vmem>>, vector<1x128xf32>
    %add3A_26 = vector.broadcast %get3A_25 : vector<1x128xf32> to vector<5000x128xf32>
    %add3A_27 = arith.addf %mul3A, %add3A_26 : vector<5000x128xf32>
    %slice3A = vector.extract_strided_slice %add3A_27 {offsets = [0, 0], sizes = [5000, 64], strides = [1, 1]} : vector<5000x128xf32> to vector<5000x64xf32>
    %reduce_max3A = arith.constant dense<0xFF800000> : vector<5000xf32>
    %reduce_max3A_28 = vector.multi_reduction <maximumf>, %slice3A, %reduce_max3A [1] : vector<5000x64xf32> to vector<5000xf32>
    %broadcast_in_dim3A = vector.shape_cast %reduce_max3A_28 : vector<5000xf32> to vector<5000x1xf32>
    %sub3A = vector.broadcast %broadcast_in_dim3A : vector<5000x1xf32> to vector<5000x64xf32>
    %sub3A_29 = arith.subf %slice3A, %sub3A : vector<5000x64xf32>
    %exp3A = math.exp %sub3A_29 : vector<5000x64xf32>
    %reduce_sum3A = arith.constant dense<0.000000e+00> : vector<5000xf32>
    %reduce_sum3A_30 = vector.multi_reduction <add>, %exp3A, %reduce_sum3A [1] : vector<5000x64xf32> to vector<5000xf32>
    %broadcast_in_dim3A_31 = vector.shape_cast %reduce_sum3A_30 : vector<5000xf32> to vector<5000x1xf32>
    %log3A = math.log %broadcast_in_dim3A_31 : vector<5000x1xf32>
    %add3A_32 = arith.addf %log3A, %broadcast_in_dim3A : vector<5000x1xf32>
    %sub3A_33 = vector.broadcast %add3A_32 : vector<5000x1xf32> to vector<5000x64xf32>
    %sub3A_34 = arith.subf %slice3A, %sub3A_33 : vector<5000x64xf32>
    %slice3A_35 = vector.extract_strided_slice %add3A_27 {offsets = [0, 64], sizes = [5000, 64], strides = [1, 1]} : vector<5000x128xf32> to vector<5000x64xf32>
    %reduce_max3A_36 = arith.constant dense<0xFF800000> : vector<5000xf32>
    %reduce_max3A_37 = vector.multi_reduction <maximumf>, %slice3A_35, %reduce_max3A_36 [1] : vector<5000x64xf32> to vector<5000xf32>
    %broadcast_in_dim3A_38 = vector.shape_cast %reduce_max3A_37 : vector<5000xf32> to vector<5000x1xf32>
    %sub3A_39 = vector.broadcast %broadcast_in_dim3A_38 : vector<5000x1xf32> to vector<5000x64xf32>
    %sub3A_40 = arith.subf %slice3A_35, %sub3A_39 : vector<5000x64xf32>
    %exp3A_41 = math.exp %sub3A_40 : vector<5000x64xf32>
    %reduce_sum3A_42 = arith.constant dense<0.000000e+00> : vector<5000xf32>
    %reduce_sum3A_43 = vector.multi_reduction <add>, %exp3A_41, %reduce_sum3A_42 [1] : vector<5000x64xf32> to vector<5000xf32>
    %broadcast_in_dim3A_44 = vector.shape_cast %reduce_sum3A_43 : vector<5000xf32> to vector<5000x1xf32>
    %log3A_45 = math.log %broadcast_in_dim3A_44 : vector<5000x1xf32>
    %add3A_46 = arith.addf %log3A_45, %broadcast_in_dim3A_38 : vector<5000x1xf32>
    %sub3A_47 = vector.broadcast %add3A_46 : vector<5000x1xf32> to vector<5000x64xf32>
    %sub3A_48 = arith.subf %slice3A_35, %sub3A_47 : vector<5000x64xf32>
    %concatenate3A = tpu.concatenate %sub3A_34, %sub3A_48 in 1 : vector<5000x64xf32>, vector<5000x64xf32> -> vector<5000x128xf32>
    %swap3A = arith.constant 0 : index
    %swap3A_49 = arith.constant 0 : index
    %swap3A_50 = vector.load %arg3[%swap3A, %swap3A_49] : memref<5000x128xf32, #tpu.memory_space<vmem>>, vector<5000x128xf32>
    tpu.vector_store %arg3[%swap3A, %swap3A_49], %concatenate3A {strides = array<i32>} : memref<5000x128xf32, #tpu.memory_space<vmem>>, vector<5000x128xf32>,
    return
  }
}

</mosaic_0001>

<sc_bundles>
// kernel: kernel.10.cloned.1.call-start
scs
__scs_entry_jumppad:
0x0: {  	(pc) =	sbr.rel $0x88, $3  }
0x1: {  	(tag) =	ssettag $0x0;
	lr =	simm.s32 $0x1  }
0x2: {  	[smem:$0x3F9D] =	sst lr;
	_ =	strace $0xD0000000  }
0x3: {  	_ = 	snop  }
0x4: {  	_ = 	snop  }
0x5: {  	_ = 	snop  }
0x6: {  	_ = 	snop  }
0x7: {  	_ = 	snop  }
__scs_overlays_trampoline_lowered:
0x8: {  	[smem:$0x3FAC] =	sst s0  }
0x9: {  	[smem:$0x3FAD] =	sst s1  }
0xa: {  	[smem:$0x3FAE] =	sst s2  }
0xb: {  	[smem:$0x3FAF] =	sst s3  }
0xc: {  	[smem:$0x3FB0] =	sst s4  }
0xd: {  	[smem:$0x3FB1] =	sst s5  }
0xe: {  	[smem:$0x3FB2] =	sst s6  }
0xf: {  	[smem:$0x3FB3] =	sst s7  }
0x10: {  	[smem:$0x3FB4] =	sst s8  }
0x11: {  	[smem:$0x3FB5] =	sst s9;
	s0 =	simm.s32 @!p0 $0x0  }
0x12: {  	s1 =	sld [smem:$0x3F9B];
	s0 =	simm.s32 @p0 $0x1  }
0x13: {  	[smem:$0x3FB6] =	sst s0;
	s0 =	simm.s32 @!p1 $0x0  }
0x14: {  	s2 =	sld [smem:$0x3F9A];
	s0 =	simm.s32 @p1 $0x1  }
0x15: {  	[smem:$0x3FB7] =	sst s0;
	s0 =	simm.s32 @!p2 $0x0  }
0x16: {  	s3 =	sld [smem:$0x3FDB];
	s0 =	simm.s32 @p2 $0x1  }
0x17: {  	s4 =	simm.s32 $0x1BF5;
	[smem:$0x3FB9] =	sst s0  }
0x18: {  	s0 =	sld [smem:$0x3F9C];
	_ =	swait.ge [sflag:s4], $0x0  }
0x19: {  	s7 =	sld [smem:$0x3F9D]  }
0x1a: {  	s8 =	sadd.s32 $0xFFFFE003, lr  }
0x1b: {  	s9 =	sadd.s32 $0xFFFFFEF7, lr;
	s5 =	simm.s32 $0xFFFFFFFF;
	p2 =	slt.u32 s8, $0xFFFFF086  }
0x1c: {  	p1 =	slt.u32 s9, $0xF7A;
	s5 =	simm.s32 @!p2 $0x0  }
0x1d: {  	s5 =	simm.s32 @p1 $0x1;
	p0 =	seq.s32 s7, s2  }
0x1e: {  	s7 =	smul.u32 @!p0 $0xF7A, s2;
	p2 =	seq.s32 @!p0 s5, $0x0  }
0x1f: {  	s9 =	smul.u32 $0xF7A, s1;
	s8 =	simm.s32 @!p0 $0x1BF5;
	p2 =	por !p2, p0  }
0x20: {  	[sflag:s8] =	ssyncset.s32 @!p0 $0xFFFFF086;
	s6 =	sadd.s32 @!p0 s3, s7;
	s7 =	simm.s32 @!p0 $0x108  }
0x21: {  	s3 =	sadd.s32 s3, s9;
	s6 =	sadd.s32 @!p0 $0x88, s6;
	s7 =	simm.s32 @p2 $0x1082  }
0x22: {  	[simem:s7], [sflag:s8] =	dma.local @!p0 [hbm:s6], $0xF7A  }
0x23: {  	s9 =	sor.u32 $0xD0000000, s2;
	s6 =	simm.s32 $0x108;
	_ =	swait.ge @!p0 [sflag:s8], $0x0  }
0x24: {  	s3 =	sadd.s32 $0x88, s3;
	s6 =	simm.s32 @!p1 $0x1082;
	[sflag:s4] =	ssyncset.s32 $0xFFFFF086  }
0x25: {  	[simem:s6], [sflag:s4] =	dma.local [hbm:s3], $0xF7A  }
0x26: {  	[smem:$0x3F9D] =	sst s1;
	(tag) =	ssettag s2;
	_ =	strace s9  }
0x27: {  	s1 =	sld [smem:$0x3FAD]  }
0x28: {  	s2 =	sld [smem:$0x3FAE]  }
0x29: {  	s4 =	sld [smem:$0x3FB0]  }
0x2a: {  	p0 =	seq.s32 s5, $0x0;
	s5 =	sld [smem:$0x3FB1]  }
0x2b: {  	s6 =	sld [smem:$0x3FB2]  }
0x2c: {  	s7 =	sld [smem:$0x3FB3]  }
0x2d: {  	s3 =	simm.s32 $0x108;
	s8 =	sld [smem:$0x3FB4]  }
0x2e: {  	s3 =	simm.s32 @!p0 $0x1082;
	s9 =	sld [smem:$0x3FB5]  }
0x2f: {  	lr =	sadd.s32 s0, s3;
	s0 =	sld [smem:$0x3FAC]  }
0x30: {  	s3 =	sld [smem:$0x3FAF]  }
0x31: {  	[smem:$0x3FB8] =	sst s10  }
0x32: {  	s10 =	sld [smem:$0x3FB6];
	_ =	sdelay $0x3  }
0x33: {  	p0 =	seq.s32 s10, $0x1;
	s10 =	sld [smem:$0x3FB8];
	_ =	sdelay $0x3  }
0x34: {  	[smem:$0x3FB8] =	sst s10  }
0x35: {  	s10 =	sld [smem:$0x3FB7];
	_ =	sdelay $0x3  }
0x36: {  	p1 =	seq.s32 s10, $0x1;
	s10 =	sld [smem:$0x3FB8];
	_ =	sdelay $0x3  }
0x37: {  	[smem:$0x3FB8] =	sst s10  }
0x38: {  	s10 =	sld [smem:$0x3FB9]  }
0x39: {  	_ = 	snop;
	(pc) =	sbr.ind lr, $3  }
0x3a: {  	_ = 	snop  }
0x3b: {  	_ = 	snop  }
0x3c: {  	p2 =	seq.s32 s10, $0x1;
	s10 =	sld [smem:$0x3FB8]  }
0x3d: {  	_ =	shalt  }
0x3e: {  	_ =	shalt  }
0x3f: {  	_ =	shalt  }
0x40: {  	_ =	shalt  }
0x41: {  	_ =	shalt  }
0x42: {  	_ =	shalt  }
0x43: {  	_ =	shalt  }
0x44: {  	_ =	shalt  }
0x45: {  	_ =	shalt  }
0x46: {  	_ =	shalt  }
0x47: {  	_ =	shalt  }
0x48: {  	_ =	shalt  }
0x49: {  	_ =	shalt  }
0x4a: {  	_ =	shalt  }
0x4b: {  	_ =	shalt  }
0x4c: {  	_ =	shalt  }
0x4d: {  	_ =	shalt  }
0x4e: {  	_ =	shalt  }
0x4f: {  	_ =	shalt  }
0x50: {  	_ =	shalt  }
0x51: {  	_ =	shalt  }
0x52: {  	_ =	shalt  }
0x53: {  	_ =	shalt  }
0x54: {  	_ =	shalt  }
0x55: {  	_ =	shalt  }
0x56: {  	_ =	shalt  }
0x57: {  	_ =	shalt  }
0x58: {  	_ =	shalt  }
0x59: {  	_ =	shalt  }
0x5a: {  	_ =	shalt  }
0x5b: {  	_ =	shalt  }
0x5c: {  	_ =	shalt  }
0x5d: {  	_ =	shalt  }
0x5e: {  	_ =	shalt  }
0x5f: {  	_ =	shalt  }
0x60: {  	_ =	shalt  }
0x61: {  	_ =	shalt  }
0x62: {  	_ =	shalt  }
0x63: {  	_ =	shalt  }
0x64: {  	_ =	shalt  }
0x65: {  	_ =	shalt  }
0x66: {  	_ =	shalt  }
0x67: {  	_ =	shalt  }
0x68: {  	_ =	shalt  }
0x69: {  	_ =	shalt  }
0x6a: {  	_ =	shalt  }
0x6b: {  	_ =	shalt  }
0x6c: {  	_ =	shalt  }
0x6d: {  	_ =	shalt  }
0x6e: {  	_ =	shalt  }
0x6f: {  	_ =	shalt  }
0x70: {  	_ =	shalt  }
0x71: {  	_ =	shalt  }
0x72: {  	_ =	shalt  }
0x73: {  	_ =	shalt  }
0x74: {  	_ =	shalt  }
0x75: {  	_ =	shalt  }
0x76: {  	_ =	shalt  }
0x77: {  	_ =	shalt  }
0x78: {  	_ =	shalt  }
0x79: {  	_ =	shalt  }
0x7a: {  	_ =	shalt  }
0x7b: {  	_ =	shalt  }
0x7c: {  	_ =	shalt  }
0x7d: {  	_ =	shalt  }
0x7e: {  	_ =	shalt  }
0x7f: {  	_ =	shalt  }
0x80: {  	_ =	shalt  }
0x81: {  	_ =	shalt  }
0x82: {  	_ =	shalt  }
0x83: {  	_ =	shalt  }
0x84: {  	_ =	shalt  }
0x85: {  	_ =	shalt  }
0x86: {  	_ =	shalt  }
0x87: {  	_ =	shalt  }
.Lfunc_end0:
.L_simem_size_0:
called_computation_lowered:
.L_overlay_start_0:
0x88: {  	s2 =	sld [smem:$0x3FD9]  }
0x89: {  	s3 =	sld [smem:$0x3FFE];
	_ =	sdelay $0x1  }
0x8a: {  	s1 =	srdreg.scid  }
0x8b: {  	s0 =	sand.u32 $0x1, s1  }
0x8c: {  	s16 =	sshll.u32 s0, $0xA;
	s2 =	sadd.s32 s3, s2  }
0x8d: {  	s2 =	sadd.s32 s2, s16  }
0x8e: {  	[smem:$0x3FC4] =	sst s2  }
0x8f: {  	_ = 	snop  }
0x90: {  	(tm) =	ssettm $0x1  }
0x91: {  	s17 =	sld [smem:$0x3FFB];
	_ =	sdelay $0x3  }
0x92: {  	_ =	strace s17  }
0x93: {  	s2 =	sld [smem:$0x3FFC];
	_ =	sdelay $0x3  }
0x94: {  	_ =	strace s2  }
0x95: {  	s2 =	sld [smem:$0x3FFD];
	_ =	sdelay $0x3  }
0x96: {  	_ =	strace s2  }
0x97: {  	_ =	strace $0x8FFFFFFF  }
0x98: {  	s18 =	sld [smem:$0x3FDB];
	_ =	sdelay $0x1  }
0x99: {  	s19 =	simm.s32 $_scs_section_size  }
0x9a: {  	s4 =	simm.s32 $_size__tile_overlayer_lowered;
	s5 =	simm.s32 $_tile_overlayer_lowered  }
0x9b: {  	s22 =	simm.s32 $0x1BFF;
	s21 =	sshll.u32 s5, $0x1;
	s2 =	sadd.s32 s19, s18  }
0x9c: {  	s6 =	simm.s32 $0x0;
	s20 =	sshll.u32 s4, $0x1;
	s4 =	sadd.s32 s21, s2  }
0x9d: {  	[timem:s6], [sflag:s22] =	dma.local [hbm:s4], s20  }
0x9e: {  	_ =	swait.ge [sflag:s22], s20  }
0x9f: {  	s3 =	ssub.s32 $0x0, s20;
	[sflag:s22] =	ssyncset.done $0x0  }
0xa0: {  	[sflag:s22] =	ssyncadd.s32 s3;
	_ =	sdelay $0x1  }
0xa1: {  	s23 =	simm.s32 $0x1B8B  }
0xa2: {  	_ =	swait.ge [sflag:s23], $0x1  }
0xa3: {  	[sflag:s23] =	ssyncset.done $0x0  }
0xa4: {  	s25 =	simm.s32 $0x1B8E;
	s24 =	sld [smem:$0x3FFE];
	[sflag:s23] =	ssyncadd.s32 $0xFFFFFFFF  }
0xa5: {  	s26 =	simm.s32 $execute0_lowered;
	[smem:$0x3FD2] =	sst s25  }
0xa6: {  	s4 =	sshll.u32 s26, $0x1;
	_ =	strace $0x80000046;
	[dreg:$0x1] =	wrdreg $0xFFFFFFFF  }
0xa7: {  	s28 =	simm.s32 $_size_execute0_lowered;
	s2 =	sadd.s32 s2, s4;
	[dreg:$0x0] =	wrdreg $0x0  }
0xa8: {  	s4 =	sshll.u32 s28, $0x1;
	[dreg:$0x2] =	wrdreg s2  }
0xa9: {  	[dreg:$0x3] =	wrdreg s4  }
0xaa: {  	[dreg:$0x4] =	wrdreg $0xC0  }
0xab: {  	_ =	task [dreg:s6], $0x5FFFF  }
0xac: {  	[dreg:$0x1] =	wrdreg $0xFFFFFFFF  }
0xad: {  	[dreg:$0x0] =	wrdreg $0x60  }
0xae: {  	[dreg:$0x2] =	wrdreg s24  }
0xaf: {  	[dreg:$0x3] =	wrdreg $0x102800  }
0xb0: {  	[dreg:$0x4] =	wrdreg $0x9  }
0xb1: {  	_ =	task.clear_ibuf [dreg:s6], $0x5FFFF;
	_ =	strace $0x90000046  }
0xb2: {  	s29 =	simm.s32 $0x9;
	_ =	strace $0x80000048  }
0xb3: {  	_ =	swait.ge [sflag:s29], $0x1  }
0xb4: {  	[sflag:s29] =	ssyncadd.s32 $0xFFFFFFFF  }
0xb5: {  	_ =	strace $0x90000048  }
0xb6: {  	_ =	sfence  }
0xb7: {  	s30 =	sld [smem:$0x0];
	_ =	sdelay $0x2  }
0xb8: {  	s31 =	sshll.u32 s1, $0xD;
	s1 =	sshrl.u32 s1, $0x2  }
0xb9: {  	s3 =	sand.u32 $0x4000, s31;
	s1 =	sadd.s32 s1, s30  }
0xba: {  	s0 =	sor.u32 s3, s0;
	s1 =	sshll.u32 s1, $0x11  }
0xbb: {  	s0 =	sor.u32 s1, s0  }
0xbc: {  	s0 =	sadd.s32 $0x8F2B, s0  }
0xbd: {  	[sflag:s0] =	ssyncadd.remote.s32 $0x1  }
0xbe: {  	_ =	sfence.sel $0xFFFF  }
0xbf: {  	[dreg:$0x0] =	wrdreg $0xFFFFFFFF;
	(pc) =	sbr.abs _section_cstart, $3  }
0xc0: {  	[dreg:$0x1] =	wrdreg $0xFFFFFFFF  }
0xc1: {  	_ =	task.clear_ibuf [dreg:s6], $0x2FFFF;
	_ =	strace $0x9FFFFFFF  }
0xc2: {  	(tm) =	ssettm $0x7FFFFFFF  }
0xc3: {  	_ =	shalt  }
tec
execute0_lowered:
.L_overlay_start_1:
0x0: {  	(tag) =	ssettag $0x1  }
0x1: {  	s0 =	srdreg.scid;
	s6 =	rddreg [dreg:$0x0]  }
0x2: {  	s12 =	stileid.u32;
	s2 =	rddreg [dreg:$0x1]  }
0x3: {  	s3 =	simm.s32 $0x0;
	s13 =	simm.s32 $0x2;
	s14 =	simm.s32 $0x2800  }
0x4: {  	s15 =	simm.s32 $0x100;
	s30 =	simm.s32 $0x2000;
	s31 =	simm.s32 $0x2100  }
0x5: {  	s16 =	simm.s32 $0x2400;
	s17 =	simm.s32 $0x2500;
	s18 =	simm.s32 $0x2600  }
0x6: {  	s19 =	simm.s32 $0x2700;
	s20 =	simm.s32 $0x1;
	s21 =	simm.s32 $0x3800  }
0x7: {  	s22 =	simm.s32 $0x6000;
	s23 =	simm.s32 $0x6280;
	s5 =	smul.u32 $0x280, s12  }
0x8: {  	s24 =	simm.s32 $0x0;
	s0 =	sand.u32 $0x1, s0;
	s8 =	smul.u32 $0xA000, s12  }
0x9: {  	[smem:$0x7FF] =	sst s3;
	s4 =	sadd.s32 $0xCE00, s6;
	s7 =	smul.u32 $0x2800, s0  }
0xa: {  	s29 =	sshll.u32 s12, $0x6;
	s1 =	sshll.u32 s0, $0x4;
	s9 =	smul.u32 $0xA0000, s0  }
0xb: {  	_ =	strace $0x80000047;
	s0 =	ssub.s32 $0x2, s0;
	s1 =	sor.u32 s12, s1  }
0xc: {  	s26 =	sshrl.u32 s0, $0x1;
	s28 =	sshrl.u32 s8, $0x2;
	s1 =	smul.u32 $0x500, s1  }
0xd: {  	s7 =	sadd.s32 s5, s7;
	s9 =	sadd.s32 s8, s9;
	s5 =	sadd.s32 $0xD400, s6  }
0xe: {  	s0 =	ssub.s32 s0, s26;
	s7 =	sshrl.u32 s7, $0x3;
	s9 =	sshrl.u32 s9, $0x3  }
0xf: {  	s1 =	sadd.s32 s1, s6;
	s10 =	sadd.s32 s7, s6;
	s11 =	sadd.s32 s9, s6  }
0x10: {  	s6 =	sadd.s32 s28, s2;
	s7 =	sor.u32 $0x1C02, s29;
	s8 =	sadd.s32 $0x2E00, s1  }
0x11: {  	v0 =	vlaneseq.u32;
	s9 =	sadd.s32 $0xD600, s10;
	s10 =	sadd.s32 $0xE000, s11;
	s11 =	smax.u32 s0, $0x1  }
0x12: {  	v0 =	vmul.u32 $0x10, v0;
	s12 =	sshrl.u32 s6, $0x3;
	s1 =	simm.s32 $0x2200;
	s0 =	simm.s32 $0x2300  }
.LBB2_1:
0x13: {  	[spmem:s12], [sflag:s7] =	dma.local [hbm:s4], $0x500  }
0x14: {  	_ =	swait.ge [sflag:s13], $0x500  }
0x15: {  	[sflag:s13] =	ssyncset.done $0x0  }
0x16: {  	[sflag:s13] =	ssyncadd.s32 $0xFFFFFB00  }
0x17: {  	[tilespmem:s14], [sflag:$0x2] =	stream.linear.gather [hbm4b:s5+s3], $0x1000, $0x38;
	[tilespmem:$0x12A80] =	vst v63  }
0x18: {  	_ =	swait.ge [sflag:s13], $0x1000  }
0x19: {  	[sflag:s13] =	ssyncset.done $0x0  }
0x1a: {  	[sflag:s13] =	ssyncadd.s32 $0xFFFFF000  }
0x1b: {  	[tilespmem:s3], [sflag:$0x2] =	stream.linear.gather [hbm4b:s8+s3], $0x2800, $0x38;
	[tilespmem:$0x12A80] =	vst v63  }
0x1c: {  	_ =	swait.ge [sflag:s13], $0x2800  }
0x1d: {  	[sflag:s13] =	ssyncset.done $0x0  }
0x1e: {  	[sflag:s13] =	ssyncadd.s32 $0xFFFFD800  }
0x1f: {  	[bflag:$0x0] =	sbarrier.arrive $0xFFFF  }
0x20: {  	[spmem:s2] =	stream.indirect.scatter.add.f32 [tilespmem:s14], [sflag:$0x1], $0x10, s3, s15, $0xb8;
	[tilespmem:$0x12A80] =	vst v63  }
0x21: {  	_ = 	snop  }
0x22: {  	[spmem:s2] =	stream.indirect.scatter.add.f32 [tilespmem:s14], [sflag:$0x1], $0x10, s15, s15, $0xb8;
	[tilespmem:$0x12A80] =	vst v63  }
0x23: {  	s25 =	simm.s32 $0x200  }
0x24: {  	[spmem:s2] =	stream.indirect.scatter.add.f32 [tilespmem:s14], [sflag:$0x1], $0x10, s25, s15, $0xb8;
	[tilespmem:$0x12A80] =	vst v63  }
0x25: {  	s28 =	simm.s32 $0x300  }
0x26: {  	[spmem:s2] =	stream.indirect.scatter.add.f32 [tilespmem:s14], [sflag:$0x1], $0x10, s28, s15, $0xb8;
	[tilespmem:$0x12A80] =	vst v63  }
0x27: {  	s29 =	simm.s32 $0x400  }
0x28: {  	[spmem:s2] =	stream.indirect.scatter.add.f32 [tilespmem:s14], [sflag:$0x1], $0x10, s29, s15, $0xb8;
	[tilespmem:$0x12A80] =	vst v63  }
0x29: {  	s26 =	simm.s32 $0x500  }
0x2a: {  	[spmem:s2] =	stream.indirect.scatter.add.f32 [tilespmem:s14], [sflag:$0x1], $0x10, s26, s15, $0xb8;
	[tilespmem:$0x12A80] =	vst v63  }
0x2b: {  	s28 =	simm.s32 $0x600  }
0x2c: {  	[spmem:s2] =	stream.indirect.scatter.add.f32 [tilespmem:s14], [sflag:$0x1], $0x10, s28, s15, $0xb8;
	[tilespmem:$0x12A80] =	vst v63  }
0x2d: {  	s29 =	simm.s32 $0x700  }
0x2e: {  	[spmem:s2] =	stream.indirect.scatter.add.f32 [tilespmem:s14], [sflag:$0x1], $0x10, s29, s15, $0xb8;
	[tilespmem:$0x12A80] =	vst v63  }
0x2f: {  	s26 =	simm.s32 $0x800  }
0x30: {  	[spmem:s2] =	stream.indirect.scatter.add.f32 [tilespmem:s14], [sflag:$0x1], $0x10, s26, s15, $0xb8;
	[tilespmem:$0x12A80] =	vst v63  }
0x31: {  	s28 =	simm.s32 $0x900  }
0x32: {  	[spmem:s2] =	stream.indirect.scatter.add.f32 [tilespmem:s14], [sflag:$0x1], $0x10, s28, s15, $0xb8;
	[tilespmem:$0x12A80] =	vst v63  }
0x33: {  	s29 =	simm.s32 $0xA00  }
0x34: {  	[spmem:s2] =	stream.indirect.scatter.add.f32 [tilespmem:s14], [sflag:$0x1], $0x10, s29, s15, $0xb8;
	[tilespmem:$0x12A80] =	vst v63  }
0x35: {  	s26 =	simm.s32 $0xB00  }
0x36: {  	[spmem:s2] =	stream.indirect.scatter.add.f32 [tilespmem:s14], [sflag:$0x1], $0x10, s26, s15, $0xb8;
	[tilespmem:$0x12A80] =	vst v63  }
0x37: {  	s28 =	simm.s32 $0xC00  }
0x38: {  	[spmem:s2] =	stream.indirect.scatter.add.f32 [tilespmem:s14], [sflag:$0x1], $0x10, s28, s15, $0xb8;
	[tilespmem:$0x12A80] =	vst v63  }
0x39: {  	s29 =	simm.s32 $0xD00  }
0x3a: {  	[spmem:s2] =	stream.indirect.scatter.add.f32 [tilespmem:s14], [sflag:$0x1], $0x10, s29, s15, $0xb8;
	[tilespmem:$0x12A80] =	vst v63  }
0x3b: {  	s26 =	simm.s32 $0xE00  }
0x3c: {  	[spmem:s2] =	stream.indirect.scatter.add.f32 [tilespmem:s14], [sflag:$0x1], $0x10, s26, s15, $0xb8;
	[tilespmem:$0x12A80] =	vst v63  }
0x3d: {  	s28 =	simm.s32 $0xF00  }
0x3e: {  	[spmem:s2] =	stream.indirect.scatter.add.f32 [tilespmem:s14], [sflag:$0x1], $0x10, s28, s15, $0xb8;
	[tilespmem:$0x12A80] =	vst v63  }
0x3f: {  	s29 =	simm.s32 $0x1000  }
0x40: {  	[spmem:s2] =	stream.indirect.scatter.add.f32 [tilespmem:s14], [sflag:$0x1], $0x10, s29, s15, $0xb8;
	[tilespmem:$0x12A80] =	vst v63  }
0x41: {  	s26 =	simm.s32 $0x1100  }
0x42: {  	[spmem:s2] =	stream.indirect.scatter.add.f32 [tilespmem:s14], [sflag:$0x1], $0x10, s26, s15, $0xb8;
	[tilespmem:$0x12A80] =	vst v63  }
0x43: {  	s28 =	simm.s32 $0x1200  }
0x44: {  	[spmem:s2] =	stream.indirect.scatter.add.f32 [tilespmem:s14], [sflag:$0x1], $0x10, s28, s15, $0xb8;
	[tilespmem:$0x12A80] =	vst v63  }
0x45: {  	s29 =	simm.s32 $0x1300  }
0x46: {  	[spmem:s2] =	stream.indirect.scatter.add.f32 [tilespmem:s14], [sflag:$0x1], $0x10, s29, s15, $0xb8;
	[tilespmem:$0x12A80] =	vst v63  }
0x47: {  	s26 =	simm.s32 $0x1400  }
0x48: {  	[spmem:s2] =	stream.indirect.scatter.add.f32 [tilespmem:s14], [sflag:$0x1], $0x10, s26, s15, $0xb8;
	[tilespmem:$0x12A80] =	vst v63  }
0x49: {  	s28 =	simm.s32 $0x1500  }
0x4a: {  	[spmem:s2] =	stream.indirect.scatter.add.f32 [tilespmem:s14], [sflag:$0x1], $0x10, s28, s15, $0xb8;
	[tilespmem:$0x12A80] =	vst v63  }
0x4b: {  	s29 =	simm.s32 $0x1600  }
0x4c: {  	[spmem:s2] =	stream.indirect.scatter.add.f32 [tilespmem:s14], [sflag:$0x1], $0x10, s29, s15, $0xb8;
	[tilespmem:$0x12A80] =	vst v63  }
0x4d: {  	s26 =	simm.s32 $0x1700  }
0x4e: {  	[spmem:s2] =	stream.indirect.scatter.add.f32 [tilespmem:s14], [sflag:$0x1], $0x10, s26, s15, $0xb8;
	[tilespmem:$0x12A80] =	vst v63  }
0x4f: {  	s28 =	simm.s32 $0x1800  }
0x50: {  	[spmem:s2] =	stream.indirect.scatter.add.f32 [tilespmem:s14], [sflag:$0x1], $0x10, s28, s15, $0xb8;
	[tilespmem:$0x12A80] =	vst v63  }
0x51: {  	s29 =	simm.s32 $0x1900  }
0x52: {  	[spmem:s2] =	stream.indirect.scatter.add.f32 [tilespmem:s14], [sflag:$0x1], $0x10, s29, s15, $0xb8;
	[tilespmem:$0x12A80] =	vst v63  }
0x53: {  	s26 =	simm.s32 $0x1A00  }
0x54: {  	[spmem:s2] =	stream.indirect.scatter.add.f32 [tilespmem:s14], [sflag:$0x1], $0x10, s26, s15, $0xb8;
	[tilespmem:$0x12A80] =	vst v63  }
0x55: {  	s28 =	simm.s32 $0x1B00  }
0x56: {  	[spmem:s2] =	stream.indirect.scatter.add.f32 [tilespmem:s14], [sflag:$0x1], $0x10, s28, s15, $0xb8;
	[tilespmem:$0x12A80] =	vst v63  }
0x57: {  	s29 =	simm.s32 $0x1C00  }
0x58: {  	[spmem:s2] =	stream.indirect.scatter.add.f32 [tilespmem:s14], [sflag:$0x1], $0x10, s29, s15, $0xb8;
	[tilespmem:$0x12A80] =	vst v63  }
0x59: {  	s26 =	simm.s32 $0x1D00  }
0x5a: {  	[spmem:s2] =	stream.indirect.scatter.add.f32 [tilespmem:s14], [sflag:$0x1], $0x10, s26, s15, $0xb8;
	[tilespmem:$0x12A80] =	vst v63  }
0x5b: {  	s28 =	simm.s32 $0x1E00  }
0x5c: {  	[spmem:s2] =	stream.indirect.scatter.add.f32 [tilespmem:s14], [sflag:$0x1], $0x10, s28, s15, $0xb8;
	[tilespmem:$0x12A80] =	vst v63  }
0x5d: {  	s29 =	simm.s32 $0x1F00  }
0x5e: {  	[spmem:s2] =	stream.indirect.scatter.add.f32 [tilespmem:s14], [sflag:$0x1], $0x10, s29, s15, $0xb8;
	[tilespmem:$0x12A80] =	vst v63  }
0x5f: {  	_ = 	snop  }
0x60: {  	[spmem:s2] =	stream.indirect.scatter.add.f32 [tilespmem:s14], [sflag:$0x1], $0x10, s30, s15, $0xb8;
	[tilespmem:$0x12A80] =	vst v63  }
0x61: {  	_ = 	snop  }
0x62: {  	[spmem:s2] =	stream.indirect.scatter.add.f32 [tilespmem:s14], [sflag:$0x1], $0x10, s31, s15, $0xb8;
	[tilespmem:$0x12A80] =	vst v63  }
0x63: {  	_ = 	snop  }
0x64: {  	[spmem:s2] =	stream.indirect.scatter.add.f32 [tilespmem:s14], [sflag:$0x1], $0x10, s1, s15, $0xb8;
	[tilespmem:$0x12A80] =	vst v63  }
0x65: {  	_ = 	snop  }
0x66: {  	[spmem:s2] =	stream.indirect.scatter.add.f32 [tilespmem:s14], [sflag:$0x1], $0x10, s0, s15, $0xb8;
	[tilespmem:$0x12A80] =	vst v63  }
0x67: {  	_ = 	snop  }
0x68: {  	[spmem:s2] =	stream.indirect.scatter.add.f32 [tilespmem:s14], [sflag:$0x1], $0x10, s16, s15, $0xb8;
	[tilespmem:$0x12A80] =	vst v63  }
0x69: {  	_ = 	snop  }
0x6a: {  	[spmem:s2] =	stream.indirect.scatter.add.f32 [tilespmem:s14], [sflag:$0x1], $0x10, s17, s15, $0xb8;
	[tilespmem:$0x12A80] =	vst v63  }
0x6b: {  	_ = 	snop  }
0x6c: {  	[spmem:s2] =	stream.indirect.scatter.add.f32 [tilespmem:s14], [sflag:$0x1], $0x10, s18, s15, $0xb8;
	[tilespmem:$0x12A80] =	vst v63  }
0x6d: {  	_ = 	snop  }
0x6e: {  	[spmem:s2] =	stream.indirect.scatter.add.f32 [tilespmem:s14], [sflag:$0x1], $0x10, s19, s15, $0xb8;
	[tilespmem:$0x12A80] =	vst v63  }
0x6f: {  	_ =	swait.ge [sflag:s20], $0x1000  }
0x70: {  	s25 =	simm.s32 $0x27;
	[sflag:s20] =	ssyncset.done $0x0  }
.LBB2_2:
0x71: {  	p0 =	sne.s32 s25, $0x1;
	s25 =	sadd.s32 $0xFFFFFFFF, s25;
	[sflag:s20] =	ssyncadd.s32 $0xFFFFF000  }
.Ltmp0:
0x72: {  	(pc) =	sbr.rel @p0 .LBB2_2-.Ltmp0, $3  }
0x73: {  	_ =	sdelay $0x1  }
0x74: {  	_ =	swait.ge [sflag:s20], $0x1000  }
0x75: {  	[sflag:s20] =	ssyncset.done $0x0  }
0x76: {  	s25 =	simm.s32 $0x0  }
0x77: {  	v1 =	vmov s25  }
0x78: {  	[sflag:s20] =	ssyncadd.s32 $0xFFFFF000;
	v1 =	vshll.u32 v1, $0x4  }
0x79: {  	[bflag:$0x0] =	sbarrier.arrive $0xFFFF;
	v1 =	vor.u32 v0, v1  }
0x7a: {  	[tilespmem:s21], [sflag:$0x2] =	stream.linear.gather [spmem:s6], $0x2800, $0x38;
	[tilespmem:$0x12A80] =	vst v63  }
0x7b: {  	_ =	swait.ge [sflag:s13], $0x2800  }
0x7c: {  	s29 =	simm.s32 $0x10;
	[sflag:s13] =	ssyncset.done $0x0  }
0x7d: {  	v2 =	vmov s29;
	[sflag:s13] =	ssyncadd.s32 $0xFFFFD800  }
0x7e: {  	v2 =	vshll.u32 v2, $0x4;
	v1 =	vld.idx.msk [tilespmem:v1+s21+$0x0], $0xffff  }
0x7f: {  	v3 =	vor.u32 v0, v2;
	_ =	sdelay $0x2  }
0x80: {  	s25 =	simm.s32 $0x6000  }
0x81: {  	s26 =	simm.s32 $0x20;
	[tilespmem:s25+$0x0] =	vst v1  }
0x82: {  	v2 =	vmov s26;
	s26 =	simm.s32 $0x30;
	v1 =	vld.idx.msk [tilespmem:v3+s21+$0x0], $0xffff  }
.LBB2_4:
0x83: {  	p0 =	sne.s32 s26, $0x270;
	v2 =	vshll.u32 v2, $0x4  }
0x84: {  	v3 =	vor.u32 v0, v2  }
.Ltmp1:
0x85: {  	(pc) =	sbr.rel @p0 .LBB2_4-.Ltmp1, $4  }
0x86: {  	_ = 	snop  }
0x87: {  	s25 =	sadd.s32 $0x10, s25  }
0x88: {  	[tilespmem:s25+$0x0] =	vst v1  }
0x89: {  	v2 =	vmov s26;
	s26 =	sadd.s32 $0x10, s26;
	v1 =	vld.idx.msk [tilespmem:v3+s21+$0x0], $0xffff  }
0x8a: {  	v2 =	vshll.u32 v2, $0x4  }
0x8b: {  	v2 =	vor.u32 v0, v2;
	_ =	sdelay $0x2  }
0x8c: {  	s25 =	sadd.s32 $0x10, s25  }
0x8d: {  	[tilespmem:s25+$0x0] =	vst v1  }
0x8e: {  	v1 =	vld.idx.msk [tilespmem:v2+s21+$0x0], $0xffff;
	_ =	sdelay $0x3  }
0x8f: {  	s25 =	sadd.s32 $0x10, s25  }
0x90: {  	[tilespmem:s25+$0x0] =	vst v1  }
0x91: {  	[hbm4b:s9+s3] =	stream.linear.scatter [tilespmem:s22], [sflag:$0x2], $0x280, $0x38;
	[tilespmem:$0x12A80] =	vst v63  }
0x92: {  	_ =	swait.ge [sflag:s13], $0x280  }
0x93: {  	[sflag:s13] =	ssyncset.done $0x0  }
0x94: {  	s28 =	simm.s32 $0x10;
	[sflag:s13] =	ssyncadd.s32 $0xFFFFFD80  }
0x95: {  	v2 =	vld [tilespmem:s28+$0x37F0]  }
0x96: {  	s26 =	simm.s32 $0xC0;
	s25 =	simm.s32 $0x62C0;
	v1 =	vld [tilespmem:s28+$0x3800];
	s28 =	simm.s32 $0x62C0  }
.LBB2_6:
0x97: {  	_ =	sdelay $0x1  }
0x98: {  	p0 =	sne.s32 s26, $0x9FC0  }
0x99: {  	s28 =	sadd.s32 $0x80, s28;
	s29 =	smov.u32 s26;
	s26 =	sadd.s32 $0x80, s26;
	[tilespmem:s25+$0xFFFFFFC0] =	vst v2  }
0x9a: {  	[tilespmem:s25+$0xFFFFFFF0] =	vst v2  }
0x9b: {  	[tilespmem:s25+$0xFFFFFFE0] =	vst v2  }
0x9c: {  	[tilespmem:s25+$0xFFFFFFD0] =	vst v2  }
0x9d: {  	[tilespmem:s25+$0x30] =	vst v1  }
.Ltmp2:
0x9e: {  	[tilespmem:s25+$0x20] =	vst v1;
	(pc) =	sbr.rel @p0 .LBB2_6-.Ltmp2, $4  }
0x9f: {  	[tilespmem:s25+$0x0] =	vst v1  }
0xa0: {  	s29 =	sshra.s32 s29, $0x2;
	[tilespmem:s25+$0x10] =	vst v1;
	s25 =	smov.u32 s28  }
0xa1: {  	v2 =	vld [tilespmem:s29+$0x37F0]  }
0xa2: {  	v1 =	vld [tilespmem:s29+$0x3800]  }
0xa3: {  	_ =	sdelay $0x2  }
0xa4: {  	[tilespmem:s25+$0xFFFFFFC0] =	vst v2  }
0xa5: {  	[tilespmem:s25+$0xFFFFFFF0] =	vst v2  }
0xa6: {  	[tilespmem:s25+$0xFFFFFFE0] =	vst v2  }
0xa7: {  	[tilespmem:s25+$0xFFFFFFD0] =	vst v2  }
0xa8: {  	[tilespmem:s25+$0x30] =	vst v1  }
0xa9: {  	s24 =	sadd.s32 $0x1, s24;
	[tilespmem:s25+$0x20] =	vst v1  }
0xaa: {  	p0 =	sne.s32 s24, s11;
	[tilespmem:s25+$0x0] =	vst v1  }
.Ltmp3:
0xab: {  	[tilespmem:s25+$0x10] =	vst v1;
	(pc) =	sbr.rel @p0 .LBB2_1-.Ltmp3, $4  }
0xac: {  	[hbm4b:s10+s3] =	stream.linear.scatter [tilespmem:s23], [sflag:$0x2], $0xA000, $0x38;
	[tilespmem:$0x12A80] =	vst v63  }
0xad: {  	_ =	swait.ge [sflag:s13], $0xA000  }
0xae: {  	[sflag:s13] =	ssyncset.done $0x0  }
0xaf: {  	[sflag:s13] =	ssyncadd.s32 $0xFFFF6000  }
0xb0: {  	_ =	sfence.sel $0x180000  }
0xb1: {  	[bflag:$0x0] =	sbarrier.arrive $0xFFFF  }
0xb2: {  	_ =	strace $0x90000047  }
0xb3: {  	s0 =	stileid.u32;
	[bflag:$0x2] =	sbarrier.arrive $0xFFFF  }
0xb4: {  	p0 =	sne.s32 s0, $0x0;
	s0 =	rddreg [dreg:$0x2]  }
0xb5: {  	s0 =	sadd.s32 @!p0 $0x100000, s0  }
0xb6: {  	[sflag:s0] =	ssyncadd.tile.s32 @!p0 $0x1;
	_ =	shalt  }
.Lfunc_end2:
_tile_overlayer_lowered:
.L_overlay_start_2:
0xb7: {  	(tag) =	ssettag $0x2  }
0xb8: {  	s0 =	rddreg [dreg:$0x0];
	s2 =	stileid.u32  }
0xb9: {  	s1 =	rddreg [dreg:$0x1];
	p0 =	sne.s32 s2, $0x0  }
0xba: {  	s3 =	rddreg [dreg:$0x2];
	[bflag:$0x3] =	sbarrier.arrive $0xFFFF;
	s2 =	simm.s32 @!p0 $0x1C02  }
0xbb: {  	[timem:s3], [sflag:s2] =	dma.local @!p0 [hbm:s0], s1  }
0xbc: {  	s0 =	simm.s32 @!p0 $0x2  }
0xbd: {  	_ =	swait.ge @!p0 [sflag:s0], s1  }
0xbe: {  	s1 =	ssub.s32 @!p0 $0x0, s1;
	[sflag:s0] =	ssyncset.done @!p0 $0x0  }
0xbf: {  	[sflag:s0] =	ssyncadd.s32 @!p0 s1  }
0xc0: {  	[bflag:$0x3] =	sbarrier.arrive $0xFFFF  }
0xc1: {  	_ =	shalt  }

// kernel: kernel.13.cloned.1.call-start
scs
__scs_entry_jumppad:
0x0: {  	(pc) =	sbr.rel $0x88, $3  }
0x1: {  	(tag) =	ssettag $0x0;
	lr =	simm.s32 $0x1  }
0x2: {  	[smem:$0x3F9D] =	sst lr;
	_ =	strace $0xD0000000  }
0x3: {  	_ = 	snop  }
0x4: {  	_ = 	snop  }
0x5: {  	_ = 	snop  }
0x6: {  	_ = 	snop  }
0x7: {  	_ = 	snop  }
__scs_overlays_trampoline_lowered:
0x8: {  	[smem:$0x3FAC] =	sst s0  }
0x9: {  	[smem:$0x3FAD] =	sst s1  }
0xa: {  	[smem:$0x3FAE] =	sst s2  }
0xb: {  	[smem:$0x3FAF] =	sst s3  }
0xc: {  	[smem:$0x3FB0] =	sst s4  }
0xd: {  	[smem:$0x3FB1] =	sst s5  }
0xe: {  	[smem:$0x3FB2] =	sst s6  }
0xf: {  	[smem:$0x3FB3] =	sst s7  }
0x10: {  	[smem:$0x3FB4] =	sst s8  }
0x11: {  	[smem:$0x3FB5] =	sst s9;
	s0 =	simm.s32 @!p0 $0x0  }
0x12: {  	s1 =	sld [smem:$0x3F9B];
	s0 =	simm.s32 @p0 $0x1  }
0x13: {  	[smem:$0x3FB6] =	sst s0;
	s0 =	simm.s32 @!p1 $0x0  }
0x14: {  	s2 =	sld [smem:$0x3F9A];
	s0 =	simm.s32 @p1 $0x1  }
0x15: {  	[smem:$0x3FB7] =	sst s0;
	s0 =	simm.s32 @!p2 $0x0  }
0x16: {  	s3 =	sld [smem:$0x3FDB];
	s0 =	simm.s32 @p2 $0x1  }
0x17: {  	s4 =	simm.s32 $0x1BF5;
	[smem:$0x3FB9] =	sst s0  }
0x18: {  	s0 =	sld [smem:$0x3F9C];
	_ =	swait.ge [sflag:s4], $0x0  }
0x19: {  	s7 =	sld [smem:$0x3F9D]  }
0x1a: {  	s8 =	sadd.s32 $0xFFFFE003, lr  }
0x1b: {  	s9 =	sadd.s32 $0xFFFFFEF7, lr;
	s5 =	simm.s32 $0xFFFFFFFF;
	p2 =	slt.u32 s8, $0xFFFFF086  }
0x1c: {  	p1 =	slt.u32 s9, $0xF7A;
	s5 =	simm.s32 @!p2 $0x0  }
0x1d: {  	s5 =	simm.s32 @p1 $0x1;
	p0 =	seq.s32 s7, s2  }
0x1e: {  	s7 =	smul.u32 @!p0 $0xF7A, s2;
	p2 =	seq.s32 @!p0 s5, $0x0  }
0x1f: {  	s9 =	smul.u32 $0xF7A, s1;
	s8 =	simm.s32 @!p0 $0x1BF5;
	p2 =	por !p2, p0  }
0x20: {  	[sflag:s8] =	ssyncset.s32 @!p0 $0xFFFFF086;
	s6 =	sadd.s32 @!p0 s3, s7;
	s7 =	simm.s32 @!p0 $0x108  }
0x21: {  	s3 =	sadd.s32 s3, s9;
	s6 =	sadd.s32 @!p0 $0x88, s6;
	s7 =	simm.s32 @p2 $0x1082  }
0x22: {  	[simem:s7], [sflag:s8] =	dma.local @!p0 [hbm:s6], $0xF7A  }
0x23: {  	s9 =	sor.u32 $0xD0000000, s2;
	s6 =	simm.s32 $0x108;
	_ =	swait.ge @!p0 [sflag:s8], $0x0  }
0x24: {  	s3 =	sadd.s32 $0x88, s3;
	s6 =	simm.s32 @!p1 $0x1082;
	[sflag:s4] =	ssyncset.s32 $0xFFFFF086  }
0x25: {  	[simem:s6], [sflag:s4] =	dma.local [hbm:s3], $0xF7A  }
0x26: {  	[smem:$0x3F9D] =	sst s1;
	(tag) =	ssettag s2;
	_ =	strace s9  }
0x27: {  	s1 =	sld [smem:$0x3FAD]  }
0x28: {  	s2 =	sld [smem:$0x3FAE]  }
0x29: {  	s4 =	sld [smem:$0x3FB0]  }
0x2a: {  	p0 =	seq.s32 s5, $0x0;
	s5 =	sld [smem:$0x3FB1]  }
0x2b: {  	s6 =	sld [smem:$0x3FB2]  }
0x2c: {  	s7 =	sld [smem:$0x3FB3]  }
0x2d: {  	s3 =	simm.s32 $0x108;
	s8 =	sld [smem:$0x3FB4]  }
0x2e: {  	s3 =	simm.s32 @!p0 $0x1082;
	s9 =	sld [smem:$0x3FB5]  }
0x2f: {  	lr =	sadd.s32 s0, s3;
	s0 =	sld [smem:$0x3FAC]  }
0x30: {  	s3 =	sld [smem:$0x3FAF]  }
0x31: {  	[smem:$0x3FB8] =	sst s10  }
0x32: {  	s10 =	sld [smem:$0x3FB6];
	_ =	sdelay $0x3  }
0x33: {  	p0 =	seq.s32 s10, $0x1;
	s10 =	sld [smem:$0x3FB8];
	_ =	sdelay $0x3  }
0x34: {  	[smem:$0x3FB8] =	sst s10  }
0x35: {  	s10 =	sld [smem:$0x3FB7];
	_ =	sdelay $0x3  }
0x36: {  	p1 =	seq.s32 s10, $0x1;
	s10 =	sld [smem:$0x3FB8];
	_ =	sdelay $0x3  }
0x37: {  	[smem:$0x3FB8] =	sst s10  }
0x38: {  	s10 =	sld [smem:$0x3FB9]  }
0x39: {  	_ = 	snop;
	(pc) =	sbr.ind lr, $3  }
0x3a: {  	_ = 	snop  }
0x3b: {  	_ = 	snop  }
0x3c: {  	p2 =	seq.s32 s10, $0x1;
	s10 =	sld [smem:$0x3FB8]  }
0x3d: {  	_ =	shalt  }
0x3e: {  	_ =	shalt  }
0x3f: {  	_ =	shalt  }
0x40: {  	_ =	shalt  }
0x41: {  	_ =	shalt  }
0x42: {  	_ =	shalt  }
0x43: {  	_ =	shalt  }
0x44: {  	_ =	shalt  }
0x45: {  	_ =	shalt  }
0x46: {  	_ =	shalt  }
0x47: {  	_ =	shalt  }
0x48: {  	_ =	shalt  }
0x49: {  	_ =	shalt  }
0x4a: {  	_ =	shalt  }
0x4b: {  	_ =	shalt  }
0x4c: {  	_ =	shalt  }
0x4d: {  	_ =	shalt  }
0x4e: {  	_ =	shalt  }
0x4f: {  	_ =	shalt  }
0x50: {  	_ =	shalt  }
0x51: {  	_ =	shalt  }
0x52: {  	_ =	shalt  }
0x53: {  	_ =	shalt  }
0x54: {  	_ =	shalt  }
0x55: {  	_ =	shalt  }
0x56: {  	_ =	shalt  }
0x57: {  	_ =	shalt  }
0x58: {  	_ =	shalt  }
0x59: {  	_ =	shalt  }
0x5a: {  	_ =	shalt  }
0x5b: {  	_ =	shalt  }
0x5c: {  	_ =	shalt  }
0x5d: {  	_ =	shalt  }
0x5e: {  	_ =	shalt  }
0x5f: {  	_ =	shalt  }
0x60: {  	_ =	shalt  }
0x61: {  	_ =	shalt  }
0x62: {  	_ =	shalt  }
0x63: {  	_ =	shalt  }
0x64: {  	_ =	shalt  }
0x65: {  	_ =	shalt  }
0x66: {  	_ =	shalt  }
0x67: {  	_ =	shalt  }
0x68: {  	_ =	shalt  }
0x69: {  	_ =	shalt  }
0x6a: {  	_ =	shalt  }
0x6b: {  	_ =	shalt  }
0x6c: {  	_ =	shalt  }
0x6d: {  	_ =	shalt  }
0x6e: {  	_ =	shalt  }
0x6f: {  	_ =	shalt  }
0x70: {  	_ =	shalt  }
0x71: {  	_ =	shalt  }
0x72: {  	_ =	shalt  }
0x73: {  	_ =	shalt  }
0x74: {  	_ =	shalt  }
0x75: {  	_ =	shalt  }
0x76: {  	_ =	shalt  }
0x77: {  	_ =	shalt  }
0x78: {  	_ =	shalt  }
0x79: {  	_ =	shalt  }
0x7a: {  	_ =	shalt  }
0x7b: {  	_ =	shalt  }
0x7c: {  	_ =	shalt  }
0x7d: {  	_ =	shalt  }
0x7e: {  	_ =	shalt  }
0x7f: {  	_ =	shalt  }
0x80: {  	_ =	shalt  }
0x81: {  	_ =	shalt  }
0x82: {  	_ =	shalt  }
0x83: {  	_ =	shalt  }
0x84: {  	_ =	shalt  }
0x85: {  	_ =	shalt  }
0x86: {  	_ =	shalt  }
0x87: {  	_ =	shalt  }
.Lfunc_end0:
.L_simem_size_0:
called_computation.1_lowered:
.L_overlay_start_0:
0x88: {  	s2 =	sld [smem:$0x3FD9]  }
0x89: {  	s3 =	sld [smem:$0x3FFE];
	_ =	sdelay $0x1  }
0x8a: {  	s1 =	srdreg.scid  }
0x8b: {  	s0 =	sand.u32 $0x1, s1  }
0x8c: {  	s17 =	sshll.u32 s0, $0xA;
	s2 =	sadd.s32 s3, s2  }
0x8d: {  	s2 =	sadd.s32 s2, s17  }
0x8e: {  	[smem:$0x3FC4] =	sst s2  }
0x8f: {  	_ = 	snop  }
0x90: {  	s2 =	sld [smem:$0x3FD0];
	(tm) =	ssettm $0x1  }
0x91: {  	s18 =	sld [smem:$0x3FFB];
	_ =	sdelay $0x3  }
0x92: {  	_ =	strace s18  }
0x93: {  	s3 =	sld [smem:$0x3FFC];
	_ =	sdelay $0x3  }
0x94: {  	_ =	strace s3  }
0x95: {  	s3 =	sld [smem:$0x3FFD];
	_ =	sdelay $0x3  }
0x96: {  	_ =	strace s3  }
0x97: {  	_ =	strace $0x8FFFFFFF  }
0x98: {  	s19 =	sld [smem:$0x3FDB];
	_ =	sdelay $0x1  }
0x99: {  	s4 =	simm.s32 $_scs_section_size  }
0x9a: {  	s5 =	simm.s32 $_size__tile_overlayer_lowered;
	s6 =	simm.s32 $_tile_overlayer_lowered  }
0x9b: {  	s22 =	simm.s32 $0x1BFF;
	s21 =	sshll.u32 s6, $0x1;
	s3 =	sadd.s32 s4, s19  }
0x9c: {  	s7 =	simm.s32 $0x0;
	s20 =	sshll.u32 s5, $0x1;
	s5 =	sadd.s32 s21, s3  }
0x9d: {  	[timem:s7], [sflag:s22] =	dma.local [hbm:s5], s20  }
0x9e: {  	_ =	swait.ge [sflag:s22], s20  }
0x9f: {  	s4 =	ssub.s32 $0x0, s20;
	[sflag:s22] =	ssyncset.done $0x0  }
0xa0: {  	[sflag:s22] =	ssyncadd.s32 s4;
	_ =	sdelay $0x1  }
0xa1: {  	s23 =	simm.s32 $0x1B8B  }
0xa2: {  	_ =	swait.ge [sflag:s23], $0x1  }
0xa3: {  	[sflag:s23] =	ssyncset.done $0x0  }
0xa4: {  	s25 =	simm.s32 $0x1B8E;
	s24 =	sld [smem:$0x3FFE];
	[sflag:s23] =	ssyncadd.s32 $0xFFFFFFFF  }
0xa5: {  	s26 =	simm.s32 $execute0_lowered;
	[smem:$0x3FD2] =	sst s25  }
0xa6: {  	s5 =	sshll.u32 s26, $0x1;
	_ =	strace $0x80000049;
	[dreg:$0x1] =	wrdreg $0xFFFFFFFF  }
0xa7: {  	s28 =	simm.s32 $_size_execute0_lowered;
	s3 =	sadd.s32 s3, s5;
	[dreg:$0x0] =	wrdreg $0x0  }
0xa8: {  	s5 =	sshll.u32 s28, $0x1;
	[dreg:$0x2] =	wrdreg s3  }
0xa9: {  	[dreg:$0x3] =	wrdreg s5  }
0xaa: {  	[dreg:$0x4] =	wrdreg $0xC0  }
0xab: {  	_ =	task [dreg:s7], $0x5FFFF  }
0xac: {  	[dreg:$0x1] =	wrdreg $0xFFFFFFFF  }
0xad: {  	[dreg:$0x0] =	wrdreg $0x60  }
0xae: {  	[dreg:$0x2] =	wrdreg s24  }
0xaf: {  	[dreg:$0x3] =	wrdreg s2  }
0xb0: {  	[dreg:$0x4] =	wrdreg $0xD5000  }
0xb1: {  	[dreg:$0x5] =	wrdreg $0x9  }
0xb2: {  	_ =	task.clear_ibuf [dreg:s7], $0x6FFFF;
	_ =	strace $0x90000049  }
0xb3: {  	s29 =	simm.s32 $0x9;
	_ =	strace $0x8000004B  }
0xb4: {  	_ =	swait.ge [sflag:s29], $0x1  }
0xb5: {  	[sflag:s29] =	ssyncadd.s32 $0xFFFFFFFF  }
0xb6: {  	_ =	strace $0x9000004B  }
0xb7: {  	_ =	sfence  }
0xb8: {  	s30 =	sld [smem:$0x0];
	_ =	sdelay $0x2  }
0xb9: {  	s31 =	sshll.u32 s1, $0xD;
	s1 =	sshrl.u32 s1, $0x2  }
0xba: {  	s3 =	sand.u32 $0x4000, s31;
	s1 =	sadd.s32 s1, s30  }
0xbb: {  	s0 =	sor.u32 s3, s0;
	s1 =	sshll.u32 s1, $0x11  }
0xbc: {  	s0 =	sor.u32 s1, s0  }
0xbd: {  	s0 =	sadd.s32 $0x8F2B, s0  }
0xbe: {  	[sflag:s0] =	ssyncadd.remote.s32 $0x1  }
0xbf: {  	_ =	sfence.sel $0xFFFF  }
0xc0: {  	[dreg:$0x0] =	wrdreg $0xFFFFFFFF;
	(pc) =	sbr.abs _section_cstart, $3  }
0xc1: {  	[dreg:$0x1] =	wrdreg $0xFFFFFFFF  }
0xc2: {  	_ =	task.clear_ibuf [dreg:s7], $0x2FFFF;
	_ =	strace $0x9FFFFFFF  }
0xc3: {  	(tm) =	ssettm $0x7FFFFFFF  }
tec
execute0_lowered:
.L_overlay_start_1:
0x0: {  	(tag) =	ssettag $0x1  }
0x1: {  	s0 =	stileid.u32  }
0x2: {  	s7 =	smul.u32 $0x280, s0  }
0x3: {  	v9 =	vlaneseq.u32  }
0x4: {  	v0 =	vor.u32 s7, v9;
	s2 =	sor.u32 $0x20, s7  }
0x5: {  	s3 =	sor.u32 $0x30, s7;
	s29 =	sor.u32 $0x70, s7;
	s30 =	sadd.s32 $0x80, s7;
	[tilespmem:$0x1FEF0] =	vst v0;
	v0 =	vmin.u32 v0, $0x270F;
	v1 =	vor.u32 s2, v9  }
0x6: {  	s31 =	sadd.s32 $0x90, s7;
	s4 =	sadd.s32 $0xB0, s7;
	s5 =	sadd.s32 $0xC0, s7;
	v2 =	vor.u32 s3, v9;
	v14 =	vor.u32 s29, v9;
	v15 =	vor.u32 s30, v9  }
0x7: {  	s6 =	sadd.s32 $0xD0, s7;
	s8 =	sadd.s32 $0xE0, s7;
	v16 =	vor.u32 s31, v9;
	v21 =	vor.u32 s4, v9;
	v22 =	vor.u32 s5, v9  }
0x8: {  	s1 =	sor.u32 $0x10, s7;
	s9 =	sadd.s32 $0xF0, s7;
	s10 =	sadd.s32 $0x100, s7;
	v26 =	vor.u32 s6, v9;
	v27 =	vor.u32 s8, v9;
	v0 =	vshll.u32 v0, $0x1;
	[tilespmem:$0x1FF20] =	vst v1  }
0x9: {  	s11 =	sadd.s32 $0x110, s7;
	s12 =	sadd.s32 $0x120, s7;
	v28 =	vor.u32 s9, v9;
	v32 =	vor.u32 s10, v9;
	[tilespmem:$0x1FF00] =	vst v0;
	v0 =	vor.u32 s1, v9  }
0xa: {  	s13 =	sadd.s32 $0x130, s7;
	v33 =	vor.u32 s11, v9;
	v34 =	vor.u32 s12, v9;
	[tilespmem:$0x1FF10] =	vst v0;
	v0 =	vmin.u32 v0, $0x270F  }
0xb: {  	s14 =	sadd.s32 $0x140, s7;
	s17 =	sadd.s32 $0x190, s7;
	v38 =	vor.u32 s13, v9;
	v1 =	vmin.u32 v1, $0x270F;
	[tilespmem:$0x1FF30] =	vst v2;
	v0 =	vshll.u32 v0, $0x1  }
0xc: {  	s26 =	sor.u32 $0x50, s7;
	s18 =	sadd.s32 $0x1A0, s7;
	v39 =	vor.u32 s14, v9;
	v50 =	vor.u32 s17, v9;
	[tilespmem:$0x1FF40] =	vst v0;
	v0 =	vshll.u32 v1, $0x1  }
0xd: {  	s19 =	sadd.s32 $0x1C0, s7;
	s20 =	sadd.s32 $0x1D0, s7;
	v51 =	vor.u32 s18, v9;
	v2 =	vmin.u32 v2, $0x270F;
	v1 =	vor.u32 s26, v9;
	[tilespmem:$0x1FF50] =	vst v0  }
0xe: {  	s25 =	sor.u32 $0x40, s7;
	s21 =	sadd.s32 $0x1E0, s7;
	s24 =	sadd.s32 $0x1F0, s7;
	v56 =	vor.u32 s19, v9;
	v57 =	vor.u32 s20, v9;
	v0 =	vshll.u32 v2, $0x1;
	[tilespmem:$0x1FF80] =	vst v1  }
0xf: {  	s28 =	sor.u32 $0x60, s7;
	s3 =	sadd.s32 $0xA0, s7;
	v58 =	vor.u32 s21, v9;
	v62 =	vor.u32 s24, v9;
	[tilespmem:$0x1FF60] =	vst v0;
	v0 =	vor.u32 s25, v9  }
0x10: {  	s4 =	sadd.s32 $0x150, s7;
	v20 =	vor.u32 s3, v9;
	v2 =	vor.u32 s28, v9;
	[tilespmem:$0x1FF70] =	vst v0;
	v0 =	vmin.u32 v0, $0x270F  }
0x11: {  	s5 =	sadd.s32 $0x160, s7;
	v40 =	vor.u32 s4, v9;
	v1 =	vmin.u32 v1, $0x270F;
	[tilespmem:$0x1FF90] =	vst v2;
	v0 =	vshll.u32 v0, $0x1  }
0x12: {  	s10 =	sadd.s32 $0x170, s7;
	s11 =	sadd.s32 $0x180, s7;
	v44 =	vor.u32 s5, v9;
	v2 =	vmin.u32 v2, $0x270F;
	[tilespmem:$0x1FFA0] =	vst v0;
	v0 =	vshll.u32 v1, $0x1  }
0x13: {  	s13 =	sadd.s32 $0x1B0, s7;
	s18 =	sadd.s32 $0x250, s7;
	v45 =	vor.u32 s10, v9;
	v46 =	vor.u32 s11, v9;
	[tilespmem:$0x1FFB0] =	vst v0;
	v0 =	vshll.u32 v2, $0x1  }
0x14: {  	v52 =	vor.u32 s13, v9;
	v13 =	vor.u32 s18, v9;
	s25 =	sadd.s32 $0x200, s7;
	[tilespmem:$0x1FFC0] =	vst v0;
	v0 =	vmin.u32 v14, $0x270F  }
0x15: {  	v63 =	vor.u32 s25, v9;
	v1 =	vmin.u32 v15, $0x270F;
	v0 =	vshll.u32 v0, $0x1  }
0x16: {  	v2 =	vmin.u32 v16, $0x270F;
	[tilespmem:$0x1FFD0] =	vst v0;
	v0 =	vshll.u32 v1, $0x1;
	v1 =	vmin.u32 v21, $0x270F  }
0x17: {  	[tilespmem:$0x1FFE0] =	vst v0;
	v0 =	vshll.u32 v2, $0x1;
	v2 =	vmin.u32 v22, $0x270F;
	v24 =	vshll.u32 v1, $0x1  }
0x18: {  	v1 =	vmin.u32 v27, $0x270F;
	[tilespmem:$0x1FFF0] =	vst v0;
	v0 =	vmin.u32 v20, $0x270F;
	v25 =	vshll.u32 v2, $0x1  }
0x19: {  	v2 =	vmin.u32 v28, $0x270F;
	v30 =	vshll.u32 v1, $0x1;
	v1 =	vmin.u32 v33, $0x270F  }
0x1a: {  	v23 =	vshll.u32 v0, $0x1;
	v0 =	vmin.u32 v26, $0x270F;
	v31 =	vshll.u32 v2, $0x1  }
0x1b: {  	s6 =	rddreg [dreg:$0x0];
	v2 =	vmin.u32 v34, $0x270F;
	v36 =	vshll.u32 v1, $0x1;
	v1 =	vmin.u32 v39, $0x270F  }
0x1c: {  	s8 =	rddreg [dreg:$0x1];
	v29 =	vshll.u32 v0, $0x1;
	v0 =	vmin.u32 v32, $0x270F;
	v37 =	vshll.u32 v2, $0x1  }
0x1d: {  	s15 =	srdreg.scid;
	s2 =	rddreg [dreg:$0x2];
	v2 =	vmin.u32 v40, $0x270F;
	v42 =	vshll.u32 v1, $0x1;
	v1 =	vmin.u32 v45, $0x270F  }
0x1e: {  	s9 =	sand.u32 $0x1, s15;
	s12 =	smul.u32 $0xA000, s0;
	s29 =	sadd.s32 $0x220, s7;
	v35 =	vshll.u32 v0, $0x1;
	v0 =	vmin.u32 v38, $0x270F;
	v43 =	vshll.u32 v2, $0x1  }
0x1f: {  	s30 =	sadd.s32 $0x230, s7;
	s31 =	sadd.s32 $0x240, s7;
	s19 =	sadd.s32 $0x260, s7;
	v2 =	vmin.u32 v46, $0x270F;
	v48 =	vshll.u32 v1, $0x1;
	v1 =	vmin.u32 v51, $0x270F  }
0x20: {  	s20 =	sadd.s32 $0x270, s7;
	s21 =	simm.s32 $0x4F00;
	s3 =	simm.s32 $0x0;
	v41 =	vshll.u32 v0, $0x1;
	v0 =	vmin.u32 v44, $0x270F;
	v49 =	vshll.u32 v2, $0x1  }
0x21: {  	s4 =	sshll.u32 s9, $0x4;
	s16 =	smul.u32 $0xA0000, s9;
	s17 =	ssub.s32 $0x2, s9;
	v2 =	vmin.u32 v52, $0x270F;
	v54 =	vshll.u32 v1, $0x1;
	v1 =	vmin.u32 v57, $0x270F  }
0x22: {  	p0 =	seq.s32 s9, $0x1;
	s1 =	rddreg [dreg:$0x3];
	s26 =	sadd.s32 $0x210, s7;
	v47 =	vshll.u32 v0, $0x1;
	v0 =	vmin.u32 v50, $0x270F;
	v55 =	vshll.u32 v2, $0x1  }
0x23: {  	s13 =	simm.s32 $0x2800;
	s18 =	simm.s32 $0x2;
	[smem:$0x7FF] =	sst s3;
	v2 =	vmin.u32 v58, $0x270F;
	v60 =	vshll.u32 v1, $0x1;
	v1 =	vor.u32 s26, v9  }
0x24: {  	s14 =	sor.u32 s0, s4;
	s4 =	sadd.s32 $0x40000, s6;
	s23 =	sshrl.u32 s17, $0x1;
	v53 =	vshll.u32 v0, $0x1;
	v0 =	vmin.u32 v56, $0x270F;
	v61 =	vshll.u32 v2, $0x1  }
0x25: {  	s10 =	smul.u32 $0x500, s14;
	s5 =	sadd.s32 s12, s16;
	s17 =	ssub.s32 s17, s23;
	v2 =	vmin.u32 v63, $0x270F;
	v3 =	vmin.u32 v1, $0x270F;
	v59 =	vshll.u32 v0, $0x1  }
0x26: {  	s12 =	sadd.s32 s12, s2;
	s14 =	simm.s32 $0x100;
	s16 =	sshrl.u32 s5, $0x3;
	v0 =	vmin.u32 v62, $0x270F;
	v6 =	vshll.u32 v2, $0x1;
	v7 =	vshll.u32 v3, $0x1  }
0x27: {  	s5 =	sadd.s32 $0x67200, s6;
	s11 =	sshrl.u32 s12, $0x3;
	s12 =	simm.s32 $0x3;
	v2 =	vor.u32 s30, v9;
	v3 =	vor.u32 s31, v9;
	v5 =	vshll.u32 v0, $0x1  }
0x28: {  	s15 =	sadd.s32 s10, s6;
	s22 =	sadd.s32 s16, s6;
	s16 =	simm.s32 $0x9500;
	v0 =	vor.u32 s29, v9;
	v8 =	vmin.u32 v2, $0x270F;
	v10 =	vmin.u32 v3, $0x270F  }
0x29: {  	s28 =	sshll.u32 s0, $0x6;
	s9 =	sadd.s32 $0x68600, s22;
	s22 =	simm.s32 $0x0;
	v4 =	vmin.u32 v0, $0x270F;
	v11 =	vshll.u32 v8, $0x1;
	v12 =	vshll.u32 v10, $0x1  }
0x2a: {  	s6 =	sor.u32 $0x1C03, s28;
	s7 =	sadd.s32 s8, s10;
	s8 =	sadd.s32 $0x2E00, s15;
	v8 =	vor.u32 s19, v9;
	v9 =	vor.u32 s20, v9;
	v10 =	vmin.u32 v13, $0x270F  }
0x2b: {  	s10 =	smax.u32 s17, $0x1;
	s15 =	simm.s32 $0x5500;
	s17 =	simm.s32 $0x1;
	v4 =	vshll.u32 v4, $0x1;
	v17 =	vmin.u32 v8, $0x270F;
	v18 =	vmin.u32 v9, $0x270F  }
0x2c: {  	_ =	strace $0x8000004A;
	s19 =	simm.s32 $0x2700;
	s20 =	simm.s32 $0x4E00;
	v10 =	vshll.u32 v10, $0x1;
	v17 =	vshll.u32 v17, $0x1;
	v18 =	vshll.u32 v18, $0x1  }
.LBB2_1:
0x2d: {  	[spmem:s11], [sflag:s6] =	dma.local [hbm:s5], $0x1400  }
0x2e: {  	_ =	swait.ge [sflag:s12], $0x1400  }
0x2f: {  	v19 =	vld [tilespmem:$0x1FEF0];
	_ =	sdelay $0x2  }
0x30: {  	[sflag:s12] =	ssyncset.done $0x0  }
0x31: {  	[sflag:s12] =	ssyncadd.s32 $0xFFFFEC00  }
0x32: {  	[tilespmem:$0x5280] =	vst v19;
	v19 =	vld [tilespmem:$0x1FF00];
	_ =	sdelay $0x1  }
0x33: {  	[tilespmem:$0x52F0] =	vst v14  }
0x34: {  	[tilespmem:$0x5300] =	vst v15  }
0x35: {  	[tilespmem:$0x5310] =	vst v16  }
0x36: {  	[tilespmem:$0x5000] =	vst v19;
	v19 =	vld [tilespmem:$0x1FF10]  }
0x37: {  	[tilespmem:$0x5320] =	vst v20  }
0x38: {  	[tilespmem:$0x50A0] =	vst v23  }
0x39: {  	[tilespmem:$0x5330] =	vst v21  }
0x3a: {  	[tilespmem:$0x50B0] =	vst v24  }
0x3b: {  	[tilespmem:$0x5290] =	vst v19;
	v19 =	vld [tilespmem:$0x1FF40]  }
0x3c: {  	[tilespmem:$0x5340] =	vst v22  }
0x3d: {  	[tilespmem:$0x50C0] =	vst v25  }
0x3e: {  	[tilespmem:$0x5350] =	vst v26  }
0x3f: {  	[tilespmem:$0x50D0] =	vst v29  }
0x40: {  	[tilespmem:$0x5010] =	vst v19;
	v19 =	vld [tilespmem:$0x1FF20]  }
0x41: {  	[tilespmem:$0x5360] =	vst v27  }
0x42: {  	[tilespmem:$0x50E0] =	vst v30  }
0x43: {  	[tilespmem:$0x5370] =	vst v28  }
0x44: {  	[tilespmem:$0x50F0] =	vst v31  }
0x45: {  	[tilespmem:$0x52A0] =	vst v19;
	v19 =	vld [tilespmem:$0x1FF50]  }
0x46: {  	[tilespmem:$0x5380] =	vst v32  }
0x47: {  	[tilespmem:$0x5100] =	vst v35  }
0x48: {  	[tilespmem:$0x5390] =	vst v33  }
0x49: {  	[tilespmem:$0x5110] =	vst v36  }
0x4a: {  	[tilespmem:$0x5020] =	vst v19;
	v19 =	vld [tilespmem:$0x1FF30]  }
0x4b: {  	[tilespmem:$0x53A0] =	vst v34  }
0x4c: {  	[tilespmem:$0x5120] =	vst v37  }
0x4d: {  	[tilespmem:$0x53B0] =	vst v38  }
0x4e: {  	[tilespmem:$0x5130] =	vst v41  }
0x4f: {  	[tilespmem:$0x52B0] =	vst v19;
	v19 =	vld [tilespmem:$0x1FF60]  }
0x50: {  	[tilespmem:$0x53C0] =	vst v39  }
0x51: {  	[tilespmem:$0x5140] =	vst v42  }
0x52: {  	[tilespmem:$0x53D0] =	vst v40  }
0x53: {  	[tilespmem:$0x5150] =	vst v43  }
0x54: {  	[tilespmem:$0x5030] =	vst v19;
	v19 =	vld [tilespmem:$0x1FF70]  }
0x55: {  	[tilespmem:$0x53E0] =	vst v44  }
0x56: {  	[tilespmem:$0x5160] =	vst v47  }
0x57: {  	[tilespmem:$0x53F0] =	vst v45  }
0x58: {  	[tilespmem:$0x5170] =	vst v48  }
0x59: {  	[tilespmem:$0x52C0] =	vst v19;
	v19 =	vld [tilespmem:$0x1FFA0]  }
0x5a: {  	[tilespmem:$0x5400] =	vst v46  }
0x5b: {  	[tilespmem:$0x5180] =	vst v49  }
0x5c: {  	[tilespmem:$0x5410] =	vst v50  }
0x5d: {  	[tilespmem:$0x5190] =	vst v53  }
0x5e: {  	[tilespmem:$0x5040] =	vst v19;
	v19 =	vld [tilespmem:$0x1FF80]  }
0x5f: {  	[tilespmem:$0x5420] =	vst v51  }
0x60: {  	[tilespmem:$0x51A0] =	vst v54  }
0x61: {  	[tilespmem:$0x5430] =	vst v52  }
0x62: {  	[tilespmem:$0x51B0] =	vst v55  }
0x63: {  	[tilespmem:$0x52D0] =	vst v19;
	v19 =	vld [tilespmem:$0x1FFB0]  }
0x64: {  	[tilespmem:$0x5440] =	vst v56  }
0x65: {  	[tilespmem:$0x51C0] =	vst v59  }
0x66: {  	[tilespmem:$0x5450] =	vst v57  }
0x67: {  	[tilespmem:$0x51D0] =	vst v60  }
0x68: {  	[tilespmem:$0x5050] =	vst v19;
	v19 =	vld [tilespmem:$0x1FF90]  }
0x69: {  	[tilespmem:$0x5460] =	vst v58  }
0x6a: {  	[tilespmem:$0x51E0] =	vst v61  }
0x6b: {  	[tilespmem:$0x5470] =	vst v62  }
0x6c: {  	[tilespmem:$0x51F0] =	vst v5  }
0x6d: {  	[tilespmem:$0x52E0] =	vst v19;
	v19 =	vld [tilespmem:$0x1FFC0]  }
0x6e: {  	[tilespmem:$0x5480] =	vst v63  }
0x6f: {  	[tilespmem:$0x5200] =	vst v6  }
0x70: {  	[tilespmem:$0x5490] =	vst v1  }
0x71: {  	[tilespmem:$0x5210] =	vst v7  }
0x72: {  	[tilespmem:$0x5060] =	vst v19;
	v19 =	vld [tilespmem:$0x1FFD0]  }
0x73: {  	[tilespmem:$0x54A0] =	vst v0  }
0x74: {  	[tilespmem:$0x5220] =	vst v4  }
0x75: {  	[tilespmem:$0x54B0] =	vst v2  }
0x76: {  	[tilespmem:$0x5230] =	vst v11  }
0x77: {  	[tilespmem:$0x5070] =	vst v19;
	v19 =	vld [tilespmem:$0x1FFE0]  }
0x78: {  	[tilespmem:$0x54C0] =	vst v3  }
0x79: {  	[tilespmem:$0x5240] =	vst v12  }
0x7a: {  	[tilespmem:$0x54D0] =	vst v13  }
0x7b: {  	[tilespmem:$0x5250] =	vst v10  }
0x7c: {  	[tilespmem:$0x5080] =	vst v19;
	v19 =	vld [tilespmem:$0x1FFF0]  }
0x7d: {  	[tilespmem:$0x54E0] =	vst v8  }
0x7e: {  	[tilespmem:$0x5260] =	vst v17  }
0x7f: {  	[tilespmem:$0x54F0] =	vst v9  }
0x80: {  	[tilespmem:$0x5270] =	vst v18  }
0x81: {  	[tilespmem:$0x5090] =	vst v19  }
0x82: {  	[tilespmem:s3], [sflag:$0x3] =	stream.linear.gather [hbm4b:s7+s3], $0x2800, $0x38;
	[tilespmem:$0x17500] =	vst v63  }
0x83: {  	_ =	swait.ge [sflag:s12], $0x2800  }
0x84: {  	[sflag:s12] =	ssyncset.done $0x0  }
0x85: {  	[sflag:s12] =	ssyncadd.s32 $0xFFFFD800  }
0x86: {  	[tilespmem:s13], [sflag:$0x3] =	stream.linear.gather [hbm4b:s8+s3], $0x2800, $0x38;
	[tilespmem:$0x17500] =	vst v63  }
0x87: {  	_ =	swait.ge [sflag:s12], $0x2800  }
0x88: {  	[sflag:s12] =	ssyncset.done $0x0  }
0x89: {  	[sflag:s12] =	ssyncadd.s32 $0xFFFFD800  }
0x8a: {  	[bflag:$0x0] =	sbarrier.arrive $0xFFFF  }
0x8b: {  	[tilespmem:s15], [sflag:$0x1] =	stream.indirect.gather [hbm4b:s4+s14], $0x40, s3, s14, $0xb8;
	[tilespmem:$0x17500] =	vst v63  }
0x8c: {  	s23 =	simm.s32 $0x100  }
0x8d: {  	[tilespmem:s16], [sflag:$0x2] =	stream.indirect.gather [hbm4b:s4+s14], $0x40, s23, s14, $0xb8;
	[tilespmem:$0x17500] =	vst v63  }
0x8e: {  	_ =	swait.ge [sflag:s17], $0x4000  }
0x8f: {  	[sflag:s17] =	ssyncset.done $0x0  }
0x90: {  	s29 =	simm.s32 $0x2800;
	[sflag:s17] =	ssyncadd.s32 $0xFFFFC000  }
0x91: {  	[spmem:s2] =	stream.indirect.scatter.add.f32 [tilespmem:s15], [sflag:$0x3], $0x40, s29, s14, $0xb8;
	[tilespmem:$0x17500] =	vst v63  }
0x92: {  	_ =	swait.ge [sflag:s12], $0x4000  }
0x93: {  	[sflag:s12] =	ssyncset.done $0x0  }
0x94: {  	s30 =	simm.s32 $0x200;
	[sflag:s12] =	ssyncadd.s32 $0xFFFFC000  }
0x95: {  	[tilespmem:s15], [sflag:$0x1] =	stream.indirect.gather [hbm4b:s4+s14], $0x40, s30, s14, $0xb8;
	[tilespmem:$0x17500] =	vst v63  }
0x96: {  	_ =	swait.ge [sflag:s18], $0x4000  }
0x97: {  	[sflag:s18] =	ssyncset.done $0x0  }
0x98: {  	s31 =	simm.s32 $0x2900;
	[sflag:s18] =	ssyncadd.s32 $0xFFFFC000  }
0x99: {  	[spmem:s2] =	stream.indirect.scatter.add.f32 [tilespmem:s16], [sflag:$0x3], $0x40, s31, s14, $0xb8;
	[tilespmem:$0x17500] =	vst v63  }
0x9a: {  	_ =	swait.ge [sflag:s12], $0x4000  }
0x9b: {  	s24 =	simm.s32 $0x1000;
	s23 =	simm.s32 $0x200;
	[sflag:s12] =	ssyncset.done $0x0  }
.LBB2_2:
0x9c: {  	s25 =	sadd.s32 $0x100, s23  }
0x9d: {  	[sflag:s12] =	ssyncadd.s32 $0xFFFFC000;
	s26 =	smov.u32 s24;
	s28 =	sadd.s32 $0x800, s24  }
0x9e: {  	[tilespmem:s16], [sflag:$0x2] =	stream.indirect.gather [hbm4b:s4+s14], $0x40, s25, s14, $0xb8;
	[tilespmem:$0x17500] =	vst v63  }
0x9f: {  	p1 =	sne.s32 s24, $0x9000;
	_ =	swait.ge [sflag:s17], $0x4000  }
0xa0: {  	[sflag:s17] =	ssyncset.done $0x0  }
0xa1: {  	s24 =	sadd.s32 $0x2800, s23;
	[sflag:s17] =	ssyncadd.s32 $0xFFFFC000  }
0xa2: {  	[spmem:s2] =	stream.indirect.scatter.add.f32 [tilespmem:s15], [sflag:$0x3], $0x40, s24, s14, $0xb8;
	[tilespmem:$0x17500] =	vst v63  }
0xa3: {  	_ =	swait.ge [sflag:s12], $0x4000  }
0xa4: {  	[sflag:s12] =	ssyncset.done $0x0  }
0xa5: {  	s24 =	sadd.s32 $0x200, s23;
	[sflag:s12] =	ssyncadd.s32 $0xFFFFC000  }
0xa6: {  	[tilespmem:s15], [sflag:$0x1] =	stream.indirect.gather [hbm4b:s4+s14], $0x40, s24, s14, $0xb8;
	[tilespmem:$0x17500] =	vst v63  }
0xa7: {  	_ =	swait.ge [sflag:s18], $0x4000  }
.Ltmp0:
0xa8: {  	[sflag:s18] =	ssyncset.done $0x0;
	(pc) =	sbr.rel @p1 .LBB2_2-.Ltmp0, $4  }
0xa9: {  	s23 =	sadd.s32 $0x2900, s23;
	[sflag:s18] =	ssyncadd.s32 $0xFFFFC000  }
0xaa: {  	[spmem:s2] =	stream.indirect.scatter.add.f32 [tilespmem:s16], [sflag:$0x3], $0x40, s23, s14, $0xb8;
	[tilespmem:$0x17500] =	vst v63  }
0xab: {  	_ =	swait.ge [sflag:s12], $0x4000  }
0xac: {  	s24 =	smov.u32 s28;
	s23 =	sshra.s32 s26, $0x2;
	[sflag:s12] =	ssyncset.done $0x0  }
0xad: {  	s24 =	sadd.s32 $0x100, s23;
	[sflag:s12] =	ssyncadd.s32 $0xFFFFC000  }
0xae: {  	[tilespmem:s16], [sflag:$0x2] =	stream.indirect.gather [hbm4b:s4+s14], $0x40, s24, s14, $0xb8;
	[tilespmem:$0x17500] =	vst v63  }
0xaf: {  	_ =	swait.ge [sflag:s17], $0x4000  }
0xb0: {  	[sflag:s17] =	ssyncset.done $0x0  }
0xb1: {  	s29 =	sadd.s32 $0x2800, s23;
	[sflag:s17] =	ssyncadd.s32 $0xFFFFC000  }
0xb2: {  	[spmem:s2] =	stream.indirect.scatter.add.f32 [tilespmem:s15], [sflag:$0x3], $0x40, s29, s14, $0xb8;
	[tilespmem:$0x17500] =	vst v63  }
0xb3: {  	_ =	swait.ge [sflag:s12], $0x4000  }
0xb4: {  	[sflag:s12] =	ssyncset.done $0x0  }
0xb5: {  	s30 =	sadd.s32 $0x200, s23;
	[sflag:s12] =	ssyncadd.s32 $0xFFFFC000  }
0xb6: {  	[tilespmem:s15], [sflag:$0x1] =	stream.indirect.gather [hbm4b:s4+s14], $0x40, s30, s14, $0xb8;
	[tilespmem:$0x17500] =	vst v63  }
0xb7: {  	_ =	swait.ge [sflag:s18], $0x4000  }
0xb8: {  	[sflag:s18] =	ssyncset.done $0x0  }
0xb9: {  	s31 =	sadd.s32 $0x2900, s23;
	[sflag:s18] =	ssyncadd.s32 $0xFFFFC000  }
0xba: {  	[spmem:s2] =	stream.indirect.scatter.add.f32 [tilespmem:s16], [sflag:$0x3], $0x40, s31, s14, $0xb8;
	[tilespmem:$0x17500] =	vst v63  }
0xbb: {  	_ =	swait.ge [sflag:s12], $0x4000  }
0xbc: {  	[sflag:s12] =	ssyncset.done $0x0  }
0xbd: {  	[sflag:s12] =	ssyncadd.s32 $0xFFFFC000  }
0xbe: {  	[tilespmem:s16], [sflag:$0x2] =	stream.indirect.gather [hbm4b:s4+s14], $0x40, s19, s14, $0xb8;
	[tilespmem:$0x17500] =	vst v63  }
0xbf: {  	_ =	swait.ge [sflag:s17], $0x4000  }
0xc0: {  	[sflag:s17] =	ssyncset.done $0x0  }
0xc1: {  	[sflag:s17] =	ssyncadd.s32 $0xFFFFC000  }
0xc2: {  	[spmem:s2] =	stream.indirect.scatter.add.f32 [tilespmem:s15], [sflag:$0x3], $0x40, s20, s14, $0xb8;
	[tilespmem:$0x17500] =	vst v63  }
0xc3: {  	_ =	swait.ge [sflag:s12], $0x4000  }
0xc4: {  	[sflag:s12] =	ssyncset.done $0x0  }
0xc5: {  	[sflag:s12] =	ssyncadd.s32 $0xFFFFC000  }
0xc6: {  	[tilespmem:s15], [sflag:$0x1] =	stream.indirect.gather [hbm4b:s4+s14], $0x40, s19, s14, $0xb8;
	[tilespmem:$0x17500] =	vst v63  }
0xc7: {  	_ =	swait.ge [sflag:s18], $0x4000  }
0xc8: {  	[sflag:s18] =	ssyncset.done $0x0  }
0xc9: {  	[sflag:s18] =	ssyncadd.s32 $0xFFFFC000  }
0xca: {  	[spmem:s2] =	stream.indirect.scatter.add.f32 [tilespmem:s16], [sflag:$0x3], $0x40, s21, s14, $0xb8;
	[tilespmem:$0x17500] =	vst v63  }
0xcb: {  	_ =	swait.ge [sflag:s12], $0x4000  }
0xcc: {  	[sflag:s12] =	ssyncset.done $0x0  }
0xcd: {  	[sflag:s12] =	ssyncadd.s32 $0xFFFFC000  }
0xce: {  	_ =	swait.ge [sflag:s17], $0x4000  }
0xcf: {  	s23 =	simm.s32 @p0 $0x80;
	[sflag:s17] =	ssyncset.done $0x0  }
0xd0: {  	s25 =	simm.s32 @p0 $0x5500;
	s24 =	simm.s32 @p0 $0x5080;
	[sflag:s17] =	ssyncadd.s32 $0xFFFFC000  }
0xd1: {  	[tilespmem:s25], [sflag:$0x1] =	stream.indirect.gather @p0 [hbm4b:s4+s23], $0x40, s24, s23, $0xb8;
	[tilespmem:$0x17500] =	vst v63  }
0xd2: {  	s26 =	simm.s32 @p0 $0x9500;
	s24 =	simm.s32 @p0 $0x5180  }
0xd3: {  	[tilespmem:s26], [sflag:$0x2] =	stream.indirect.gather @p0 [hbm4b:s4+s23], $0x40, s24, s23, $0xb8;
	[tilespmem:$0x17500] =	vst v63  }
0xd4: {  	s24 =	simm.s32 @p0 $0x1  }
0xd5: {  	_ =	swait.ge @p0 [sflag:s24], $0x2000  }
0xd6: {  	[sflag:s24] =	ssyncset.done @p0 $0x0  }
0xd7: {  	[sflag:s24] =	ssyncadd.s32 @p0 $0xFFFFE000;
	s24 =	simm.s32 @p0 $0x5300  }
0xd8: {  	[spmem:s2] =	stream.indirect.scatter.add.f32 @p0 [tilespmem:s25], [sflag:$0x3], $0x40, s24, s23, $0xb8;
	[tilespmem:$0x17500] =	vst v63  }
0xd9: {  	s24 =	simm.s32 @p0 $0x3  }
0xda: {  	_ =	swait.ge @p0 [sflag:s24], $0x2000  }
0xdb: {  	[sflag:s24] =	ssyncset.done @p0 $0x0  }
0xdc: {  	[sflag:s24] =	ssyncadd.s32 @p0 $0xFFFFE000;
	s24 =	simm.s32 @p0 $0x2  }
0xdd: {  	_ =	swait.ge @p0 [sflag:s24], $0x2000  }
0xde: {  	[sflag:s24] =	ssyncset.done @p0 $0x0  }
0xdf: {  	[sflag:s24] =	ssyncadd.s32 @p0 $0xFFFFE000;
	s24 =	simm.s32 @p0 $0x5400  }
0xe0: {  	[spmem:s2] =	stream.indirect.scatter.add.f32 @p0 [tilespmem:s26], [sflag:$0x3], $0x40, s24, s23, $0xb8;
	[tilespmem:$0x17500] =	vst v63  }
0xe1: {  	s25 =	simm.s32 @!p0 $0x5500;
	s23 =	simm.s32 @!p0 $0x80;
	s24 =	simm.s32 @!p0 $0x5000  }
0xe2: {  	[tilespmem:s25], [sflag:$0x1] =	stream.indirect.gather @!p0 [hbm4b:s4+s23], $0x40, s24, s23, $0xb8;
	[tilespmem:$0x17500] =	vst v63  }
0xe3: {  	s26 =	simm.s32 @!p0 $0x9500;
	s24 =	simm.s32 @!p0 $0x5100  }
0xe4: {  	[tilespmem:s26], [sflag:$0x2] =	stream.indirect.gather @!p0 [hbm4b:s4+s23], $0x40, s24, s23, $0xb8;
	[tilespmem:$0x17500] =	vst v63  }
0xe5: {  	s24 =	simm.s32 @!p0 $0x1  }
0xe6: {  	_ =	swait.ge @!p0 [sflag:s24], $0x2000  }
0xe7: {  	[sflag:s24] =	ssyncset.done @!p0 $0x0  }
0xe8: {  	s28 =	simm.s32 @!p0 $0x5280;
	[sflag:s24] =	ssyncadd.s32 @!p0 $0xFFFFE000  }
0xe9: {  	[spmem:s2] =	stream.indirect.scatter.add.f32 @!p0 [tilespmem:s25], [sflag:$0x3], $0x40, s28, s23, $0xb8;
	[tilespmem:$0x17500] =	vst v63  }
0xea: {  	s28 =	simm.s32 @!p0 $0x3  }
0xeb: {  	_ =	swait.ge @!p0 [sflag:s28], $0x2000  }
0xec: {  	[sflag:s28] =	ssyncset.done @!p0 $0x0  }
0xed: {  	s29 =	simm.s32 @!p0 $0x5200;
	[sflag:s28] =	ssyncadd.s32 @!p0 $0xFFFFE000  }
0xee: {  	[tilespmem:s25], [sflag:$0x1] =	stream.indirect.gather @!p0 [hbm4b:s4+s23], $0x40, s29, s23, $0xb8;
	[tilespmem:$0x17500] =	vst v63  }
0xef: {  	s29 =	simm.s32 @!p0 $0x2  }
0xf0: {  	_ =	swait.ge @!p0 [sflag:s29], $0x2000  }
0xf1: {  	[sflag:s29] =	ssyncset.done @!p0 $0x0  }
0xf2: {  	[sflag:s29] =	ssyncadd.s32 @!p0 $0xFFFFE000;
	s29 =	simm.s32 @!p0 $0x5380  }
0xf3: {  	[spmem:s2] =	stream.indirect.scatter.add.f32 @!p0 [tilespmem:s26], [sflag:$0x3], $0x40, s29, s23, $0xb8;
	[tilespmem:$0x17500] =	vst v63  }
0xf4: {  	_ =	swait.ge @!p0 [sflag:s28], $0x2000  }
0xf5: {  	[sflag:s28] =	ssyncset.done @!p0 $0x0  }
0xf6: {  	[sflag:s28] =	ssyncadd.s32 @!p0 $0xFFFFE000  }
0xf7: {  	_ =	swait.ge @!p0 [sflag:s24], $0x2000  }
0xf8: {  	[sflag:s24] =	ssyncset.done @!p0 $0x0  }
0xf9: {  	[sflag:s24] =	ssyncadd.s32 @!p0 $0xFFFFE000;
	s24 =	simm.s32 @!p0 $0x5480  }
0xfa: {  	[spmem:s2] =	stream.indirect.scatter.add.f32 @!p0 [tilespmem:s25], [sflag:$0x3], $0x40, s24, s23, $0xb8;
	[tilespmem:$0x17500] =	vst v63  }
0xfb: {  	_ =	swait.ge [sflag:s12], $0x2000  }
0xfc: {  	s22 =	sadd.s32 $0x1, s22;
	[sflag:s12] =	ssyncset.done $0x0  }
0xfd: {  	p1 =	sne.s32 s22, s10;
	[sflag:s12] =	ssyncadd.s32 $0xFFFFE000  }
.Ltmp1:
0xfe: {  	[bflag:$0x0] =	sbarrier.arrive $0xFFFF;
	(pc) =	sbr.rel @p1 .LBB2_1-.Ltmp1, $4  }
0xff: {  	[hbm:s9], [sflag:s6] =	dma.local [spmem:s11], $0x1400  }
0x100: {  	_ =	swait.ge [sflag:s12], $0x1400  }
0x101: {  	[sflag:s12] =	ssyncset.done $0x0  }
0x102: {  	[sflag:s12] =	ssyncadd.s32 $0xFFFFEC00  }
0x103: {  	_ =	sfence.sel $0x180000  }
0x104: {  	[bflag:$0x0] =	sbarrier.arrive $0xFFFF  }
0x105: {  	p0 =	sne.s32 s0, $0x0;
	_ =	strace $0x9000004A  }
0x106: {  	s0 =	sadd.s32 @!p0 $0x100000, s1;
	[bflag:$0x2] =	sbarrier.arrive $0xFFFF  }
0x107: {  	[sflag:s0] =	ssyncadd.tile.s32 @!p0 $0x1;
	_ =	shalt  }
.Lfunc_end2:
_tile_overlayer_lowered:
.L_overlay_start_2:
0x108: {  	(tag) =	ssettag $0x2  }
0x109: {  	s0 =	rddreg [dreg:$0x0];
	s2 =	stileid.u32  }
0x10a: {  	s1 =	rddreg [dreg:$0x1];
	p0 =	sne.s32 s2, $0x0  }
0x10b: {  	s3 =	rddreg [dreg:$0x2];
	[bflag:$0x3] =	sbarrier.arrive $0xFFFF;
	s2 =	simm.s32 @!p0 $0x1C03  }
0x10c: {  	[timem:s3], [sflag:s2] =	dma.local @!p0 [hbm:s0], s1  }
0x10d: {  	s0 =	simm.s32 @!p0 $0x3  }
0x10e: {  	_ =	swait.ge @!p0 [sflag:s0], s1  }
0x10f: {  	s1 =	ssub.s32 @!p0 $0x0, s1;
	[sflag:s0] =	ssyncset.done @!p0 $0x0  }
0x110: {  	[sflag:s0] =	ssyncadd.s32 @!p0 s1  }
0x111: {  	[bflag:$0x3] =	sbarrier.arrive $0xFFFF  }
0x112: {  	_ =	shalt  }

// kernel: kernel.16.cloned.1.call-start
scs
__scs_entry_jumppad:
0x0: {  	(pc) =	sbr.rel $0x88, $3  }
0x1: {  	(tag) =	ssettag $0x0;
	lr =	simm.s32 $0x1  }
0x2: {  	[smem:$0x3F9D] =	sst lr;
	_ =	strace $0xD0000000  }
0x3: {  	_ = 	snop  }
0x4: {  	_ = 	snop  }
0x5: {  	_ = 	snop  }
0x6: {  	_ = 	snop  }
0x7: {  	_ = 	snop  }
__scs_overlays_trampoline_lowered:
0x8: {  	[smem:$0x3FAC] =	sst s0  }
0x9: {  	[smem:$0x3FAD] =	sst s1  }
0xa: {  	[smem:$0x3FAE] =	sst s2  }
0xb: {  	[smem:$0x3FAF] =	sst s3  }
0xc: {  	[smem:$0x3FB0] =	sst s4  }
0xd: {  	[smem:$0x3FB1] =	sst s5  }
0xe: {  	[smem:$0x3FB2] =	sst s6  }
0xf: {  	[smem:$0x3FB3] =	sst s7  }
0x10: {  	[smem:$0x3FB4] =	sst s8  }
0x11: {  	[smem:$0x3FB5] =	sst s9;
	s0 =	simm.s32 @!p0 $0x0  }
0x12: {  	s1 =	sld [smem:$0x3F9B];
	s0 =	simm.s32 @p0 $0x1  }
0x13: {  	[smem:$0x3FB6] =	sst s0;
	s0 =	simm.s32 @!p1 $0x0  }
0x14: {  	s2 =	sld [smem:$0x3F9A];
	s0 =	simm.s32 @p1 $0x1  }
0x15: {  	[smem:$0x3FB7] =	sst s0;
	s0 =	simm.s32 @!p2 $0x0  }
0x16: {  	s3 =	sld [smem:$0x3FDB];
	s0 =	simm.s32 @p2 $0x1  }
0x17: {  	s4 =	simm.s32 $0x1BF5;
	[smem:$0x3FB9] =	sst s0  }
0x18: {  	s0 =	sld [smem:$0x3F9C];
	_ =	swait.ge [sflag:s4], $0x0  }
0x19: {  	s7 =	sld [smem:$0x3F9D]  }
0x1a: {  	s8 =	sadd.s32 $0xFFFFE003, lr  }
0x1b: {  	s9 =	sadd.s32 $0xFFFFFEF7, lr;
	s5 =	simm.s32 $0xFFFFFFFF;
	p2 =	slt.u32 s8, $0xFFFFF086  }
0x1c: {  	p1 =	slt.u32 s9, $0xF7A;
	s5 =	simm.s32 @!p2 $0x0  }
0x1d: {  	s5 =	simm.s32 @p1 $0x1;
	p0 =	seq.s32 s7, s2  }
0x1e: {  	s7 =	smul.u32 @!p0 $0xF7A, s2;
	p2 =	seq.s32 @!p0 s5, $0x0  }
0x1f: {  	s9 =	smul.u32 $0xF7A, s1;
	s8 =	simm.s32 @!p0 $0x1BF5;
	p2 =	por !p2, p0  }
0x20: {  	[sflag:s8] =	ssyncset.s32 @!p0 $0xFFFFF086;
	s6 =	sadd.s32 @!p0 s3, s7;
	s7 =	simm.s32 @!p0 $0x108  }
0x21: {  	s3 =	sadd.s32 s3, s9;
	s6 =	sadd.s32 @!p0 $0x88, s6;
	s7 =	simm.s32 @p2 $0x1082  }
0x22: {  	[simem:s7], [sflag:s8] =	dma.local @!p0 [hbm:s6], $0xF7A  }
0x23: {  	s9 =	sor.u32 $0xD0000000, s2;
	s6 =	simm.s32 $0x108;
	_ =	swait.ge @!p0 [sflag:s8], $0x0  }
0x24: {  	s3 =	sadd.s32 $0x88, s3;
	s6 =	simm.s32 @!p1 $0x1082;
	[sflag:s4] =	ssyncset.s32 $0xFFFFF086  }
0x25: {  	[simem:s6], [sflag:s4] =	dma.local [hbm:s3], $0xF7A  }
0x26: {  	[smem:$0x3F9D] =	sst s1;
	(tag) =	ssettag s2;
	_ =	strace s9  }
0x27: {  	s1 =	sld [smem:$0x3FAD]  }
0x28: {  	s2 =	sld [smem:$0x3FAE]  }
0x29: {  	s4 =	sld [smem:$0x3FB0]  }
0x2a: {  	p0 =	seq.s32 s5, $0x0;
	s5 =	sld [smem:$0x3FB1]  }
0x2b: {  	s6 =	sld [smem:$0x3FB2]  }
0x2c: {  	s7 =	sld [smem:$0x3FB3]  }
0x2d: {  	s3 =	simm.s32 $0x108;
	s8 =	sld [smem:$0x3FB4]  }
0x2e: {  	s3 =	simm.s32 @!p0 $0x1082;
	s9 =	sld [smem:$0x3FB5]  }
0x2f: {  	lr =	sadd.s32 s0, s3;
	s0 =	sld [smem:$0x3FAC]  }
0x30: {  	s3 =	sld [smem:$0x3FAF]  }
0x31: {  	[smem:$0x3FB8] =	sst s10  }
0x32: {  	s10 =	sld [smem:$0x3FB6];
	_ =	sdelay $0x3  }
0x33: {  	p0 =	seq.s32 s10, $0x1;
	s10 =	sld [smem:$0x3FB8];
	_ =	sdelay $0x3  }
0x34: {  	[smem:$0x3FB8] =	sst s10  }
0x35: {  	s10 =	sld [smem:$0x3FB7];
	_ =	sdelay $0x3  }
0x36: {  	p1 =	seq.s32 s10, $0x1;
	s10 =	sld [smem:$0x3FB8];
	_ =	sdelay $0x3  }
0x37: {  	[smem:$0x3FB8] =	sst s10  }
0x38: {  	s10 =	sld [smem:$0x3FB9]  }
0x39: {  	_ = 	snop;
	(pc) =	sbr.ind lr, $3  }
0x3a: {  	_ = 	snop  }
0x3b: {  	_ = 	snop  }
0x3c: {  	p2 =	seq.s32 s10, $0x1;
	s10 =	sld [smem:$0x3FB8]  }
0x3d: {  	_ =	shalt  }
0x3e: {  	_ =	shalt  }
0x3f: {  	_ =	shalt  }
0x40: {  	_ =	shalt  }
0x41: {  	_ =	shalt  }
0x42: {  	_ =	shalt  }
0x43: {  	_ =	shalt  }
0x44: {  	_ =	shalt  }
0x45: {  	_ =	shalt  }
0x46: {  	_ =	shalt  }
0x47: {  	_ =	shalt  }
0x48: {  	_ =	shalt  }
0x49: {  	_ =	shalt  }
0x4a: {  	_ =	shalt  }
0x4b: {  	_ =	shalt  }
0x4c: {  	_ =	shalt  }
0x4d: {  	_ =	shalt  }
0x4e: {  	_ =	shalt  }
0x4f: {  	_ =	shalt  }
0x50: {  	_ =	shalt  }
0x51: {  	_ =	shalt  }
0x52: {  	_ =	shalt  }
0x53: {  	_ =	shalt  }
0x54: {  	_ =	shalt  }
0x55: {  	_ =	shalt  }
0x56: {  	_ =	shalt  }
0x57: {  	_ =	shalt  }
0x58: {  	_ =	shalt  }
0x59: {  	_ =	shalt  }
0x5a: {  	_ =	shalt  }
0x5b: {  	_ =	shalt  }
0x5c: {  	_ =	shalt  }
0x5d: {  	_ =	shalt  }
0x5e: {  	_ =	shalt  }
0x5f: {  	_ =	shalt  }
0x60: {  	_ =	shalt  }
0x61: {  	_ =	shalt  }
0x62: {  	_ =	shalt  }
0x63: {  	_ =	shalt  }
0x64: {  	_ =	shalt  }
0x65: {  	_ =	shalt  }
0x66: {  	_ =	shalt  }
0x67: {  	_ =	shalt  }
0x68: {  	_ =	shalt  }
0x69: {  	_ =	shalt  }
0x6a: {  	_ =	shalt  }
0x6b: {  	_ =	shalt  }
0x6c: {  	_ =	shalt  }
0x6d: {  	_ =	shalt  }
0x6e: {  	_ =	shalt  }
0x6f: {  	_ =	shalt  }
0x70: {  	_ =	shalt  }
0x71: {  	_ =	shalt  }
0x72: {  	_ =	shalt  }
0x73: {  	_ =	shalt  }
0x74: {  	_ =	shalt  }
0x75: {  	_ =	shalt  }
0x76: {  	_ =	shalt  }
0x77: {  	_ =	shalt  }
0x78: {  	_ =	shalt  }
0x79: {  	_ =	shalt  }
0x7a: {  	_ =	shalt  }
0x7b: {  	_ =	shalt  }
0x7c: {  	_ =	shalt  }
0x7d: {  	_ =	shalt  }
0x7e: {  	_ =	shalt  }
0x7f: {  	_ =	shalt  }
0x80: {  	_ =	shalt  }
0x81: {  	_ =	shalt  }
0x82: {  	_ =	shalt  }
0x83: {  	_ =	shalt  }
0x84: {  	_ =	shalt  }
0x85: {  	_ =	shalt  }
0x86: {  	_ =	shalt  }
0x87: {  	_ =	shalt  }
.Lfunc_end0:
.L_simem_size_0:
called_computation.2_lowered:
.L_overlay_start_0:
0x88: {  	s2 =	sld [smem:$0x3FD9]  }
0x89: {  	s3 =	sld [smem:$0x3FFE];
	_ =	sdelay $0x1  }
0x8a: {  	s1 =	srdreg.scid  }
0x8b: {  	s0 =	sand.u32 $0x1, s1  }
0x8c: {  	s17 =	sshll.u32 s0, $0xA;
	s2 =	sadd.s32 s3, s2  }
0x8d: {  	s2 =	sadd.s32 s2, s17  }
0x8e: {  	[smem:$0x3FC4] =	sst s2  }
0x8f: {  	_ = 	snop  }
0x90: {  	s2 =	sld [smem:$0x3FD0];
	(tm) =	ssettm $0x1  }
0x91: {  	s18 =	sld [smem:$0x3FFB];
	_ =	sdelay $0x3  }
0x92: {  	_ =	strace s18  }
0x93: {  	s3 =	sld [smem:$0x3FFC];
	_ =	sdelay $0x3  }
0x94: {  	_ =	strace s3  }
0x95: {  	s3 =	sld [smem:$0x3FFD];
	_ =	sdelay $0x3  }
0x96: {  	_ =	strace s3  }
0x97: {  	_ =	strace $0x8FFFFFFF  }
0x98: {  	s19 =	sld [smem:$0x3FDB];
	_ =	sdelay $0x1  }
0x99: {  	s4 =	simm.s32 $_scs_section_size  }
0x9a: {  	s5 =	simm.s32 $_size__tile_overlayer_lowered;
	s6 =	simm.s32 $_tile_overlayer_lowered  }
0x9b: {  	s22 =	simm.s32 $0x1BFF;
	s21 =	sshll.u32 s6, $0x1;
	s3 =	sadd.s32 s4, s19  }
0x9c: {  	s7 =	simm.s32 $0x0;
	s20 =	sshll.u32 s5, $0x1;
	s5 =	sadd.s32 s21, s3  }
0x9d: {  	[timem:s7], [sflag:s22] =	dma.local [hbm:s5], s20  }
0x9e: {  	_ =	swait.ge [sflag:s22], s20  }
0x9f: {  	s4 =	ssub.s32 $0x0, s20;
	[sflag:s22] =	ssyncset.done $0x0  }
0xa0: {  	[sflag:s22] =	ssyncadd.s32 s4;
	_ =	sdelay $0x1  }
0xa1: {  	s23 =	simm.s32 $0x1B8B  }
0xa2: {  	_ =	swait.ge [sflag:s23], $0x1  }
0xa3: {  	[sflag:s23] =	ssyncset.done $0x0  }
0xa4: {  	s25 =	simm.s32 $0x1B8E;
	s24 =	sld [smem:$0x3FFE];
	[sflag:s23] =	ssyncadd.s32 $0xFFFFFFFF  }
0xa5: {  	s26 =	simm.s32 $execute0_lowered;
	[smem:$0x3FD2] =	sst s25  }
0xa6: {  	s5 =	sshll.u32 s26, $0x1;
	_ =	strace $0x8000004C;
	[dreg:$0x1] =	wrdreg $0xFFFFFFFF  }
0xa7: {  	s28 =	simm.s32 $_size_execute0_lowered;
	s3 =	sadd.s32 s3, s5;
	[dreg:$0x0] =	wrdreg $0x0  }
0xa8: {  	s5 =	sshll.u32 s28, $0x1;
	[dreg:$0x2] =	wrdreg s3  }
0xa9: {  	[dreg:$0x3] =	wrdreg s5  }
0xaa: {  	[dreg:$0x4] =	wrdreg $0xC0  }
0xab: {  	_ =	task [dreg:s7], $0x5FFFF  }
0xac: {  	[dreg:$0x1] =	wrdreg $0xFFFFFFFF  }
0xad: {  	[dreg:$0x0] =	wrdreg $0x60  }
0xae: {  	[dreg:$0x2] =	wrdreg s2  }
0xaf: {  	[dreg:$0x3] =	wrdreg s24  }
0xb0: {  	[dreg:$0x4] =	wrdreg $0xD0000  }
0xb1: {  	[dreg:$0x5] =	wrdreg $0x9  }
0xb2: {  	_ =	task.clear_ibuf [dreg:s7], $0x6FFFF;
	_ =	strace $0x9000004C  }
0xb3: {  	s29 =	simm.s32 $0x9;
	_ =	strace $0x8000004E  }
0xb4: {  	_ =	swait.ge [sflag:s29], $0x1  }
0xb5: {  	[sflag:s29] =	ssyncadd.s32 $0xFFFFFFFF  }
0xb6: {  	_ =	strace $0x9000004E  }
0xb7: {  	_ =	sfence  }
0xb8: {  	s30 =	sld [smem:$0x0];
	_ =	sdelay $0x2  }
0xb9: {  	s31 =	sshll.u32 s1, $0xD;
	s1 =	sshrl.u32 s1, $0x2  }
0xba: {  	s3 =	sand.u32 $0x4000, s31;
	s1 =	sadd.s32 s1, s30  }
0xbb: {  	s0 =	sor.u32 s3, s0;
	s1 =	sshll.u32 s1, $0x11  }
0xbc: {  	s0 =	sor.u32 s1, s0  }
0xbd: {  	s0 =	sadd.s32 $0x8F2B, s0  }
0xbe: {  	[sflag:s0] =	ssyncadd.remote.s32 $0x1  }
0xbf: {  	_ =	sfence.sel $0xFFFF  }
0xc0: {  	[dreg:$0x0] =	wrdreg $0xFFFFFFFF;
	(pc) =	sbr.abs _section_cstart, $3  }
0xc1: {  	[dreg:$0x1] =	wrdreg $0xFFFFFFFF  }
0xc2: {  	_ =	task.clear_ibuf [dreg:s7], $0x2FFFF;
	_ =	strace $0x9FFFFFFF  }
0xc3: {  	(tm) =	ssettm $0x7FFFFFFF  }
tec
execute0_lowered:
.L_overlay_start_1:
0x0: {  	(tag) =	ssettag $0x1  }
0x1: {  	s2 =	rddreg [dreg:$0x0]  }
0x2: {  	s0 =	rddreg [dreg:$0x1]  }
0x3: {  	s4 =	srdreg.scid;
	s3 =	rddreg [dreg:$0x2]  }
0x4: {  	s1 =	stileid.u32;
	s19 =	simm.s32 $0x3;
	s21 =	simm.s32 $0x100  }
0x5: {  	s22 =	simm.s32 $0x5000;
	s23 =	simm.s32 $0x9000;
	s24 =	simm.s32 $0x1  }
0x6: {  	s25 =	simm.s32 $0x2;
	s26 =	simm.s32 $0x2700;
	s29 =	simm.s32 $0x4F00  }
0x7: {  	s30 =	simm.s32 $0x0;
	s7 =	sand.u32 $0x1, s4;
	s8 =	smul.u32 $0xA000, s1  }
0x8: {  	s4 =	simm.s32 $0x0;
	p1 =	sne.s32 s1, $0xF;
	p2 =	seq.s32 s1, $0xF  }
0x9: {  	s9 =	smul.u32 $0x28000, s1;
	s15 =	sadd.s32 $0x96000, s3;
	s16 =	sadd.s32 $0x9C400, s3  }
0xa: {  	s5 =	sshll.u32 s7, $0x4;
	s6 =	smul.u32 $0xA0000, s7;
	[smem:$0x7FF] =	sst s4  }
0xb: {  	s28 =	ssub.s32 $0x2, s7;
	p0 =	seq.s32 s7, $0x0;
	s5 =	sor.u32 s1, s5  }
0xc: {  	_ =	strace $0x8000004D;
	s11 =	sshrl.u32 s28, $0x1;
	p1 =	por !p0, !p1  }
0xd: {  	p2 =	por !p0, !p2;
	s9 =	sshrl.u32 s9, $0x2;
	s31 =	sshrl.u32 s8, $0x3  }
0xe: {  	s5 =	smul.u32 $0x500, s5;
	s6 =	sadd.s32 s8, s6;
	p0 =	por !p1, !p1  }
0xf: {  	p2 =	por !p2, !p2;
	s12 =	ssub.s32 s28, s11;
	s14 =	sadd.s32 s9, s3  }
0x10: {  	s6 =	sshrl.u32 s6, $0x3;
	p1 =	por p2, p0;
	s12 =	smax.u32 s12, $0x1  }
0x11: {  	s10 =	sadd.s32 s5, s0;
	s5 =	sadd.s32 $0x67200, s0;
	s0 =	sadd.s32 s6, s0  }
0x12: {  	s6 =	sadd.s32 $0x12C00, s2;
	p1 =	seq.s32 @!p1 s7, $0x0;
	s7 =	sadd.s32 s8, s3  }
0x13: {  	s8 =	sadd.s32 s2, s31;
	p1 =	por @!p0 p1, p2;
	s9 =	sadd.s32 $0x36000, s10  }
0x14: {  	s10 =	sadd.s32 $0x2E00, s10;
	s11 =	sadd.s32 $0xCE00, s0;
	p2 =	por !p2, p0  }
0x15: {  	s0 =	sshll.u32 @p0 s1, $0x6;
	s18 =	sshrl.u32 @p0 s7, $0x3;
	p1 =	por p1, p0  }
0x16: {  	s15 =	sshrl.u32 @!p2 s15, $0x3;
	s16 =	sshrl.u32 @!p2 s16, $0x3;
	s13 =	sshll.u32 @!p1 s1, $0x6  }
0x17: {  	s17 =	sor.u32 @p0 $0x1C03, s0;
	s14 =	sshrl.u32 @!p1 s14, $0x3;
	s13 =	sor.u32 @!p1 $0x1C03, s13  }
.LBB2_1:
0x18: {  	[spmem:s14], [sflag:s13] =	dma.local @!p1 [hbm:s5], $0x1400  }
0x19: {  	s0 =	simm.s32 @!p1 $0x3  }
0x1a: {  	_ =	swait.ge @!p1 [sflag:s0], $0x1400  }
0x1b: {  	[sflag:s0] =	ssyncset.done @!p1 $0x0  }
0x1c: {  	s31 =	simm.s32 @!p2 $0x3;
	[sflag:s0] =	ssyncadd.s32 @!p1 $0xFFFFEC00;
	s0 =	simm.s32 @!p2 $0x1FC3  }
0x1d: {  	[spmem:s15], [sflag:s0] =	dma.local @!p2 [hbm:s6], $0xC80  }
0x1e: {  	_ =	swait.ge @!p2 [sflag:s31], $0xC80  }
0x1f: {  	[sflag:s31] =	ssyncset.done @!p2 $0x0  }
0x20: {  	[sflag:s31] =	ssyncadd.s32 @!p2 $0xFFFFF380  }
0x21: {  	[spmem:s16], [sflag:s0] =	dma.local @!p2 [hbm:s5], $0x780  }
0x22: {  	_ =	swait.ge @!p2 [sflag:s31], $0x780  }
0x23: {  	[sflag:s31] =	ssyncset.done @!p2 $0x0  }
0x24: {  	s0 =	simm.s32 @p0 $0x3;
	[sflag:s31] =	ssyncadd.s32 @!p2 $0xFFFFF880  }
0x25: {  	[spmem:s18], [sflag:s17] =	dma.local @p0 [hbm:s8], $0x1400  }
0x26: {  	_ =	swait.ge @p0 [sflag:s0], $0x1400  }
0x27: {  	[sflag:s0] =	ssyncset.done @p0 $0x0  }
0x28: {  	[sflag:s0] =	ssyncadd.s32 @p0 $0xFFFFEC00  }
0x29: {  	[tilespmem:s4], [sflag:$0x3] =	stream.linear.gather [hbm4b:s9+s4], $0x2800, $0x38;
	[tilespmem:$0x17000] =	vst v63  }
0x2a: {  	_ =	swait.ge [sflag:s19], $0x2800  }
0x2b: {  	[sflag:s19] =	ssyncset.done $0x0  }
0x2c: {  	s20 =	simm.s32 $0x2800;
	[sflag:s19] =	ssyncadd.s32 $0xFFFFD800  }
0x2d: {  	[tilespmem:s20], [sflag:$0x3] =	stream.linear.gather [hbm4b:s10+s4], $0x2800, $0x38;
	[tilespmem:$0x17000] =	vst v63  }
0x2e: {  	_ =	swait.ge [sflag:s19], $0x2800  }
0x2f: {  	[sflag:s19] =	ssyncset.done $0x0  }
0x30: {  	[sflag:s19] =	ssyncadd.s32 $0xFFFFD800  }
0x31: {  	[bflag:$0x0] =	sbarrier.arrive $0xFFFF  }
0x32: {  	[tilespmem:s22], [sflag:$0x1] =	stream.indirect.gather [hbm4b:s2+s21], $0x40, s4, s21, $0xb8;
	[tilespmem:$0x17000] =	vst v63  }
0x33: {  	s28 =	simm.s32 $0x100  }
0x34: {  	[tilespmem:s23], [sflag:$0x2] =	stream.indirect.gather [hbm4b:s2+s21], $0x40, s28, s21, $0xb8;
	[tilespmem:$0x17000] =	vst v63  }
0x35: {  	_ =	swait.ge [sflag:s24], $0x4000  }
0x36: {  	[sflag:s24] =	ssyncset.done $0x0  }
0x37: {  	s1 =	simm.s32 $0x2800;
	[sflag:s24] =	ssyncadd.s32 $0xFFFFC000  }
0x38: {  	[spmem:s3] =	stream.indirect.scatter.add.f32 [tilespmem:s22], [sflag:$0x3], $0x40, s1, s21, $0xb8;
	[tilespmem:$0x17000] =	vst v63  }
0x39: {  	_ =	swait.ge [sflag:s19], $0x4000  }
0x3a: {  	[sflag:s19] =	ssyncset.done $0x0  }
0x3b: {  	s20 =	simm.s32 $0x200;
	[sflag:s19] =	ssyncadd.s32 $0xFFFFC000  }
0x3c: {  	[tilespmem:s22], [sflag:$0x1] =	stream.indirect.gather [hbm4b:s2+s21], $0x40, s20, s21, $0xb8;
	[tilespmem:$0x17000] =	vst v63  }
0x3d: {  	_ =	swait.ge [sflag:s25], $0x4000  }
0x3e: {  	[sflag:s25] =	ssyncset.done $0x0  }
0x3f: {  	s28 =	simm.s32 $0x2900;
	[sflag:s25] =	ssyncadd.s32 $0xFFFFC000  }
0x40: {  	[spmem:s3] =	stream.indirect.scatter.add.f32 [tilespmem:s23], [sflag:$0x3], $0x40, s28, s21, $0xb8;
	[tilespmem:$0x17000] =	vst v63  }
0x41: {  	_ =	swait.ge [sflag:s19], $0x4000  }
0x42: {  	s31 =	simm.s32 $0x200;
	s0 =	simm.s32 $0x1000;
	[sflag:s19] =	ssyncset.done $0x0  }
.LBB2_2:
0x43: {  	s1 =	sadd.s32 $0x100, s31  }
0x44: {  	[sflag:s19] =	ssyncadd.s32 $0xFFFFC000;
	s20 =	smov.u32 s0;
	s28 =	sadd.s32 $0x800, s0  }
0x45: {  	[tilespmem:s23], [sflag:$0x2] =	stream.indirect.gather [hbm4b:s2+s21], $0x40, s1, s21, $0xb8;
	[tilespmem:$0x17000] =	vst v63  }
0x46: {  	p3 =	sne.s32 s0, $0x9000;
	_ =	swait.ge [sflag:s24], $0x4000  }
0x47: {  	[sflag:s24] =	ssyncset.done $0x0  }
0x48: {  	s0 =	sadd.s32 $0x2800, s31;
	[sflag:s24] =	ssyncadd.s32 $0xFFFFC000  }
0x49: {  	[spmem:s3] =	stream.indirect.scatter.add.f32 [tilespmem:s22], [sflag:$0x3], $0x40, s0, s21, $0xb8;
	[tilespmem:$0x17000] =	vst v63  }
0x4a: {  	_ =	swait.ge [sflag:s19], $0x4000  }
0x4b: {  	[sflag:s19] =	ssyncset.done $0x0  }
0x4c: {  	s0 =	sadd.s32 $0x200, s31;
	[sflag:s19] =	ssyncadd.s32 $0xFFFFC000  }
0x4d: {  	[tilespmem:s22], [sflag:$0x1] =	stream.indirect.gather [hbm4b:s2+s21], $0x40, s0, s21, $0xb8;
	[tilespmem:$0x17000] =	vst v63  }
0x4e: {  	_ =	swait.ge [sflag:s25], $0x4000  }
.Ltmp0:
0x4f: {  	[sflag:s25] =	ssyncset.done $0x0;
	(pc) =	sbr.rel @p3 .LBB2_2-.Ltmp0, $4  }
0x50: {  	s0 =	sadd.s32 $0x2900, s31;
	[sflag:s25] =	ssyncadd.s32 $0xFFFFC000  }
0x51: {  	[spmem:s3] =	stream.indirect.scatter.add.f32 [tilespmem:s23], [sflag:$0x3], $0x40, s0, s21, $0xb8;
	[tilespmem:$0x17000] =	vst v63  }
0x52: {  	_ =	swait.ge [sflag:s19], $0x4000  }
0x53: {  	s31 =	sshra.s32 s20, $0x2;
	s0 =	smov.u32 s28;
	[sflag:s19] =	ssyncset.done $0x0  }
0x54: {  	s0 =	sadd.s32 $0x100, s31;
	[sflag:s19] =	ssyncadd.s32 $0xFFFFC000  }
0x55: {  	[tilespmem:s23], [sflag:$0x2] =	stream.indirect.gather [hbm4b:s2+s21], $0x40, s0, s21, $0xb8;
	[tilespmem:$0x17000] =	vst v63  }
0x56: {  	_ =	swait.ge [sflag:s24], $0x4000  }
0x57: {  	[sflag:s24] =	ssyncset.done $0x0  }
0x58: {  	s28 =	sadd.s32 $0x2800, s31;
	[sflag:s24] =	ssyncadd.s32 $0xFFFFC000  }
0x59: {  	[spmem:s3] =	stream.indirect.scatter.add.f32 [tilespmem:s22], [sflag:$0x3], $0x40, s28, s21, $0xb8;
	[tilespmem:$0x17000] =	vst v63  }
0x5a: {  	_ =	swait.ge [sflag:s19], $0x4000  }
0x5b: {  	[sflag:s19] =	ssyncset.done $0x0  }
0x5c: {  	s1 =	sadd.s32 $0x200, s31;
	[sflag:s19] =	ssyncadd.s32 $0xFFFFC000  }
0x5d: {  	[tilespmem:s22], [sflag:$0x1] =	stream.indirect.gather [hbm4b:s2+s21], $0x40, s1, s21, $0xb8;
	[tilespmem:$0x17000] =	vst v63  }
0x5e: {  	_ =	swait.ge [sflag:s25], $0x4000  }
0x5f: {  	[sflag:s25] =	ssyncset.done $0x0  }
0x60: {  	s20 =	sadd.s32 $0x2900, s31;
	[sflag:s25] =	ssyncadd.s32 $0xFFFFC000  }
0x61: {  	[spmem:s3] =	stream.indirect.scatter.add.f32 [tilespmem:s23], [sflag:$0x3], $0x40, s20, s21, $0xb8;
	[tilespmem:$0x17000] =	vst v63  }
0x62: {  	_ =	swait.ge [sflag:s19], $0x4000  }
0x63: {  	[sflag:s19] =	ssyncset.done $0x0  }
0x64: {  	[sflag:s19] =	ssyncadd.s32 $0xFFFFC000  }
0x65: {  	[tilespmem:s23], [sflag:$0x2] =	stream.indirect.gather [hbm4b:s2+s21], $0x40, s26, s21, $0xb8;
	[tilespmem:$0x17000] =	vst v63  }
0x66: {  	_ =	swait.ge [sflag:s24], $0x4000  }
0x67: {  	[sflag:s24] =	ssyncset.done $0x0  }
0x68: {  	s28 =	simm.s32 $0x4E00;
	[sflag:s24] =	ssyncadd.s32 $0xFFFFC000  }
0x69: {  	[spmem:s3] =	stream.indirect.scatter.add.f32 [tilespmem:s22], [sflag:$0x3], $0x40, s28, s21, $0xb8;
	[tilespmem:$0x17000] =	vst v63  }
0x6a: {  	_ =	swait.ge [sflag:s19], $0x4000  }
0x6b: {  	[sflag:s19] =	ssyncset.done $0x0  }
0x6c: {  	[sflag:s19] =	ssyncadd.s32 $0xFFFFC000  }
0x6d: {  	[tilespmem:s22], [sflag:$0x1] =	stream.indirect.gather [hbm4b:s2+s21], $0x40, s26, s21, $0xb8;
	[tilespmem:$0x17000] =	vst v63  }
0x6e: {  	_ =	swait.ge [sflag:s25], $0x4000  }
0x6f: {  	[sflag:s25] =	ssyncset.done $0x0  }
0x70: {  	[sflag:s25] =	ssyncadd.s32 $0xFFFFC000  }
0x71: {  	[spmem:s3] =	stream.indirect.scatter.add.f32 [tilespmem:s23], [sflag:$0x3], $0x40, s29, s21, $0xb8;
	[tilespmem:$0x17000] =	vst v63  }
0x72: {  	_ =	swait.ge [sflag:s19], $0x4000  }
0x73: {  	[sflag:s19] =	ssyncset.done $0x0  }
0x74: {  	[sflag:s19] =	ssyncadd.s32 $0xFFFFC000  }
0x75: {  	s31 =	stileid.u32;
	_ =	swait.ge [sflag:s24], $0x4000  }
0x76: {  	s30 =	sadd.s32 $0x1, s30;
	s0 =	sshll.u32 s31, $0x6;
	[sflag:s24] =	ssyncset.done $0x0  }
0x77: {  	p3 =	sne.s32 s30, s12;
	s0 =	sor.u32 $0x1C03, s0;
	[sflag:s24] =	ssyncadd.s32 $0xFFFFC000  }
.Ltmp1:
0x78: {  	s1 =	sshrl.u32 s7, $0x3;
	[bflag:$0x0] =	sbarrier.arrive $0xFFFF;
	(pc) =	sbr.rel @p3 .LBB2_1-.Ltmp1, $4  }
0x79: {  	[hbm:s11], [sflag:s0] =	dma.local [spmem:s1], $0x1400  }
0x7a: {  	_ =	swait.ge [sflag:s19], $0x1400  }
0x7b: {  	[sflag:s19] =	ssyncset.done $0x0  }
0x7c: {  	[sflag:s19] =	ssyncadd.s32 $0xFFFFEC00  }
0x7d: {  	_ =	sfence.sel $0x180000  }
0x7e: {  	[bflag:$0x0] =	sbarrier.arrive $0xFFFF  }
0x7f: {  	_ =	strace $0x9000004D  }
0x80: {  	s0 =	stileid.u32;
	[bflag:$0x2] =	sbarrier.arrive $0xFFFF  }
0x81: {  	p0 =	sne.s32 s0, $0x0;
	s0 =	rddreg [dreg:$0x3]  }
0x82: {  	s0 =	sadd.s32 @!p0 $0x100000, s0  }
0x83: {  	[sflag:s0] =	ssyncadd.tile.s32 @!p0 $0x1;
	_ =	shalt  }
.Lfunc_end2:
_tile_overlayer_lowered:
.L_overlay_start_2:
0x84: {  	(tag) =	ssettag $0x2  }
0x85: {  	s0 =	rddreg [dreg:$0x0];
	s2 =	stileid.u32  }
0x86: {  	s1 =	rddreg [dreg:$0x1];
	p0 =	sne.s32 s2, $0x0  }
0x87: {  	s3 =	rddreg [dreg:$0x2];
	[bflag:$0x3] =	sbarrier.arrive $0xFFFF;
	s2 =	simm.s32 @!p0 $0x1C03  }
0x88: {  	[timem:s3], [sflag:s2] =	dma.local @!p0 [hbm:s0], s1  }
0x89: {  	s0 =	simm.s32 @!p0 $0x3  }
0x8a: {  	_ =	swait.ge @!p0 [sflag:s0], s1  }
0x8b: {  	s1 =	ssub.s32 @!p0 $0x0, s1;
	[sflag:s0] =	ssyncset.done @!p0 $0x0  }
0x8c: {  	[sflag:s0] =	ssyncadd.s32 @!p0 s1  }
0x8d: {  	[bflag:$0x3] =	sbarrier.arrive $0xFFFF  }
0x8e: {  	_ =	shalt  }

</sc_bundles>
